<compile_context>
chip_gen: v7x
topology: tpu7x:2x2x1
jax: 0.10.2.dev20260603
libtpu: 0.0.44.dev20260713+nightly
codegen_flags: <defaults>
</compile_context>

<pallas_src>
import functools

import jax
import jax.numpy as jnp
from jax import lax
from jax.experimental import pallas as pl
from jax.experimental.pallas import tpu as pltpu
from jax.experimental.pallas import tpu_sc as plsc

_EMBED_DIM = 128
_RULES_SIZE = 1000
_ROWS_PER_TILE = 40
_NUM_ACTIVE = _RULES_SIZE // _ROWS_PER_TILE
_LANES = 16

_mesh = plsc.VectorSubcoreMesh(core_axis_name="c", subcore_axis_name="s")


@functools.partial(
    pl.kernel,
    out_type=jax.ShapeDtypeStruct((_RULES_SIZE,), jnp.float32),
    mesh=_mesh,
    scratch_types=[
        pltpu.VMEM((1,), jnp.int32),
        pltpu.VMEM((1, _EMBED_DIM), jnp.float32),
        pltpu.VMEM((_ROWS_PER_TILE, _EMBED_DIM), jnp.float32),
        pltpu.VMEM((48,), jnp.float32),
        pltpu.VMEM((48,), jnp.float32),
        pltpu.SemaphoreType.DMA,
    ],
    compiler_params=pltpu.CompilerParams(needs_layout_passes=False),
)
def _sc_kernel(ident_hbm, table_hbm, wt_hbm, b_hbm, out_hbm,
               idx_v, row_v, wt_v, b_v, out_v, sem):
    wid = lax.axis_index("s") * 2 + lax.axis_index("c")

    @pl.when(wid < _NUM_ACTIVE)
    def _():
        base = wid * _ROWS_PER_TILE
        pltpu.sync_copy(ident_hbm, idx_v)
        gather = pltpu.async_copy(table_hbm.at[idx_v], row_v, sem)
        pltpu.sync_copy(wt_hbm.at[pl.ds(base, _ROWS_PER_TILE), :], wt_v)
        pltpu.sync_copy(b_hbm.at[pl.ds(base, _ROWS_PER_TILE)],
                        b_v.at[pl.ds(0, _ROWS_PER_TILE)])
        gather.wait()

        row = [row_v[0, pl.ds(_LANES * k, _LANES)]
               for k in range(_EMBED_DIM // _LANES)]
        lane = lax.iota(jnp.int32, _LANES)
        for c in range(_ROWS_PER_TILE // _LANES + 1):
            jmax = min(_LANES, _ROWS_PER_TILE - c * _LANES)
            if jmax <= 0:
                break
            acc = jnp.zeros((_LANES,), jnp.float32)
            for jj in range(jmax):
                j = c * _LANES + jj
                prod = row[0] * wt_v[j, pl.ds(0, _LANES)]
                for k in range(1, _EMBED_DIM // _LANES):
                    prod = prod + row[k] * wt_v[j, pl.ds(_LANES * k, _LANES)]
                sj = lax.reduce_sum_p.bind(prod, axes=(0,))
                acc = jnp.where(lane == jj, sj, acc)
            res = jnp.maximum(acc + b_v[pl.ds(c * _LANES, _LANES)], 0.0)
            out_v[pl.ds(c * _LANES, _LANES)] = res
        pltpu.sync_copy(out_v.at[pl.ds(0, _ROWS_PER_TILE)],
                        out_hbm.at[pl.ds(base, _ROWS_PER_TILE)])


def kernel(ident, table, W, b):
    ident = ident.astype(jnp.int32)
    return _sc_kernel(ident, table, W.T, b).reshape(1, _RULES_SIZE)

# --- scband reference (transcript-rebuilt; emitter-appended) ---
"""Pipeline reference for scband-root-ident-modeler-28965259444227 (READ-ONLY COPY).

The authoritative reference and input builder live on the scoring server;
editing this copy changes nothing except your own understanding.
"""

import jax, jax.numpy as jnp
import numpy as np

IDENT_SIZE = 1000000
EMBED_DIM = 128
RULES_SIZE = 1000

def setup_inputs(seed: int = 0) -> dict:
    key = jax.random.key(seed)
    k_ident, k_table, k_w, k_b = jax.random.split(key, 4)
    ident = jax.random.randint(k_ident, (1,), 0, IDENT_SIZE, dtype=jnp.int64 if jax.config.jax_enable_x64 else jnp.int32)
    table = jax.random.normal(k_table, (IDENT_SIZE, EMBED_DIM), dtype=jnp.float32)
    W = jax.random.normal(k_w, (EMBED_DIM, RULES_SIZE), dtype=jnp.float32) * (1.0 / np.sqrt(EMBED_DIM))
    b = jax.random.normal(k_b, (RULES_SIZE,), dtype=jnp.float32) * 0.01
    return {"ident": ident, "table": table, "W": W, "b": b}

def reference(ident, table, W, b):
    # nn.Embedding lookup -> gather rows from table
    embeds = jnp.take(table, ident, axis=0).reshape((1, -1))  # [1, EMBED_DIM]
    # nn.Linear + relu
    out = jax.nn.relu(embeds @ W + b)  # [1, RULES_SIZE]
    return out

if __name__ == "__main__":
    import jax
    _d = setup_inputs()
    print(jax.jit(kernel)(*tuple(_d.values())))

</pallas_src>

<mosaic_0001>
#map = affine_map<(d0, d1) -> (0)>
#map1 = affine_map<(d0, d1) -> (0, 0)>
module attributes {stable_mosaic.version = 14 : i64} {
  func.func @_sc_kernel(%arg0: i32, %arg1: i32, %arg2: memref<1xi32, #tpu.memory_space<hbm>>, %arg3: memref<1000000x128xf32, #tpu.memory_space<hbm>>, %arg4: memref<1000x128xf32, #tpu.memory_space<hbm>>, %arg5: memref<1000xf32, #tpu.memory_space<hbm>>, %arg6: memref<1000xf32, #tpu.memory_space<hbm>>, %arg7: memref<1xi32, #tpu.memory_space<vmem>>, %arg8: memref<1x128xf32, #tpu.memory_space<vmem>>, %arg9: memref<40x128xf32, #tpu.memory_space<vmem>>, %arg10: memref<48xf32, #tpu.memory_space<vmem>>, %arg11: memref<48xf32, #tpu.memory_space<vmem>>, %arg12: memref<!tpu.dma_semaphore, #tpu.memory_space<semaphore_mem>>) attributes {dimension_semantics = [#tpu.dimension_semantics<core_parallel>, #tpu.dimension_semantics<subcore_parallel>], iteration_bounds = array<i64: 2, 16>, scalar_prefetch = 0 : i64, scratch_operands = 6 : i64, tpu.core_type = #tpu.core_type<sc_vector_subcore>, window_params = [{transform_indices = #map}, {transform_indices = #map1}, {transform_indices = #map1}, {transform_indices = #map}, {transform_indices = #map}]} {
    %mul3A = arith.constant 2 : i32
    %mul3A_0 = arith.muli %arg1, %mul3A : i32
    %add3A = arith.addi %mul3A_0, %arg0 : i32
    %lt3A = arith.constant 25 : i32
    %lt3A_1 = arith.cmpi slt, %add3A, %lt3A : i32
    %convert_element_type3A = arith.extui %lt3A_1 : i1 to i32
    %cond3A = arith.constant 0 : i32
    %cond3A_2 = arith.cmpi ne, %convert_element_type3A, %cond3A : i32
    scf.if %cond3A_2 {
      %mul3A_3 = arith.constant 40 : i32
      %mul3A_4 = arith.muli %add3A, %mul3A_3 : i32
      "tpu.region"() ({
        %run_scoped3A = tpu.sem_alloc : memref<!tpu.dma_semaphore, #tpu.memory_space<semaphore_mem>>
        tpu.enqueue_dma source(%arg2 : memref<1xi32, #tpu.memory_space<hbm>>) target(%arg7 : memref<1xi32, #tpu.memory_space<vmem>>) target_semaphore(%run_scoped3A : memref<!tpu.dma_semaphore, #tpu.memory_space<semaphore_mem>>)
        tpu.wait_dma2 semaphore(%run_scoped3A : memref<!tpu.dma_semaphore, #tpu.memory_space<semaphore_mem>>) src(%arg2 : memref<1xi32, #tpu.memory_space<hbm>>) dst(%arg7 : memref<1xi32, #tpu.memory_space<vmem>>)
        tpu.yield
      }) : () -> ()
      %dma_start3A = arith.constant 0 : i32
      %dma_start3A_5 = arith.constant 0 : i32
      %dma_start3A_6 = tpu.memref_slice %arg3[%dma_start3A, %dma_start3A_5] : memref<1000000x128xf32, #tpu.memory_space<hbm>> -> memref<1000000x128xf32, #tpu.memory_space<hbm>>
      tpu.enqueue_indirect_dma source(%dma_start3A_6 : memref<1000000x128xf32, #tpu.memory_space<hbm>>) target(%arg8 : memref<1x128xf32, #tpu.memory_space<vmem>>) offsets(%arg7 : memref<1xi32, #tpu.memory_space<vmem>>) semaphore(%arg12 : memref<!tpu.dma_semaphore, #tpu.memory_space<semaphore_mem>>)
      "tpu.region"() ({
        %run_scoped3A = tpu.sem_alloc : memref<!tpu.dma_semaphore, #tpu.memory_space<semaphore_mem>>
        %dma_start3A_2304 = arith.constant 0 : i32
        %dma_start3A_2305 = tpu.memref_slice %arg4[%mul3A_4, %dma_start3A_2304] : memref<1000x128xf32, #tpu.memory_space<hbm>> -> memref<40x128xf32, #tpu.memory_space<hbm>>
        %dma_start3A_2306 = arith.constant 0 : i32
        %dma_start3A_2307 = tpu.memref_slice %arg4[%mul3A_4, %dma_start3A_2306] : memref<1000x128xf32, #tpu.memory_space<hbm>> -> memref<40x128xf32, #tpu.memory_space<hbm>>
        tpu.enqueue_dma source(%dma_start3A_2307 : memref<40x128xf32, #tpu.memory_space<hbm>>) target(%arg9 : memref<40x128xf32, #tpu.memory_space<vmem>>) target_semaphore(%run_scoped3A : memref<!tpu.dma_semaphore, #tpu.memory_space<semaphore_mem>>)
        %dma_wait3A_2308 = arith.constant 0 : i32
        %dma_wait3A_2309 = tpu.memref_slice %arg4[%mul3A_4, %dma_wait3A_2308] : memref<1000x128xf32, #tpu.memory_space<hbm>> -> memref<40x128xf32, #tpu.memory_space<hbm>>
        %dma_wait3A_2310 = arith.constant 0 : i32
        %dma_wait3A_2311 = tpu.memref_slice %arg4[%mul3A_4, %dma_wait3A_2310] : memref<1000x128xf32, #tpu.memory_space<hbm>> -> memref<40x128xf32, #tpu.memory_space<hbm>>
        tpu.wait_dma2 semaphore(%run_scoped3A : memref<!tpu.dma_semaphore, #tpu.memory_space<semaphore_mem>>) src(%dma_wait3A_2311 : memref<40x128xf32, #tpu.memory_space<hbm>>) dst(%arg9 : memref<40x128xf32, #tpu.memory_space<vmem>>)
        tpu.yield
      }) : () -> ()
      "tpu.region"() ({
        %run_scoped3A = tpu.sem_alloc : memref<!tpu.dma_semaphore, #tpu.memory_space<semaphore_mem>>
        %dma_start3A_2304 = arith.constant 0 : i32
        %dma_start3A_2305 = tpu.memref_slice %arg10[%dma_start3A_2304] : memref<48xf32, #tpu.memory_space<vmem>> -> memref<40xf32, #tpu.memory_space<vmem>>
        %dma_start3A_2306 = tpu.memref_slice %arg5[%mul3A_4] : memref<1000xf32, #tpu.memory_space<hbm>> -> memref<40xf32, #tpu.memory_space<hbm>>
        %dma_start3A_2307 = arith.constant 0 : i32
        %dma_start3A_2308 = tpu.memref_slice %arg10[%dma_start3A_2307] : memref<48xf32, #tpu.memory_space<vmem>> -> memref<40xf32, #tpu.memory_space<vmem>>
        %dma_start3A_2309 = tpu.memref_slice %arg5[%mul3A_4] : memref<1000xf32, #tpu.memory_space<hbm>> -> memref<40xf32, #tpu.memory_space<hbm>>
        tpu.enqueue_dma source(%dma_start3A_2309 : memref<40xf32, #tpu.memory_space<hbm>>) target(%dma_start3A_2308 : memref<40xf32, #tpu.memory_space<vmem>>) target_semaphore(%run_scoped3A : memref<!tpu.dma_semaphore, #tpu.memory_space<semaphore_mem>>)
        %dma_wait3A_2310 = arith.constant 0 : i32
        %dma_wait3A_2311 = tpu.memref_slice %arg10[%dma_wait3A_2310] : memref<48xf32, #tpu.memory_space<vmem>> -> memref<40xf32, #tpu.memory_space<vmem>>
        %dma_wait3A_2312 = tpu.memref_slice %arg5[%mul3A_4] : memref<1000xf32, #tpu.memory_space<hbm>> -> memref<40xf32, #tpu.memory_space<hbm>>
        %dma_wait3A_2313 = arith.constant 0 : i32
        %dma_wait3A_2314 = tpu.memref_slice %arg10[%dma_wait3A_2313] : memref<48xf32, #tpu.memory_space<vmem>> -> memref<40xf32, #tpu.memory_space<vmem>>
        %dma_wait3A_2315 = tpu.memref_slice %arg5[%mul3A_4] : memref<1000xf32, #tpu.memory_space<hbm>> -> memref<40xf32, #tpu.memory_space<hbm>>
        tpu.wait_dma2 semaphore(%run_scoped3A : memref<!tpu.dma_semaphore, #tpu.memory_space<semaphore_mem>>) src(%dma_wait3A_2315 : memref<40xf32, #tpu.memory_space<hbm>>) dst(%dma_wait3A_2314 : memref<40xf32, #tpu.memory_space<vmem>>)
        tpu.yield
      }) : () -> ()
      %dma_wait3A = arith.constant 0 : i32
      %dma_wait3A_7 = arith.constant 0 : i32
      %dma_wait3A_8 = tpu.memref_slice %arg3[%dma_wait3A, %dma_wait3A_7] : memref<1000000x128xf32, #tpu.memory_space<hbm>> -> memref<1000000x128xf32, #tpu.memory_space<hbm>>
      tpu.wait_indirect_dma semaphore(%arg12 : memref<!tpu.dma_semaphore, #tpu.memory_space<semaphore_mem>>) src(%dma_wait3A_8 : memref<1000000x128xf32, #tpu.memory_space<hbm>>) dst(%arg8 : memref<1x128xf32, #tpu.memory_space<vmem>>)
      %get3A = arith.constant 0 : i32
      %get3A_9 = arith.index_cast %get3A : i32 to index
      %get3A_10 = arith.constant 0 : index
      %get3A_11 = tpu.vector_load %arg8[%get3A_9, %get3A_10] {strides = array<i32>} : memref<1x128xf32, #tpu.memory_space<vmem>>, vector<16xf32>,
      %get3A_12 = arith.constant 0 : i32
      %get3A_13 = arith.index_cast %get3A_12 : i32 to index
      %get3A_14 = arith.constant 16 : index
      %get3A_15 = tpu.vector_load %arg8[%get3A_13, %get3A_14] {strides = array<i32>} : memref<1x128xf32, #tpu.memory_space<vmem>>, vector<16xf32>,
      %get3A_16 = arith.constant 0 : i32
      %get3A_17 = arith.index_cast %get3A_16 : i32 to index
      %get3A_18 = arith.constant 32 : index
      %get3A_19 = tpu.vector_load %arg8[%get3A_17, %get3A_18] {strides = array<i32>} : memref<1x128xf32, #tpu.memory_space<vmem>>, vector<16xf32>,
      %get3A_20 = arith.constant 0 : i32
      %get3A_21 = arith.index_cast %get3A_20 : i32 to index
      %get3A_22 = arith.constant 48 : index
      %get3A_23 = tpu.vector_load %arg8[%get3A_21, %get3A_22] {strides = array<i32>} : memref<1x128xf32, #tpu.memory_space<vmem>>, vector<16xf32>,
      %get3A_24 = arith.constant 0 : i32
      %get3A_25 = arith.index_cast %get3A_24 : i32 to index
      %get3A_26 = arith.constant 64 : index
      %get3A_27 = tpu.vector_load %arg8[%get3A_25, %get3A_26] {strides = array<i32>} : memref<1x128xf32, #tpu.memory_space<vmem>>, vector<16xf32>,
      %get3A_28 = arith.constant 0 : i32
      %get3A_29 = arith.index_cast %get3A_28 : i32 to index
      %get3A_30 = arith.constant 80 : index
      %get3A_31 = tpu.vector_load %arg8[%get3A_29, %get3A_30] {strides = array<i32>} : memref<1x128xf32, #tpu.memory_space<vmem>>, vector<16xf32>,
      %get3A_32 = arith.constant 0 : i32
      %get3A_33 = arith.index_cast %get3A_32 : i32 to index
      %get3A_34 = arith.constant 96 : index
      %get3A_35 = tpu.vector_load %arg8[%get3A_33, %get3A_34] {strides = array<i32>} : memref<1x128xf32, #tpu.memory_space<vmem>>, vector<16xf32>,
      %get3A_36 = arith.constant 0 : i32
      %get3A_37 = arith.index_cast %get3A_36 : i32 to index
      %get3A_38 = arith.constant 112 : index
      %get3A_39 = tpu.vector_load %arg8[%get3A_37, %get3A_38] {strides = array<i32>} : memref<1x128xf32, #tpu.memory_space<vmem>>, vector<16xf32>,
      %iota3A = tpu.iota {dimensions = array<i32: 0>} : vector<16xi32>
      %broadcast_in_dim3A = arith.constant 0.000000e+00 : f32
      %broadcast_in_dim3A_40 = vector.broadcast %broadcast_in_dim3A : f32 to vector<16xf32>
      %get3A_41 = arith.constant 0 : i32
      %get3A_42 = arith.index_cast %get3A_41 : i32 to index
      %get3A_43 = arith.constant 0 : index
      %get3A_44 = tpu.vector_load %arg9[%get3A_42, %get3A_43] {strides = array<i32>} : memref<40x128xf32, #tpu.memory_space<vmem>>, vector<16xf32>,
      %mul3A_45 = arith.mulf %get3A_11, %get3A_44 : vector<16xf32>
      %get3A_46 = arith.constant 0 : i32
      %get3A_47 = arith.index_cast %get3A_46 : i32 to index
      %get3A_48 = arith.constant 16 : index
      %get3A_49 = tpu.vector_load %arg9[%get3A_47, %get3A_48] {strides = array<i32>} : memref<40x128xf32, #tpu.memory_space<vmem>>, vector<16xf32>,
      %mul3A_50 = arith.mulf %get3A_15, %get3A_49 : vector<16xf32>
      %add3A_51 = arith.addf %mul3A_45, %mul3A_50 : vector<16xf32>
      %get3A_52 = arith.constant 0 : i32
      %get3A_53 = arith.index_cast %get3A_52 : i32 to index
      %get3A_54 = arith.constant 32 : index
      %get3A_55 = tpu.vector_load %arg9[%get3A_53, %get3A_54] {strides = array<i32>} : memref<40x128xf32, #tpu.memory_space<vmem>>, vector<16xf32>,
      %mul3A_56 = arith.mulf %get3A_19, %get3A_55 : vector<16xf32>
      %add3A_57 = arith.addf %add3A_51, %mul3A_56 : vector<16xf32>
      %get3A_58 = arith.constant 0 : i32
      %get3A_59 = arith.index_cast %get3A_58 : i32 to index
      %get3A_60 = arith.constant 48 : index
      %get3A_61 = tpu.vector_load %arg9[%get3A_59, %get3A_60] {strides = array<i32>} : memref<40x128xf32, #tpu.memory_space<vmem>>, vector<16xf32>,
      %mul3A_62 = arith.mulf %get3A_23, %get3A_61 : vector<16xf32>
      %add3A_63 = arith.addf %add3A_57, %mul3A_62 : vector<16xf32>
      %get3A_64 = arith.constant 0 : i32
      %get3A_65 = arith.index_cast %get3A_64 : i32 to index
      %get3A_66 = arith.constant 64 : index
      %get3A_67 = tpu.vector_load %arg9[%get3A_65, %get3A_66] {strides = array<i32>} : memref<40x128xf32, #tpu.memory_space<vmem>>, vector<16xf32>,
      %mul3A_68 = arith.mulf %get3A_27, %get3A_67 : vector<16xf32>
      %add3A_69 = arith.addf %add3A_63, %mul3A_68 : vector<16xf32>
      %get3A_70 = arith.constant 0 : i32
      %get3A_71 = arith.index_cast %get3A_70 : i32 to index
      %get3A_72 = arith.constant 80 : index
      %get3A_73 = tpu.vector_load %arg9[%get3A_71, %get3A_72] {strides = array<i32>} : memref<40x128xf32, #tpu.memory_space<vmem>>, vector<16xf32>,
      %mul3A_74 = arith.mulf %get3A_31, %get3A_73 : vector<16xf32>
      %add3A_75 = arith.addf %add3A_69, %mul3A_74 : vector<16xf32>
      %get3A_76 = arith.constant 0 : i32
      %get3A_77 = arith.index_cast %get3A_76 : i32 to index
      %get3A_78 = arith.constant 96 : index
      %get3A_79 = tpu.vector_load %arg9[%get3A_77, %get3A_78] {strides = array<i32>} : memref<40x128xf32, #tpu.memory_space<vmem>>, vector<16xf32>,
      %mul3A_80 = arith.mulf %get3A_35, %get3A_79 : vector<16xf32>
      %add3A_81 = arith.addf %add3A_75, %mul3A_80 : vector<16xf32>
      %get3A_82 = arith.constant 0 : i32
      %get3A_83 = arith.index_cast %get3A_82 : i32 to index
      %get3A_84 = arith.constant 112 : index
      %get3A_85 = tpu.vector_load %arg9[%get3A_83, %get3A_84] {strides = array<i32>} : memref<40x128xf32, #tpu.memory_space<vmem>>, vector<16xf32>,
      %mul3A_86 = arith.mulf %get3A_39, %get3A_85 : vector<16xf32>
      %add3A_87 = arith.addf %add3A_81, %mul3A_86 : vector<16xf32>
      %reduce_sum3A = arith.constant true
      %reduce_sum3A_88 = vector.broadcast %reduce_sum3A : i1 to vector<16xi1>
      %reduce_sum3A_89 = tpu.scan <sum>, %add3A_87 masked %reduce_sum3A_88 : vector<16xf32>, vector<16xi1> -> vector<16xf32>
      %reduce_sum3A_90 = vector.extract %reduce_sum3A_89[15] : f32 from vector<16xf32>
      %eq3A = arith.constant 0 : i32
      %eq3A_91 = vector.broadcast %eq3A : i32 to vector<16xi32>
      %eq3A_92 = arith.cmpi eq, %iota3A, %eq3A_91 : vector<16xi32>
      %broadcast_in_dim3A_93 = vector.broadcast %reduce_sum3A_90 : f32 to vector<16xf32>
      %select_n3A = arith.select %eq3A_92, %broadcast_in_dim3A_93, %broadcast_in_dim3A_40 : vector<16xi1>, vector<16xf32>
      %get3A_94 = arith.constant 1 : i32
      %get3A_95 = arith.index_cast %get3A_94 : i32 to index
      %get3A_96 = arith.constant 0 : index
      %get3A_97 = tpu.vector_load %arg9[%get3A_95, %get3A_96] {strides = array<i32>} : memref<40x128xf32, #tpu.memory_space<vmem>>, vector<16xf32>,
      %mul3A_98 = arith.mulf %get3A_11, %get3A_97 : vector<16xf32>
      %get3A_99 = arith.constant 1 : i32
      %get3A_100 = arith.index_cast %get3A_99 : i32 to index
      %get3A_101 = arith.constant 16 : index
      %get3A_102 = tpu.vector_load %arg9[%get3A_100, %get3A_101] {strides = array<i32>} : memref<40x128xf32, #tpu.memory_space<vmem>>, vector<16xf32>,
      %mul3A_103 = arith.mulf %get3A_15, %get3A_102 : vector<16xf32>
      %add3A_104 = arith.addf %mul3A_98, %mul3A_103 : vector<16xf32>
      %get3A_105 = arith.constant 1 : i32
      %get3A_106 = arith.index_cast %get3A_105 : i32 to index
      %get3A_107 = arith.constant 32 : index
      %get3A_108 = tpu.vector_load %arg9[%get3A_106, %get3A_107] {strides = array<i32>} : memref<40x128xf32, #tpu.memory_space<vmem>>, vector<16xf32>,
      %mul3A_109 = arith.mulf %get3A_19, %get3A_108 : vector<16xf32>
      %add3A_110 = arith.addf %add3A_104, %mul3A_109 : vector<16xf32>
      %get3A_111 = arith.constant 1 : i32
      %get3A_112 = arith.index_cast %get3A_111 : i32 to index
      %get3A_113 = arith.constant 48 : index
      %get3A_114 = tpu.vector_load %arg9[%get3A_112, %get3A_113] {strides = array<i32>} : memref<40x128xf32, #tpu.memory_space<vmem>>, vector<16xf32>,
      %mul3A_115 = arith.mulf %get3A_23, %get3A_114 : vector<16xf32>
      %add3A_116 = arith.addf %add3A_110, %mul3A_115 : vector<16xf32>
      %get3A_117 = arith.constant 1 : i32
      %get3A_118 = arith.index_cast %get3A_117 : i32 to index
      %get3A_119 = arith.constant 64 : index
      %get3A_120 = tpu.vector_load %arg9[%get3A_118, %get3A_119] {strides = array<i32>} : memref<40x128xf32, #tpu.memory_space<vmem>>, vector<16xf32>,
      %mul3A_121 = arith.mulf %get3A_27, %get3A_120 : vector<16xf32>
      %add3A_122 = arith.addf %add3A_116, %mul3A_121 : vector<16xf32>
      %get3A_123 = arith.constant 1 : i32
      %get3A_124 = arith.index_cast %get3A_123 : i32 to index
      %get3A_125 = arith.constant 80 : index
      %get3A_126 = tpu.vector_load %arg9[%get3A_124, %get3A_125] {strides = array<i32>} : memref<40x128xf32, #tpu.memory_space<vmem>>, vector<16xf32>,
      %mul3A_127 = arith.mulf %get3A_31, %get3A_126 : vector<16xf32>
      %add3A_128 = arith.addf %add3A_122, %mul3A_127 : vector<16xf32>
      %get3A_129 = arith.constant 1 : i32
      %get3A_130 = arith.index_cast %get3A_129 : i32 to index
      %get3A_131 = arith.constant 96 : index
      %get3A_132 = tpu.vector_load %arg9[%get3A_130, %get3A_131] {strides = array<i32>} : memref<40x128xf32, #tpu.memory_space<vmem>>, vector<16xf32>,
      %mul3A_133 = arith.mulf %get3A_35, %get3A_132 : vector<16xf32>
      %add3A_134 = arith.addf %add3A_128, %mul3A_133 : vector<16xf32>
      %get3A_135 = arith.constant 1 : i32
      %get3A_136 = arith.index_cast %get3A_135 : i32 to index
      %get3A_137 = arith.constant 112 : index
      %get3A_138 = tpu.vector_load %arg9[%get3A_136, %get3A_137] {strides = array<i32>} : memref<40x128xf32, #tpu.memory_space<vmem>>, vector<16xf32>,
      %mul3A_139 = arith.mulf %get3A_39, %get3A_138 : vector<16xf32>
      %add3A_140 = arith.addf %add3A_134, %mul3A_139 : vector<16xf32>
      %reduce_sum3A_141 = arith.constant true
      %reduce_sum3A_142 = vector.broadcast %reduce_sum3A_141 : i1 to vector<16xi1>
      %reduce_sum3A_143 = tpu.scan <sum>, %add3A_140 masked %reduce_sum3A_142 : vector<16xf32>, vector<16xi1> -> vector<16xf32>
      %reduce_sum3A_144 = vector.extract %reduce_sum3A_143[15] : f32 from vector<16xf32>
      %eq3A_145 = arith.constant 1 : i32
      %eq3A_146 = vector.broadcast %eq3A_145 : i32 to vector<16xi32>
      %eq3A_147 = arith.cmpi eq, %iota3A, %eq3A_146 : vector<16xi32>
      %broadcast_in_dim3A_148 = vector.broadcast %reduce_sum3A_144 : f32 to vector<16xf32>
      %select_n3A_149 = arith.select %eq3A_147, %broadcast_in_dim3A_148, %select_n3A : vector<16xi1>, vector<16xf32>
      %get3A_150 = arith.constant 2 : i32
      %get3A_151 = arith.index_cast %get3A_150 : i32 to index
      %get3A_152 = arith.constant 0 : index
      %get3A_153 = tpu.vector_load %arg9[%get3A_151, %get3A_152] {strides = array<i32>} : memref<40x128xf32, #tpu.memory_space<vmem>>, vector<16xf32>,
      %mul3A_154 = arith.mulf %get3A_11, %get3A_153 : vector<16xf32>
      %get3A_155 = arith.constant 2 : i32
      %get3A_156 = arith.index_cast %get3A_155 : i32 to index
      %get3A_157 = arith.constant 16 : index
      %get3A_158 = tpu.vector_load %arg9[%get3A_156, %get3A_157] {strides = array<i32>} : memref<40x128xf32, #tpu.memory_space<vmem>>, vector<16xf32>,
      %mul3A_159 = arith.mulf %get3A_15, %get3A_158 : vector<16xf32>
      %add3A_160 = arith.addf %mul3A_154, %mul3A_159 : vector<16xf32>
      %get3A_161 = arith.constant 2 : i32
      %get3A_162 = arith.index_cast %get3A_161 : i32 to index
      %get3A_163 = arith.constant 32 : index
      %get3A_164 = tpu.vector_load %arg9[%get3A_162, %get3A_163] {strides = array<i32>} : memref<40x128xf32, #tpu.memory_space<vmem>>, vector<16xf32>,
      %mul3A_165 = arith.mulf %get3A_19, %get3A_164 : vector<16xf32>
      %add3A_166 = arith.addf %add3A_160, %mul3A_165 : vector<16xf32>
      %get3A_167 = arith.constant 2 : i32
      %get3A_168 = arith.index_cast %get3A_167 : i32 to index
      %get3A_169 = arith.constant 48 : index
      %get3A_170 = tpu.vector_load %arg9[%get3A_168, %get3A_169] {strides = array<i32>} : memref<40x128xf32, #tpu.memory_space<vmem>>, vector<16xf32>,
      %mul3A_171 = arith.mulf %get3A_23, %get3A_170 : vector<16xf32>
      %add3A_172 = arith.addf %add3A_166, %mul3A_171 : vector<16xf32>
      %get3A_173 = arith.constant 2 : i32
      %get3A_174 = arith.index_cast %get3A_173 : i32 to index
      %get3A_175 = arith.constant 64 : index
      %get3A_176 = tpu.vector_load %arg9[%get3A_174, %get3A_175] {strides = array<i32>} : memref<40x128xf32, #tpu.memory_space<vmem>>, vector<16xf32>,
      %mul3A_177 = arith.mulf %get3A_27, %get3A_176 : vector<16xf32>
      %add3A_178 = arith.addf %add3A_172, %mul3A_177 : vector<16xf32>
      %get3A_179 = arith.constant 2 : i32
      %get3A_180 = arith.index_cast %get3A_179 : i32 to index
      %get3A_181 = arith.constant 80 : index
      %get3A_182 = tpu.vector_load %arg9[%get3A_180, %get3A_181] {strides = array<i32>} : memref<40x128xf32, #tpu.memory_space<vmem>>, vector<16xf32>,
      %mul3A_183 = arith.mulf %get3A_31, %get3A_182 : vector<16xf32>
      %add3A_184 = arith.addf %add3A_178, %mul3A_183 : vector<16xf32>
      %get3A_185 = arith.constant 2 : i32
      %get3A_186 = arith.index_cast %get3A_185 : i32 to index
      %get3A_187 = arith.constant 96 : index
      %get3A_188 = tpu.vector_load %arg9[%get3A_186, %get3A_187] {strides = array<i32>} : memref<40x128xf32, #tpu.memory_space<vmem>>, vector<16xf32>,
      %mul3A_189 = arith.mulf %get3A_35, %get3A_188 : vector<16xf32>
      %add3A_190 = arith.addf %add3A_184, %mul3A_189 : vector<16xf32>
      %get3A_191 = arith.constant 2 : i32
      %get3A_192 = arith.index_cast %get3A_191 : i32 to index
      %get3A_193 = arith.constant 112 : index
      %get3A_194 = tpu.vector_load %arg9[%get3A_192, %get3A_193] {strides = array<i32>} : memref<40x128xf32, #tpu.memory_space<vmem>>, vector<16xf32>,
      %mul3A_195 = arith.mulf %get3A_39, %get3A_194 : vector<16xf32>
      %add3A_196 = arith.addf %add3A_190, %mul3A_195 : vector<16xf32>
      %reduce_sum3A_197 = arith.constant true
      %reduce_sum3A_198 = vector.broadcast %reduce_sum3A_197 : i1 to vector<16xi1>
      %reduce_sum3A_199 = tpu.scan <sum>, %add3A_196 masked %reduce_sum3A_198 : vector<16xf32>, vector<16xi1> -> vector<16xf32>
      %reduce_sum3A_200 = vector.extract %reduce_sum3A_199[15] : f32 from vector<16xf32>
      %eq3A_201 = arith.constant 2 : i32
      %eq3A_202 = vector.broadcast %eq3A_201 : i32 to vector<16xi32>
      %eq3A_203 = arith.cmpi eq, %iota3A, %eq3A_202 : vector<16xi32>
      %broadcast_in_dim3A_204 = vector.broadcast %reduce_sum3A_200 : f32 to vector<16xf32>
      %select_n3A_205 = arith.select %eq3A_203, %broadcast_in_dim3A_204, %select_n3A_149 : vector<16xi1>, vector<16xf32>
      %get3A_206 = arith.constant 3 : i32
      %get3A_207 = arith.index_cast %get3A_206 : i32 to index
      %get3A_208 = arith.constant 0 : index
      %get3A_209 = tpu.vector_load %arg9[%get3A_207, %get3A_208] {strides = array<i32>} : memref<40x128xf32, #tpu.memory_space<vmem>>, vector<16xf32>,
      %mul3A_210 = arith.mulf %get3A_11, %get3A_209 : vector<16xf32>
      %get3A_211 = arith.constant 3 : i32
      %get3A_212 = arith.index_cast %get3A_211 : i32 to index
      %get3A_213 = arith.constant 16 : index
      %get3A_214 = tpu.vector_load %arg9[%get3A_212, %get3A_213] {strides = array<i32>} : memref<40x128xf32, #tpu.memory_space<vmem>>, vector<16xf32>,
      %mul3A_215 = arith.mulf %get3A_15, %get3A_214 : vector<16xf32>
      %add3A_216 = arith.addf %mul3A_210, %mul3A_215 : vector<16xf32>
      %get3A_217 = arith.constant 3 : i32
      %get3A_218 = arith.index_cast %get3A_217 : i32 to index
      %get3A_219 = arith.constant 32 : index
      %get3A_220 = tpu.vector_load %arg9[%get3A_218, %get3A_219] {strides = array<i32>} : memref<40x128xf32, #tpu.memory_space<vmem>>, vector<16xf32>,
      %mul3A_221 = arith.mulf %get3A_19, %get3A_220 : vector<16xf32>
      %add3A_222 = arith.addf %add3A_216, %mul3A_221 : vector<16xf32>
      %get3A_223 = arith.constant 3 : i32
      %get3A_224 = arith.index_cast %get3A_223 : i32 to index
      %get3A_225 = arith.constant 48 : index
      %get3A_226 = tpu.vector_load %arg9[%get3A_224, %get3A_225] {strides = array<i32>} : memref<40x128xf32, #tpu.memory_space<vmem>>, vector<16xf32>,
      %mul3A_227 = arith.mulf %get3A_23, %get3A_226 : vector<16xf32>
      %add3A_228 = arith.addf %add3A_222, %mul3A_227 : vector<16xf32>
      %get3A_229 = arith.constant 3 : i32
      %get3A_230 = arith.index_cast %get3A_229 : i32 to index
      %get3A_231 = arith.constant 64 : index
      %get3A_232 = tpu.vector_load %arg9[%get3A_230, %get3A_231] {strides = array<i32>} : memref<40x128xf32, #tpu.memory_space<vmem>>, vector<16xf32>,
      %mul3A_233 = arith.mulf %get3A_27, %get3A_232 : vector<16xf32>
      %add3A_234 = arith.addf %add3A_228, %mul3A_233 : vector<16xf32>
      %get3A_235 = arith.constant 3 : i32
      %get3A_236 = arith.index_cast %get3A_235 : i32 to index
      %get3A_237 = arith.constant 80 : index
      %get3A_238 = tpu.vector_load %arg9[%get3A_236, %get3A_237] {strides = array<i32>} : memref<40x128xf32, #tpu.memory_space<vmem>>, vector<16xf32>,
      %mul3A_239 = arith.mulf %get3A_31, %get3A_238 : vector<16xf32>
      %add3A_240 = arith.addf %add3A_234, %mul3A_239 : vector<16xf32>
      %get3A_241 = arith.constant 3 : i32
      %get3A_242 = arith.index_cast %get3A_241 : i32 to index
      %get3A_243 = arith.constant 96 : index
      %get3A_244 = tpu.vector_load %arg9[%get3A_242, %get3A_243] {strides = array<i32>} : memref<40x128xf32, #tpu.memory_space<vmem>>, vector<16xf32>,
      %mul3A_245 = arith.mulf %get3A_35, %get3A_244 : vector<16xf32>
      %add3A_246 = arith.addf %add3A_240, %mul3A_245 : vector<16xf32>
      %get3A_247 = arith.constant 3 : i32
      %get3A_248 = arith.index_cast %get3A_247 : i32 to index
      %get3A_249 = arith.constant 112 : index
      %get3A_250 = tpu.vector_load %arg9[%get3A_248, %get3A_249] {strides = array<i32>} : memref<40x128xf32, #tpu.memory_space<vmem>>, vector<16xf32>,
      %mul3A_251 = arith.mulf %get3A_39, %get3A_250 : vector<16xf32>
      %add3A_252 = arith.addf %add3A_246, %mul3A_251 : vector<16xf32>
      %reduce_sum3A_253 = arith.constant true
      %reduce_sum3A_254 = vector.broadcast %reduce_sum3A_253 : i1 to vector<16xi1>
      %reduce_sum3A_255 = tpu.scan <sum>, %add3A_252 masked %reduce_sum3A_254 : vector<16xf32>, vector<16xi1> -> vector<16xf32>
      %reduce_sum3A_256 = vector.extract %reduce_sum3A_255[15] : f32 from vector<16xf32>
      %eq3A_257 = arith.constant 3 : i32
      %eq3A_258 = vector.broadcast %eq3A_257 : i32 to vector<16xi32>
      %eq3A_259 = arith.cmpi eq, %iota3A, %eq3A_258 : vector<16xi32>
      %broadcast_in_dim3A_260 = vector.broadcast %reduce_sum3A_256 : f32 to vector<16xf32>
      %select_n3A_261 = arith.select %eq3A_259, %broadcast_in_dim3A_260, %select_n3A_205 : vector<16xi1>, vector<16xf32>
      %get3A_262 = arith.constant 4 : i32
      %get3A_263 = arith.index_cast %get3A_262 : i32 to index
      %get3A_264 = arith.constant 0 : index
      %get3A_265 = tpu.vector_load %arg9[%get3A_263, %get3A_264] {strides = array<i32>} : memref<40x128xf32, #tpu.memory_space<vmem>>, vector<16xf32>,
      %mul3A_266 = arith.mulf %get3A_11, %get3A_265 : vector<16xf32>
      %get3A_267 = arith.constant 4 : i32
      %get3A_268 = arith.index_cast %get3A_267 : i32 to index
      %get3A_269 = arith.constant 16 : index
      %get3A_270 = tpu.vector_load %arg9[%get3A_268, %get3A_269] {strides = array<i32>} : memref<40x128xf32, #tpu.memory_space<vmem>>, vector<16xf32>,
      %mul3A_271 = arith.mulf %get3A_15, %get3A_270 : vector<16xf32>
      %add3A_272 = arith.addf %mul3A_266, %mul3A_271 : vector<16xf32>
      %get3A_273 = arith.constant 4 : i32
      %get3A_274 = arith.index_cast %get3A_273 : i32 to index
      %get3A_275 = arith.constant 32 : index
      %get3A_276 = tpu.vector_load %arg9[%get3A_274, %get3A_275] {strides = array<i32>} : memref<40x128xf32, #tpu.memory_space<vmem>>, vector<16xf32>,
      %mul3A_277 = arith.mulf %get3A_19, %get3A_276 : vector<16xf32>
      %add3A_278 = arith.addf %add3A_272, %mul3A_277 : vector<16xf32>
      %get3A_279 = arith.constant 4 : i32
      %get3A_280 = arith.index_cast %get3A_279 : i32 to index
      %get3A_281 = arith.constant 48 : index
      %get3A_282 = tpu.vector_load %arg9[%get3A_280, %get3A_281] {strides = array<i32>} : memref<40x128xf32, #tpu.memory_space<vmem>>, vector<16xf32>,
      %mul3A_283 = arith.mulf %get3A_23, %get3A_282 : vector<16xf32>
      %add3A_284 = arith.addf %add3A_278, %mul3A_283 : vector<16xf32>
      %get3A_285 = arith.constant 4 : i32
      %get3A_286 = arith.index_cast %get3A_285 : i32 to index
      %get3A_287 = arith.constant 64 : index
      %get3A_288 = tpu.vector_load %arg9[%get3A_286, %get3A_287] {strides = array<i32>} : memref<40x128xf32, #tpu.memory_space<vmem>>, vector<16xf32>,
      %mul3A_289 = arith.mulf %get3A_27, %get3A_288 : vector<16xf32>
      %add3A_290 = arith.addf %add3A_284, %mul3A_289 : vector<16xf32>
      %get3A_291 = arith.constant 4 : i32
      %get3A_292 = arith.index_cast %get3A_291 : i32 to index
      %get3A_293 = arith.constant 80 : index
      %get3A_294 = tpu.vector_load %arg9[%get3A_292, %get3A_293] {strides = array<i32>} : memref<40x128xf32, #tpu.memory_space<vmem>>, vector<16xf32>,
      %mul3A_295 = arith.mulf %get3A_31, %get3A_294 : vector<16xf32>
      %add3A_296 = arith.addf %add3A_290, %mul3A_295 : vector<16xf32>
      %get3A_297 = arith.constant 4 : i32
      %get3A_298 = arith.index_cast %get3A_297 : i32 to index
      %get3A_299 = arith.constant 96 : index
      %get3A_300 = tpu.vector_load %arg9[%get3A_298, %get3A_299] {strides = array<i32>} : memref<40x128xf32, #tpu.memory_space<vmem>>, vector<16xf32>,
      %mul3A_301 = arith.mulf %get3A_35, %get3A_300 : vector<16xf32>
      %add3A_302 = arith.addf %add3A_296, %mul3A_301 : vector<16xf32>
      %get3A_303 = arith.constant 4 : i32
      %get3A_304 = arith.index_cast %get3A_303 : i32 to index
      %get3A_305 = arith.constant 112 : index
      %get3A_306 = tpu.vector_load %arg9[%get3A_304, %get3A_305] {strides = array<i32>} : memref<40x128xf32, #tpu.memory_space<vmem>>, vector<16xf32>,
      %mul3A_307 = arith.mulf %get3A_39, %get3A_306 : vector<16xf32>
      %add3A_308 = arith.addf %add3A_302, %mul3A_307 : vector<16xf32>
      %reduce_sum3A_309 = arith.constant true
      %reduce_sum3A_310 = vector.broadcast %reduce_sum3A_309 : i1 to vector<16xi1>
      %reduce_sum3A_311 = tpu.scan <sum>, %add3A_308 masked %reduce_sum3A_310 : vector<16xf32>, vector<16xi1> -> vector<16xf32>
      %reduce_sum3A_312 = vector.extract %reduce_sum3A_311[15] : f32 from vector<16xf32>
      %eq3A_313 = arith.constant 4 : i32
      %eq3A_314 = vector.broadcast %eq3A_313 : i32 to vector<16xi32>
      %eq3A_315 = arith.cmpi eq, %iota3A, %eq3A_314 : vector<16xi32>
      %broadcast_in_dim3A_316 = vector.broadcast %reduce_sum3A_312 : f32 to vector<16xf32>
      %select_n3A_317 = arith.select %eq3A_315, %broadcast_in_dim3A_316, %select_n3A_261 : vector<16xi1>, vector<16xf32>
      %get3A_318 = arith.constant 5 : i32
      %get3A_319 = arith.index_cast %get3A_318 : i32 to index
      %get3A_320 = arith.constant 0 : index
      %get3A_321 = tpu.vector_load %arg9[%get3A_319, %get3A_320] {strides = array<i32>} : memref<40x128xf32, #tpu.memory_space<vmem>>, vector<16xf32>,
      %mul3A_322 = arith.mulf %get3A_11, %get3A_321 : vector<16xf32>
      %get3A_323 = arith.constant 5 : i32
      %get3A_324 = arith.index_cast %get3A_323 : i32 to index
      %get3A_325 = arith.constant 16 : index
      %get3A_326 = tpu.vector_load %arg9[%get3A_324, %get3A_325] {strides = array<i32>} : memref<40x128xf32, #tpu.memory_space<vmem>>, vector<16xf32>,
      %mul3A_327 = arith.mulf %get3A_15, %get3A_326 : vector<16xf32>
      %add3A_328 = arith.addf %mul3A_322, %mul3A_327 : vector<16xf32>
      %get3A_329 = arith.constant 5 : i32
      %get3A_330 = arith.index_cast %get3A_329 : i32 to index
      %get3A_331 = arith.constant 32 : index
      %get3A_332 = tpu.vector_load %arg9[%get3A_330, %get3A_331] {strides = array<i32>} : memref<40x128xf32, #tpu.memory_space<vmem>>, vector<16xf32>,
      %mul3A_333 = arith.mulf %get3A_19, %get3A_332 : vector<16xf32>
      %add3A_334 = arith.addf %add3A_328, %mul3A_333 : vector<16xf32>
      %get3A_335 = arith.constant 5 : i32
      %get3A_336 = arith.index_cast %get3A_335 : i32 to index
      %get3A_337 = arith.constant 48 : index
      %get3A_338 = tpu.vector_load %arg9[%get3A_336, %get3A_337] {strides = array<i32>} : memref<40x128xf32, #tpu.memory_space<vmem>>, vector<16xf32>,
      %mul3A_339 = arith.mulf %get3A_23, %get3A_338 : vector<16xf32>
      %add3A_340 = arith.addf %add3A_334, %mul3A_339 : vector<16xf32>
      %get3A_341 = arith.constant 5 : i32
      %get3A_342 = arith.index_cast %get3A_341 : i32 to index
      %get3A_343 = arith.constant 64 : index
      %get3A_344 = tpu.vector_load %arg9[%get3A_342, %get3A_343] {strides = array<i32>} : memref<40x128xf32, #tpu.memory_space<vmem>>, vector<16xf32>,
      %mul3A_345 = arith.mulf %get3A_27, %get3A_344 : vector<16xf32>
      %add3A_346 = arith.addf %add3A_340, %mul3A_345 : vector<16xf32>
      %get3A_347 = arith.constant 5 : i32
      %get3A_348 = arith.index_cast %get3A_347 : i32 to index
      %get3A_349 = arith.constant 80 : index
      %get3A_350 = tpu.vector_load %arg9[%get3A_348, %get3A_349] {strides = array<i32>} : memref<40x128xf32, #tpu.memory_space<vmem>>, vector<16xf32>,
      %mul3A_351 = arith.mulf %get3A_31, %get3A_350 : vector<16xf32>
      %add3A_352 = arith.addf %add3A_346, %mul3A_351 : vector<16xf32>
      %get3A_353 = arith.constant 5 : i32
      %get3A_354 = arith.index_cast %get3A_353 : i32 to index
      %get3A_355 = arith.constant 96 : index
      %get3A_356 = tpu.vector_load %arg9[%get3A_354, %get3A_355] {strides = array<i32>} : memref<40x128xf32, #tpu.memory_space<vmem>>, vector<16xf32>,
      %mul3A_357 = arith.mulf %get3A_35, %get3A_356 : vector<16xf32>
      %add3A_358 = arith.addf %add3A_352, %mul3A_357 : vector<16xf32>
      %get3A_359 = arith.constant 5 : i32
      %get3A_360 = arith.index_cast %get3A_359 : i32 to index
      %get3A_361 = arith.constant 112 : index
      %get3A_362 = tpu.vector_load %arg9[%get3A_360, %get3A_361] {strides = array<i32>} : memref<40x128xf32, #tpu.memory_space<vmem>>, vector<16xf32>,
      %mul3A_363 = arith.mulf %get3A_39, %get3A_362 : vector<16xf32>
      %add3A_364 = arith.addf %add3A_358, %mul3A_363 : vector<16xf32>
      %reduce_sum3A_365 = arith.constant true
      %reduce_sum3A_366 = vector.broadcast %reduce_sum3A_365 : i1 to vector<16xi1>
      %reduce_sum3A_367 = tpu.scan <sum>, %add3A_364 masked %reduce_sum3A_366 : vector<16xf32>, vector<16xi1> -> vector<16xf32>
      %reduce_sum3A_368 = vector.extract %reduce_sum3A_367[15] : f32 from vector<16xf32>
      %eq3A_369 = arith.constant 5 : i32
      %eq3A_370 = vector.broadcast %eq3A_369 : i32 to vector<16xi32>
      %eq3A_371 = arith.cmpi eq, %iota3A, %eq3A_370 : vector<16xi32>
      %broadcast_in_dim3A_372 = vector.broadcast %reduce_sum3A_368 : f32 to vector<16xf32>
      %select_n3A_373 = arith.select %eq3A_371, %broadcast_in_dim3A_372, %select_n3A_317 : vector<16xi1>, vector<16xf32>
      %get3A_374 = arith.constant 6 : i32
      %get3A_375 = arith.index_cast %get3A_374 : i32 to index
      %get3A_376 = arith.constant 0 : index
      %get3A_377 = tpu.vector_load %arg9[%get3A_375, %get3A_376] {strides = array<i32>} : memref<40x128xf32, #tpu.memory_space<vmem>>, vector<16xf32>,
      %mul3A_378 = arith.mulf %get3A_11, %get3A_377 : vector<16xf32>
      %get3A_379 = arith.constant 6 : i32
      %get3A_380 = arith.index_cast %get3A_379 : i32 to index
      %get3A_381 = arith.constant 16 : index
      %get3A_382 = tpu.vector_load %arg9[%get3A_380, %get3A_381] {strides = array<i32>} : memref<40x128xf32, #tpu.memory_space<vmem>>, vector<16xf32>,
      %mul3A_383 = arith.mulf %get3A_15, %get3A_382 : vector<16xf32>
      %add3A_384 = arith.addf %mul3A_378, %mul3A_383 : vector<16xf32>
      %get3A_385 = arith.constant 6 : i32
      %get3A_386 = arith.index_cast %get3A_385 : i32 to index
      %get3A_387 = arith.constant 32 : index
      %get3A_388 = tpu.vector_load %arg9[%get3A_386, %get3A_387] {strides = array<i32>} : memref<40x128xf32, #tpu.memory_space<vmem>>, vector<16xf32>,
      %mul3A_389 = arith.mulf %get3A_19, %get3A_388 : vector<16xf32>
      %add3A_390 = arith.addf %add3A_384, %mul3A_389 : vector<16xf32>
      %get3A_391 = arith.constant 6 : i32
      %get3A_392 = arith.index_cast %get3A_391 : i32 to index
      %get3A_393 = arith.constant 48 : index
      %get3A_394 = tpu.vector_load %arg9[%get3A_392, %get3A_393] {strides = array<i32>} : memref<40x128xf32, #tpu.memory_space<vmem>>, vector<16xf32>,
      %mul3A_395 = arith.mulf %get3A_23, %get3A_394 : vector<16xf32>
      %add3A_396 = arith.addf %add3A_390, %mul3A_395 : vector<16xf32>
      %get3A_397 = arith.constant 6 : i32
      %get3A_398 = arith.index_cast %get3A_397 : i32 to index
      %get3A_399 = arith.constant 64 : index
      %get3A_400 = tpu.vector_load %arg9[%get3A_398, %get3A_399] {strides = array<i32>} : memref<40x128xf32, #tpu.memory_space<vmem>>, vector<16xf32>,
      %mul3A_401 = arith.mulf %get3A_27, %get3A_400 : vector<16xf32>
      %add3A_402 = arith.addf %add3A_396, %mul3A_401 : vector<16xf32>
      %get3A_403 = arith.constant 6 : i32
      %get3A_404 = arith.index_cast %get3A_403 : i32 to index
      %get3A_405 = arith.constant 80 : index
      %get3A_406 = tpu.vector_load %arg9[%get3A_404, %get3A_405] {strides = array<i32>} : memref<40x128xf32, #tpu.memory_space<vmem>>, vector<16xf32>,
      %mul3A_407 = arith.mulf %get3A_31, %get3A_406 : vector<16xf32>
      %add3A_408 = arith.addf %add3A_402, %mul3A_407 : vector<16xf32>
      %get3A_409 = arith.constant 6 : i32
      %get3A_410 = arith.index_cast %get3A_409 : i32 to index
      %get3A_411 = arith.constant 96 : index
      %get3A_412 = tpu.vector_load %arg9[%get3A_410, %get3A_411] {strides = array<i32>} : memref<40x128xf32, #tpu.memory_space<vmem>>, vector<16xf32>,
      %mul3A_413 = arith.mulf %get3A_35, %get3A_412 : vector<16xf32>
      %add3A_414 = arith.addf %add3A_408, %mul3A_413 : vector<16xf32>
      %get3A_415 = arith.constant 6 : i32
      %get3A_416 = arith.index_cast %get3A_415 : i32 to index
      %get3A_417 = arith.constant 112 : index
      %get3A_418 = tpu.vector_load %arg9[%get3A_416, %get3A_417] {strides = array<i32>} : memref<40x128xf32, #tpu.memory_space<vmem>>, vector<16xf32>,
      %mul3A_419 = arith.mulf %get3A_39, %get3A_418 : vector<16xf32>
      %add3A_420 = arith.addf %add3A_414, %mul3A_419 : vector<16xf32>
      %reduce_sum3A_421 = arith.constant true
      %reduce_sum3A_422 = vector.broadcast %reduce_sum3A_421 : i1 to vector<16xi1>
      %reduce_sum3A_423 = tpu.scan <sum>, %add3A_420 masked %reduce_sum3A_422 : vector<16xf32>, vector<16xi1> -> vector<16xf32>
      %reduce_sum3A_424 = vector.extract %reduce_sum3A_423[15] : f32 from vector<16xf32>
      %eq3A_425 = arith.constant 6 : i32
      %eq3A_426 = vector.broadcast %eq3A_425 : i32 to vector<16xi32>
      %eq3A_427 = arith.cmpi eq, %iota3A, %eq3A_426 : vector<16xi32>
      %broadcast_in_dim3A_428 = vector.broadcast %reduce_sum3A_424 : f32 to vector<16xf32>
      %select_n3A_429 = arith.select %eq3A_427, %broadcast_in_dim3A_428, %select_n3A_373 : vector<16xi1>, vector<16xf32>
      %get3A_430 = arith.constant 7 : i32
      %get3A_431 = arith.index_cast %get3A_430 : i32 to index
      %get3A_432 = arith.constant 0 : index
      %get3A_433 = tpu.vector_load %arg9[%get3A_431, %get3A_432] {strides = array<i32>} : memref<40x128xf32, #tpu.memory_space<vmem>>, vector<16xf32>,
      %mul3A_434 = arith.mulf %get3A_11, %get3A_433 : vector<16xf32>
      %get3A_435 = arith.constant 7 : i32
      %get3A_436 = arith.index_cast %get3A_435 : i32 to index
      %get3A_437 = arith.constant 16 : index
      %get3A_438 = tpu.vector_load %arg9[%get3A_436, %get3A_437] {strides = array<i32>} : memref<40x128xf32, #tpu.memory_space<vmem>>, vector<16xf32>,
      %mul3A_439 = arith.mulf %get3A_15, %get3A_438 : vector<16xf32>
      %add3A_440 = arith.addf %mul3A_434, %mul3A_439 : vector<16xf32>
      %get3A_441 = arith.constant 7 : i32
      %get3A_442 = arith.index_cast %get3A_441 : i32 to index
      %get3A_443 = arith.constant 32 : index
      %get3A_444 = tpu.vector_load %arg9[%get3A_442, %get3A_443] {strides = array<i32>} : memref<40x128xf32, #tpu.memory_space<vmem>>, vector<16xf32>,
      %mul3A_445 = arith.mulf %get3A_19, %get3A_444 : vector<16xf32>
      %add3A_446 = arith.addf %add3A_440, %mul3A_445 : vector<16xf32>
      %get3A_447 = arith.constant 7 : i32
      %get3A_448 = arith.index_cast %get3A_447 : i32 to index
      %get3A_449 = arith.constant 48 : index
      %get3A_450 = tpu.vector_load %arg9[%get3A_448, %get3A_449] {strides = array<i32>} : memref<40x128xf32, #tpu.memory_space<vmem>>, vector<16xf32>,
      %mul3A_451 = arith.mulf %get3A_23, %get3A_450 : vector<16xf32>
      %add3A_452 = arith.addf %add3A_446, %mul3A_451 : vector<16xf32>
      %get3A_453 = arith.constant 7 : i32
      %get3A_454 = arith.index_cast %get3A_453 : i32 to index
      %get3A_455 = arith.constant 64 : index
      %get3A_456 = tpu.vector_load %arg9[%get3A_454, %get3A_455] {strides = array<i32>} : memref<40x128xf32, #tpu.memory_space<vmem>>, vector<16xf32>,
      %mul3A_457 = arith.mulf %get3A_27, %get3A_456 : vector<16xf32>
      %add3A_458 = arith.addf %add3A_452, %mul3A_457 : vector<16xf32>
      %get3A_459 = arith.constant 7 : i32
      %get3A_460 = arith.index_cast %get3A_459 : i32 to index
      %get3A_461 = arith.constant 80 : index
      %get3A_462 = tpu.vector_load %arg9[%get3A_460, %get3A_461] {strides = array<i32>} : memref<40x128xf32, #tpu.memory_space<vmem>>, vector<16xf32>,
      %mul3A_463 = arith.mulf %get3A_31, %get3A_462 : vector<16xf32>
      %add3A_464 = arith.addf %add3A_458, %mul3A_463 : vector<16xf32>
      %get3A_465 = arith.constant 7 : i32
      %get3A_466 = arith.index_cast %get3A_465 : i32 to index
      %get3A_467 = arith.constant 96 : index
      %get3A_468 = tpu.vector_load %arg9[%get3A_466, %get3A_467] {strides = array<i32>} : memref<40x128xf32, #tpu.memory_space<vmem>>, vector<16xf32>,
      %mul3A_469 = arith.mulf %get3A_35, %get3A_468 : vector<16xf32>
      %add3A_470 = arith.addf %add3A_464, %mul3A_469 : vector<16xf32>
      %get3A_471 = arith.constant 7 : i32
      %get3A_472 = arith.index_cast %get3A_471 : i32 to index
      %get3A_473 = arith.constant 112 : index
      %get3A_474 = tpu.vector_load %arg9[%get3A_472, %get3A_473] {strides = array<i32>} : memref<40x128xf32, #tpu.memory_space<vmem>>, vector<16xf32>,
      %mul3A_475 = arith.mulf %get3A_39, %get3A_474 : vector<16xf32>
      %add3A_476 = arith.addf %add3A_470, %mul3A_475 : vector<16xf32>
      %reduce_sum3A_477 = arith.constant true
      %reduce_sum3A_478 = vector.broadcast %reduce_sum3A_477 : i1 to vector<16xi1>
      %reduce_sum3A_479 = tpu.scan <sum>, %add3A_476 masked %reduce_sum3A_478 : vector<16xf32>, vector<16xi1> -> vector<16xf32>
      %reduce_sum3A_480 = vector.extract %reduce_sum3A_479[15] : f32 from vector<16xf32>
      %eq3A_481 = arith.constant 7 : i32
      %eq3A_482 = vector.broadcast %eq3A_481 : i32 to vector<16xi32>
      %eq3A_483 = arith.cmpi eq, %iota3A, %eq3A_482 : vector<16xi32>
      %broadcast_in_dim3A_484 = vector.broadcast %reduce_sum3A_480 : f32 to vector<16xf32>
      %select_n3A_485 = arith.select %eq3A_483, %broadcast_in_dim3A_484, %select_n3A_429 : vector<16xi1>, vector<16xf32>
      %get3A_486 = arith.constant 8 : i32
      %get3A_487 = arith.index_cast %get3A_486 : i32 to index
      %get3A_488 = arith.constant 0 : index
      %get3A_489 = tpu.vector_load %arg9[%get3A_487, %get3A_488] {strides = array<i32>} : memref<40x128xf32, #tpu.memory_space<vmem>>, vector<16xf32>,
      %mul3A_490 = arith.mulf %get3A_11, %get3A_489 : vector<16xf32>
      %get3A_491 = arith.constant 8 : i32
      %get3A_492 = arith.index_cast %get3A_491 : i32 to index
      %get3A_493 = arith.constant 16 : index
      %get3A_494 = tpu.vector_load %arg9[%get3A_492, %get3A_493] {strides = array<i32>} : memref<40x128xf32, #tpu.memory_space<vmem>>, vector<16xf32>,
      %mul3A_495 = arith.mulf %get3A_15, %get3A_494 : vector<16xf32>
      %add3A_496 = arith.addf %mul3A_490, %mul3A_495 : vector<16xf32>
      %get3A_497 = arith.constant 8 : i32
      %get3A_498 = arith.index_cast %get3A_497 : i32 to index
      %get3A_499 = arith.constant 32 : index
      %get3A_500 = tpu.vector_load %arg9[%get3A_498, %get3A_499] {strides = array<i32>} : memref<40x128xf32, #tpu.memory_space<vmem>>, vector<16xf32>,
      %mul3A_501 = arith.mulf %get3A_19, %get3A_500 : vector<16xf32>
      %add3A_502 = arith.addf %add3A_496, %mul3A_501 : vector<16xf32>
      %get3A_503 = arith.constant 8 : i32
      %get3A_504 = arith.index_cast %get3A_503 : i32 to index
      %get3A_505 = arith.constant 48 : index
      %get3A_506 = tpu.vector_load %arg9[%get3A_504, %get3A_505] {strides = array<i32>} : memref<40x128xf32, #tpu.memory_space<vmem>>, vector<16xf32>,
      %mul3A_507 = arith.mulf %get3A_23, %get3A_506 : vector<16xf32>
      %add3A_508 = arith.addf %add3A_502, %mul3A_507 : vector<16xf32>
      %get3A_509 = arith.constant 8 : i32
      %get3A_510 = arith.index_cast %get3A_509 : i32 to index
      %get3A_511 = arith.constant 64 : index
      %get3A_512 = tpu.vector_load %arg9[%get3A_510, %get3A_511] {strides = array<i32>} : memref<40x128xf32, #tpu.memory_space<vmem>>, vector<16xf32>,
      %mul3A_513 = arith.mulf %get3A_27, %get3A_512 : vector<16xf32>
      %add3A_514 = arith.addf %add3A_508, %mul3A_513 : vector<16xf32>
      %get3A_515 = arith.constant 8 : i32
      %get3A_516 = arith.index_cast %get3A_515 : i32 to index
      %get3A_517 = arith.constant 80 : index
      %get3A_518 = tpu.vector_load %arg9[%get3A_516, %get3A_517] {strides = array<i32>} : memref<40x128xf32, #tpu.memory_space<vmem>>, vector<16xf32>,
      %mul3A_519 = arith.mulf %get3A_31, %get3A_518 : vector<16xf32>
      %add3A_520 = arith.addf %add3A_514, %mul3A_519 : vector<16xf32>
      %get3A_521 = arith.constant 8 : i32
      %get3A_522 = arith.index_cast %get3A_521 : i32 to index
      %get3A_523 = arith.constant 96 : index
      %get3A_524 = tpu.vector_load %arg9[%get3A_522, %get3A_523] {strides = array<i32>} : memref<40x128xf32, #tpu.memory_space<vmem>>, vector<16xf32>,
      %mul3A_525 = arith.mulf %get3A_35, %get3A_524 : vector<16xf32>
      %add3A_526 = arith.addf %add3A_520, %mul3A_525 : vector<16xf32>
      %get3A_527 = arith.constant 8 : i32
      %get3A_528 = arith.index_cast %get3A_527 : i32 to index
      %get3A_529 = arith.constant 112 : index
      %get3A_530 = tpu.vector_load %arg9[%get3A_528, %get3A_529] {strides = array<i32>} : memref<40x128xf32, #tpu.memory_space<vmem>>, vector<16xf32>,
      %mul3A_531 = arith.mulf %get3A_39, %get3A_530 : vector<16xf32>
      %add3A_532 = arith.addf %add3A_526, %mul3A_531 : vector<16xf32>
      %reduce_sum3A_533 = arith.constant true
      %reduce_sum3A_534 = vector.broadcast %reduce_sum3A_533 : i1 to vector<16xi1>
      %reduce_sum3A_535 = tpu.scan <sum>, %add3A_532 masked %reduce_sum3A_534 : vector<16xf32>, vector<16xi1> -> vector<16xf32>
      %reduce_sum3A_536 = vector.extract %reduce_sum3A_535[15] : f32 from vector<16xf32>
      %eq3A_537 = arith.constant 8 : i32
      %eq3A_538 = vector.broadcast %eq3A_537 : i32 to vector<16xi32>
      %eq3A_539 = arith.cmpi eq, %iota3A, %eq3A_538 : vector<16xi32>
      %broadcast_in_dim3A_540 = vector.broadcast %reduce_sum3A_536 : f32 to vector<16xf32>
      %select_n3A_541 = arith.select %eq3A_539, %broadcast_in_dim3A_540, %select_n3A_485 : vector<16xi1>, vector<16xf32>
      %get3A_542 = arith.constant 9 : i32
      %get3A_543 = arith.index_cast %get3A_542 : i32 to index
      %get3A_544 = arith.constant 0 : index
      %get3A_545 = tpu.vector_load %arg9[%get3A_543, %get3A_544] {strides = array<i32>} : memref<40x128xf32, #tpu.memory_space<vmem>>, vector<16xf32>,
      %mul3A_546 = arith.mulf %get3A_11, %get3A_545 : vector<16xf32>
      %get3A_547 = arith.constant 9 : i32
      %get3A_548 = arith.index_cast %get3A_547 : i32 to index
      %get3A_549 = arith.constant 16 : index
      %get3A_550 = tpu.vector_load %arg9[%get3A_548, %get3A_549] {strides = array<i32>} : memref<40x128xf32, #tpu.memory_space<vmem>>, vector<16xf32>,
      %mul3A_551 = arith.mulf %get3A_15, %get3A_550 : vector<16xf32>
      %add3A_552 = arith.addf %mul3A_546, %mul3A_551 : vector<16xf32>
      %get3A_553 = arith.constant 9 : i32
      %get3A_554 = arith.index_cast %get3A_553 : i32 to index
      %get3A_555 = arith.constant 32 : index
      %get3A_556 = tpu.vector_load %arg9[%get3A_554, %get3A_555] {strides = array<i32>} : memref<40x128xf32, #tpu.memory_space<vmem>>, vector<16xf32>,
      %mul3A_557 = arith.mulf %get3A_19, %get3A_556 : vector<16xf32>
      %add3A_558 = arith.addf %add3A_552, %mul3A_557 : vector<16xf32>
      %get3A_559 = arith.constant 9 : i32
      %get3A_560 = arith.index_cast %get3A_559 : i32 to index
      %get3A_561 = arith.constant 48 : index
      %get3A_562 = tpu.vector_load %arg9[%get3A_560, %get3A_561] {strides = array<i32>} : memref<40x128xf32, #tpu.memory_space<vmem>>, vector<16xf32>,
      %mul3A_563 = arith.mulf %get3A_23, %get3A_562 : vector<16xf32>
      %add3A_564 = arith.addf %add3A_558, %mul3A_563 : vector<16xf32>
      %get3A_565 = arith.constant 9 : i32
      %get3A_566 = arith.index_cast %get3A_565 : i32 to index
      %get3A_567 = arith.constant 64 : index
      %get3A_568 = tpu.vector_load %arg9[%get3A_566, %get3A_567] {strides = array<i32>} : memref<40x128xf32, #tpu.memory_space<vmem>>, vector<16xf32>,
      %mul3A_569 = arith.mulf %get3A_27, %get3A_568 : vector<16xf32>
      %add3A_570 = arith.addf %add3A_564, %mul3A_569 : vector<16xf32>
      %get3A_571 = arith.constant 9 : i32
      %get3A_572 = arith.index_cast %get3A_571 : i32 to index
      %get3A_573 = arith.constant 80 : index
      %get3A_574 = tpu.vector_load %arg9[%get3A_572, %get3A_573] {strides = array<i32>} : memref<40x128xf32, #tpu.memory_space<vmem>>, vector<16xf32>,
      %mul3A_575 = arith.mulf %get3A_31, %get3A_574 : vector<16xf32>
      %add3A_576 = arith.addf %add3A_570, %mul3A_575 : vector<16xf32>
      %get3A_577 = arith.constant 9 : i32
      %get3A_578 = arith.index_cast %get3A_577 : i32 to index
      %get3A_579 = arith.constant 96 : index
      %get3A_580 = tpu.vector_load %arg9[%get3A_578, %get3A_579] {strides = array<i32>} : memref<40x128xf32, #tpu.memory_space<vmem>>, vector<16xf32>,
      %mul3A_581 = arith.mulf %get3A_35, %get3A_580 : vector<16xf32>
      %add3A_582 = arith.addf %add3A_576, %mul3A_581 : vector<16xf32>
      %get3A_583 = arith.constant 9 : i32
      %get3A_584 = arith.index_cast %get3A_583 : i32 to index
      %get3A_585 = arith.constant 112 : index
      %get3A_586 = tpu.vector_load %arg9[%get3A_584, %get3A_585] {strides = array<i32>} : memref<40x128xf32, #tpu.memory_space<vmem>>, vector<16xf32>,
      %mul3A_587 = arith.mulf %get3A_39, %get3A_586 : vector<16xf32>
      %add3A_588 = arith.addf %add3A_582, %mul3A_587 : vector<16xf32>
      %reduce_sum3A_589 = arith.constant true
      %reduce_sum3A_590 = vector.broadcast %reduce_sum3A_589 : i1 to vector<16xi1>
      %reduce_sum3A_591 = tpu.scan <sum>, %add3A_588 masked %reduce_sum3A_590 : vector<16xf32>, vector<16xi1> -> vector<16xf32>
      %reduce_sum3A_592 = vector.extract %reduce_sum3A_591[15] : f32 from vector<16xf32>
      %eq3A_593 = arith.constant 9 : i32
      %eq3A_594 = vector.broadcast %eq3A_593 : i32 to vector<16xi32>
      %eq3A_595 = arith.cmpi eq, %iota3A, %eq3A_594 : vector<16xi32>
      %broadcast_in_dim3A_596 = vector.broadcast %reduce_sum3A_592 : f32 to vector<16xf32>
      %select_n3A_597 = arith.select %eq3A_595, %broadcast_in_dim3A_596, %select_n3A_541 : vector<16xi1>, vector<16xf32>
      %get3A_598 = arith.constant 10 : i32
      %get3A_599 = arith.index_cast %get3A_598 : i32 to index
      %get3A_600 = arith.constant 0 : index
      %get3A_601 = tpu.vector_load %arg9[%get3A_599, %get3A_600] {strides = array<i32>} : memref<40x128xf32, #tpu.memory_space<vmem>>, vector<16xf32>,
      %mul3A_602 = arith.mulf %get3A_11, %get3A_601 : vector<16xf32>
      %get3A_603 = arith.constant 10 : i32
      %get3A_604 = arith.index_cast %get3A_603 : i32 to index
      %get3A_605 = arith.constant 16 : index
      %get3A_606 = tpu.vector_load %arg9[%get3A_604, %get3A_605] {strides = array<i32>} : memref<40x128xf32, #tpu.memory_space<vmem>>, vector<16xf32>,
      %mul3A_607 = arith.mulf %get3A_15, %get3A_606 : vector<16xf32>
      %add3A_608 = arith.addf %mul3A_602, %mul3A_607 : vector<16xf32>
      %get3A_609 = arith.constant 10 : i32
      %get3A_610 = arith.index_cast %get3A_609 : i32 to index
      %get3A_611 = arith.constant 32 : index
      %get3A_612 = tpu.vector_load %arg9[%get3A_610, %get3A_611] {strides = array<i32>} : memref<40x128xf32, #tpu.memory_space<vmem>>, vector<16xf32>,
      %mul3A_613 = arith.mulf %get3A_19, %get3A_612 : vector<16xf32>
      %add3A_614 = arith.addf %add3A_608, %mul3A_613 : vector<16xf32>
      %get3A_615 = arith.constant 10 : i32
      %get3A_616 = arith.index_cast %get3A_615 : i32 to index
      %get3A_617 = arith.constant 48 : index
      %get3A_618 = tpu.vector_load %arg9[%get3A_616, %get3A_617] {strides = array<i32>} : memref<40x128xf32, #tpu.memory_space<vmem>>, vector<16xf32>,
      %mul3A_619 = arith.mulf %get3A_23, %get3A_618 : vector<16xf32>
      %add3A_620 = arith.addf %add3A_614, %mul3A_619 : vector<16xf32>
      %get3A_621 = arith.constant 10 : i32
      %get3A_622 = arith.index_cast %get3A_621 : i32 to index
      %get3A_623 = arith.constant 64 : index
      %get3A_624 = tpu.vector_load %arg9[%get3A_622, %get3A_623] {strides = array<i32>} : memref<40x128xf32, #tpu.memory_space<vmem>>, vector<16xf32>,
      %mul3A_625 = arith.mulf %get3A_27, %get3A_624 : vector<16xf32>
      %add3A_626 = arith.addf %add3A_620, %mul3A_625 : vector<16xf32>
      %get3A_627 = arith.constant 10 : i32
      %get3A_628 = arith.index_cast %get3A_627 : i32 to index
      %get3A_629 = arith.constant 80 : index
      %get3A_630 = tpu.vector_load %arg9[%get3A_628, %get3A_629] {strides = array<i32>} : memref<40x128xf32, #tpu.memory_space<vmem>>, vector<16xf32>,
      %mul3A_631 = arith.mulf %get3A_31, %get3A_630 : vector<16xf32>
      %add3A_632 = arith.addf %add3A_626, %mul3A_631 : vector<16xf32>
      %get3A_633 = arith.constant 10 : i32
      %get3A_634 = arith.index_cast %get3A_633 : i32 to index
      %get3A_635 = arith.constant 96 : index
      %get3A_636 = tpu.vector_load %arg9[%get3A_634, %get3A_635] {strides = array<i32>} : memref<40x128xf32, #tpu.memory_space<vmem>>, vector<16xf32>,
      %mul3A_637 = arith.mulf %get3A_35, %get3A_636 : vector<16xf32>
      %add3A_638 = arith.addf %add3A_632, %mul3A_637 : vector<16xf32>
      %get3A_639 = arith.constant 10 : i32
      %get3A_640 = arith.index_cast %get3A_639 : i32 to index
      %get3A_641 = arith.constant 112 : index
      %get3A_642 = tpu.vector_load %arg9[%get3A_640, %get3A_641] {strides = array<i32>} : memref<40x128xf32, #tpu.memory_space<vmem>>, vector<16xf32>,
      %mul3A_643 = arith.mulf %get3A_39, %get3A_642 : vector<16xf32>
      %add3A_644 = arith.addf %add3A_638, %mul3A_643 : vector<16xf32>
      %reduce_sum3A_645 = arith.constant true
      %reduce_sum3A_646 = vector.broadcast %reduce_sum3A_645 : i1 to vector<16xi1>
      %reduce_sum3A_647 = tpu.scan <sum>, %add3A_644 masked %reduce_sum3A_646 : vector<16xf32>, vector<16xi1> -> vector<16xf32>
      %reduce_sum3A_648 = vector.extract %reduce_sum3A_647[15] : f32 from vector<16xf32>
      %eq3A_649 = arith.constant 10 : i32
      %eq3A_650 = vector.broadcast %eq3A_649 : i32 to vector<16xi32>
      %eq3A_651 = arith.cmpi eq, %iota3A, %eq3A_650 : vector<16xi32>
      %broadcast_in_dim3A_652 = vector.broadcast %reduce_sum3A_648 : f32 to vector<16xf32>
      %select_n3A_653 = arith.select %eq3A_651, %broadcast_in_dim3A_652, %select_n3A_597 : vector<16xi1>, vector<16xf32>
      %get3A_654 = arith.constant 11 : i32
      %get3A_655 = arith.index_cast %get3A_654 : i32 to index
      %get3A_656 = arith.constant 0 : index
      %get3A_657 = tpu.vector_load %arg9[%get3A_655, %get3A_656] {strides = array<i32>} : memref<40x128xf32, #tpu.memory_space<vmem>>, vector<16xf32>,
      %mul3A_658 = arith.mulf %get3A_11, %get3A_657 : vector<16xf32>
      %get3A_659 = arith.constant 11 : i32
      %get3A_660 = arith.index_cast %get3A_659 : i32 to index
      %get3A_661 = arith.constant 16 : index
      %get3A_662 = tpu.vector_load %arg9[%get3A_660, %get3A_661] {strides = array<i32>} : memref<40x128xf32, #tpu.memory_space<vmem>>, vector<16xf32>,
      %mul3A_663 = arith.mulf %get3A_15, %get3A_662 : vector<16xf32>
      %add3A_664 = arith.addf %mul3A_658, %mul3A_663 : vector<16xf32>
      %get3A_665 = arith.constant 11 : i32
      %get3A_666 = arith.index_cast %get3A_665 : i32 to index
      %get3A_667 = arith.constant 32 : index
      %get3A_668 = tpu.vector_load %arg9[%get3A_666, %get3A_667] {strides = array<i32>} : memref<40x128xf32, #tpu.memory_space<vmem>>, vector<16xf32>,
      %mul3A_669 = arith.mulf %get3A_19, %get3A_668 : vector<16xf32>
      %add3A_670 = arith.addf %add3A_664, %mul3A_669 : vector<16xf32>
      %get3A_671 = arith.constant 11 : i32
      %get3A_672 = arith.index_cast %get3A_671 : i32 to index
      %get3A_673 = arith.constant 48 : index
      %get3A_674 = tpu.vector_load %arg9[%get3A_672, %get3A_673] {strides = array<i32>} : memref<40x128xf32, #tpu.memory_space<vmem>>, vector<16xf32>,
      %mul3A_675 = arith.mulf %get3A_23, %get3A_674 : vector<16xf32>
      %add3A_676 = arith.addf %add3A_670, %mul3A_675 : vector<16xf32>
      %get3A_677 = arith.constant 11 : i32
      %get3A_678 = arith.index_cast %get3A_677 : i32 to index
      %get3A_679 = arith.constant 64 : index
      %get3A_680 = tpu.vector_load %arg9[%get3A_678, %get3A_679] {strides = array<i32>} : memref<40x128xf32, #tpu.memory_space<vmem>>, vector<16xf32>,
      %mul3A_681 = arith.mulf %get3A_27, %get3A_680 : vector<16xf32>
      %add3A_682 = arith.addf %add3A_676, %mul3A_681 : vector<16xf32>
      %get3A_683 = arith.constant 11 : i32
      %get3A_684 = arith.index_cast %get3A_683 : i32 to index
      %get3A_685 = arith.constant 80 : index
      %get3A_686 = tpu.vector_load %arg9[%get3A_684, %get3A_685] {strides = array<i32>} : memref<40x128xf32, #tpu.memory_space<vmem>>, vector<16xf32>,
      %mul3A_687 = arith.mulf %get3A_31, %get3A_686 : vector<16xf32>
      %add3A_688 = arith.addf %add3A_682, %mul3A_687 : vector<16xf32>
      %get3A_689 = arith.constant 11 : i32
      %get3A_690 = arith.index_cast %get3A_689 : i32 to index
      %get3A_691 = arith.constant 96 : index
      %get3A_692 = tpu.vector_load %arg9[%get3A_690, %get3A_691] {strides = array<i32>} : memref<40x128xf32, #tpu.memory_space<vmem>>, vector<16xf32>,
      %mul3A_693 = arith.mulf %get3A_35, %get3A_692 : vector<16xf32>
      %add3A_694 = arith.addf %add3A_688, %mul3A_693 : vector<16xf32>
      %get3A_695 = arith.constant 11 : i32
      %get3A_696 = arith.index_cast %get3A_695 : i32 to index
      %get3A_697 = arith.constant 112 : index
      %get3A_698 = tpu.vector_load %arg9[%get3A_696, %get3A_697] {strides = array<i32>} : memref<40x128xf32, #tpu.memory_space<vmem>>, vector<16xf32>,
      %mul3A_699 = arith.mulf %get3A_39, %get3A_698 : vector<16xf32>
      %add3A_700 = arith.addf %add3A_694, %mul3A_699 : vector<16xf32>
      %reduce_sum3A_701 = arith.constant true
      %reduce_sum3A_702 = vector.broadcast %reduce_sum3A_701 : i1 to vector<16xi1>
      %reduce_sum3A_703 = tpu.scan <sum>, %add3A_700 masked %reduce_sum3A_702 : vector<16xf32>, vector<16xi1> -> vector<16xf32>
      %reduce_sum3A_704 = vector.extract %reduce_sum3A_703[15] : f32 from vector<16xf32>
      %eq3A_705 = arith.constant 11 : i32
      %eq3A_706 = vector.broadcast %eq3A_705 : i32 to vector<16xi32>
      %eq3A_707 = arith.cmpi eq, %iota3A, %eq3A_706 : vector<16xi32>
      %broadcast_in_dim3A_708 = vector.broadcast %reduce_sum3A_704 : f32 to vector<16xf32>
      %select_n3A_709 = arith.select %eq3A_707, %broadcast_in_dim3A_708, %select_n3A_653 : vector<16xi1>, vector<16xf32>
      %get3A_710 = arith.constant 12 : i32
      %get3A_711 = arith.index_cast %get3A_710 : i32 to index
      %get3A_712 = arith.constant 0 : index
      %get3A_713 = tpu.vector_load %arg9[%get3A_711, %get3A_712] {strides = array<i32>} : memref<40x128xf32, #tpu.memory_space<vmem>>, vector<16xf32>,
      %mul3A_714 = arith.mulf %get3A_11, %get3A_713 : vector<16xf32>
      %get3A_715 = arith.constant 12 : i32
      %get3A_716 = arith.index_cast %get3A_715 : i32 to index
      %get3A_717 = arith.constant 16 : index
      %get3A_718 = tpu.vector_load %arg9[%get3A_716, %get3A_717] {strides = array<i32>} : memref<40x128xf32, #tpu.memory_space<vmem>>, vector<16xf32>,
      %mul3A_719 = arith.mulf %get3A_15, %get3A_718 : vector<16xf32>
      %add3A_720 = arith.addf %mul3A_714, %mul3A_719 : vector<16xf32>
      %get3A_721 = arith.constant 12 : i32
      %get3A_722 = arith.index_cast %get3A_721 : i32 to index
      %get3A_723 = arith.constant 32 : index
      %get3A_724 = tpu.vector_load %arg9[%get3A_722, %get3A_723] {strides = array<i32>} : memref<40x128xf32, #tpu.memory_space<vmem>>, vector<16xf32>,
      %mul3A_725 = arith.mulf %get3A_19, %get3A_724 : vector<16xf32>
      %add3A_726 = arith.addf %add3A_720, %mul3A_725 : vector<16xf32>
      %get3A_727 = arith.constant 12 : i32
      %get3A_728 = arith.index_cast %get3A_727 : i32 to index
      %get3A_729 = arith.constant 48 : index
      %get3A_730 = tpu.vector_load %arg9[%get3A_728, %get3A_729] {strides = array<i32>} : memref<40x128xf32, #tpu.memory_space<vmem>>, vector<16xf32>,
      %mul3A_731 = arith.mulf %get3A_23, %get3A_730 : vector<16xf32>
      %add3A_732 = arith.addf %add3A_726, %mul3A_731 : vector<16xf32>
      %get3A_733 = arith.constant 12 : i32
      %get3A_734 = arith.index_cast %get3A_733 : i32 to index
      %get3A_735 = arith.constant 64 : index
      %get3A_736 = tpu.vector_load %arg9[%get3A_734, %get3A_735] {strides = array<i32>} : memref<40x128xf32, #tpu.memory_space<vmem>>, vector<16xf32>,
      %mul3A_737 = arith.mulf %get3A_27, %get3A_736 : vector<16xf32>
      %add3A_738 = arith.addf %add3A_732, %mul3A_737 : vector<16xf32>
      %get3A_739 = arith.constant 12 : i32
      %get3A_740 = arith.index_cast %get3A_739 : i32 to index
      %get3A_741 = arith.constant 80 : index
      %get3A_742 = tpu.vector_load %arg9[%get3A_740, %get3A_741] {strides = array<i32>} : memref<40x128xf32, #tpu.memory_space<vmem>>, vector<16xf32>,
      %mul3A_743 = arith.mulf %get3A_31, %get3A_742 : vector<16xf32>
      %add3A_744 = arith.addf %add3A_738, %mul3A_743 : vector<16xf32>
      %get3A_745 = arith.constant 12 : i32
      %get3A_746 = arith.index_cast %get3A_745 : i32 to index
      %get3A_747 = arith.constant 96 : index
      %get3A_748 = tpu.vector_load %arg9[%get3A_746, %get3A_747] {strides = array<i32>} : memref<40x128xf32, #tpu.memory_space<vmem>>, vector<16xf32>,
      %mul3A_749 = arith.mulf %get3A_35, %get3A_748 : vector<16xf32>
      %add3A_750 = arith.addf %add3A_744, %mul3A_749 : vector<16xf32>
      %get3A_751 = arith.constant 12 : i32
      %get3A_752 = arith.index_cast %get3A_751 : i32 to index
      %get3A_753 = arith.constant 112 : index
      %get3A_754 = tpu.vector_load %arg9[%get3A_752, %get3A_753] {strides = array<i32>} : memref<40x128xf32, #tpu.memory_space<vmem>>, vector<16xf32>,
      %mul3A_755 = arith.mulf %get3A_39, %get3A_754 : vector<16xf32>
      %add3A_756 = arith.addf %add3A_750, %mul3A_755 : vector<16xf32>
      %reduce_sum3A_757 = arith.constant true
      %reduce_sum3A_758 = vector.broadcast %reduce_sum3A_757 : i1 to vector<16xi1>
      %reduce_sum3A_759 = tpu.scan <sum>, %add3A_756 masked %reduce_sum3A_758 : vector<16xf32>, vector<16xi1> -> vector<16xf32>
      %reduce_sum3A_760 = vector.extract %reduce_sum3A_759[15] : f32 from vector<16xf32>
      %eq3A_761 = arith.constant 12 : i32
      %eq3A_762 = vector.broadcast %eq3A_761 : i32 to vector<16xi32>
      %eq3A_763 = arith.cmpi eq, %iota3A, %eq3A_762 : vector<16xi32>
      %broadcast_in_dim3A_764 = vector.broadcast %reduce_sum3A_760 : f32 to vector<16xf32>
      %select_n3A_765 = arith.select %eq3A_763, %broadcast_in_dim3A_764, %select_n3A_709 : vector<16xi1>, vector<16xf32>
      %get3A_766 = arith.constant 13 : i32
      %get3A_767 = arith.index_cast %get3A_766 : i32 to index
      %get3A_768 = arith.constant 0 : index
      %get3A_769 = tpu.vector_load %arg9[%get3A_767, %get3A_768] {strides = array<i32>} : memref<40x128xf32, #tpu.memory_space<vmem>>, vector<16xf32>,
      %mul3A_770 = arith.mulf %get3A_11, %get3A_769 : vector<16xf32>
      %get3A_771 = arith.constant 13 : i32
      %get3A_772 = arith.index_cast %get3A_771 : i32 to index
      %get3A_773 = arith.constant 16 : index
      %get3A_774 = tpu.vector_load %arg9[%get3A_772, %get3A_773] {strides = array<i32>} : memref<40x128xf32, #tpu.memory_space<vmem>>, vector<16xf32>,
      %mul3A_775 = arith.mulf %get3A_15, %get3A_774 : vector<16xf32>
      %add3A_776 = arith.addf %mul3A_770, %mul3A_775 : vector<16xf32>
      %get3A_777 = arith.constant 13 : i32
      %get3A_778 = arith.index_cast %get3A_777 : i32 to index
      %get3A_779 = arith.constant 32 : index
      %get3A_780 = tpu.vector_load %arg9[%get3A_778, %get3A_779] {strides = array<i32>} : memref<40x128xf32, #tpu.memory_space<vmem>>, vector<16xf32>,
      %mul3A_781 = arith.mulf %get3A_19, %get3A_780 : vector<16xf32>
      %add3A_782 = arith.addf %add3A_776, %mul3A_781 : vector<16xf32>
      %get3A_783 = arith.constant 13 : i32
      %get3A_784 = arith.index_cast %get3A_783 : i32 to index
      %get3A_785 = arith.constant 48 : index
      %get3A_786 = tpu.vector_load %arg9[%get3A_784, %get3A_785] {strides = array<i32>} : memref<40x128xf32, #tpu.memory_space<vmem>>, vector<16xf32>,
      %mul3A_787 = arith.mulf %get3A_23, %get3A_786 : vector<16xf32>
      %add3A_788 = arith.addf %add3A_782, %mul3A_787 : vector<16xf32>
      %get3A_789 = arith.constant 13 : i32
      %get3A_790 = arith.index_cast %get3A_789 : i32 to index
      %get3A_791 = arith.constant 64 : index
      %get3A_792 = tpu.vector_load %arg9[%get3A_790, %get3A_791] {strides = array<i32>} : memref<40x128xf32, #tpu.memory_space<vmem>>, vector<16xf32>,
      %mul3A_793 = arith.mulf %get3A_27, %get3A_792 : vector<16xf32>
      %add3A_794 = arith.addf %add3A_788, %mul3A_793 : vector<16xf32>
      %get3A_795 = arith.constant 13 : i32
      %get3A_796 = arith.index_cast %get3A_795 : i32 to index
      %get3A_797 = arith.constant 80 : index
      %get3A_798 = tpu.vector_load %arg9[%get3A_796, %get3A_797] {strides = array<i32>} : memref<40x128xf32, #tpu.memory_space<vmem>>, vector<16xf32>,
      %mul3A_799 = arith.mulf %get3A_31, %get3A_798 : vector<16xf32>
      %add3A_800 = arith.addf %add3A_794, %mul3A_799 : vector<16xf32>
      %get3A_801 = arith.constant 13 : i32
      %get3A_802 = arith.index_cast %get3A_801 : i32 to index
      %get3A_803 = arith.constant 96 : index
      %get3A_804 = tpu.vector_load %arg9[%get3A_802, %get3A_803] {strides = array<i32>} : memref<40x128xf32, #tpu.memory_space<vmem>>, vector<16xf32>,
      %mul3A_805 = arith.mulf %get3A_35, %get3A_804 : vector<16xf32>
      %add3A_806 = arith.addf %add3A_800, %mul3A_805 : vector<16xf32>
      %get3A_807 = arith.constant 13 : i32
      %get3A_808 = arith.index_cast %get3A_807 : i32 to index
      %get3A_809 = arith.constant 112 : index
      %get3A_810 = tpu.vector_load %arg9[%get3A_808, %get3A_809] {strides = array<i32>} : memref<40x128xf32, #tpu.memory_space<vmem>>, vector<16xf32>,
      %mul3A_811 = arith.mulf %get3A_39, %get3A_810 : vector<16xf32>
      %add3A_812 = arith.addf %add3A_806, %mul3A_811 : vector<16xf32>
      %reduce_sum3A_813 = arith.constant true
      %reduce_sum3A_814 = vector.broadcast %reduce_sum3A_813 : i1 to vector<16xi1>
      %reduce_sum3A_815 = tpu.scan <sum>, %add3A_812 masked %reduce_sum3A_814 : vector<16xf32>, vector<16xi1> -> vector<16xf32>
      %reduce_sum3A_816 = vector.extract %reduce_sum3A_815[15] : f32 from vector<16xf32>
      %eq3A_817 = arith.constant 13 : i32
      %eq3A_818 = vector.broadcast %eq3A_817 : i32 to vector<16xi32>
      %eq3A_819 = arith.cmpi eq, %iota3A, %eq3A_818 : vector<16xi32>
      %broadcast_in_dim3A_820 = vector.broadcast %reduce_sum3A_816 : f32 to vector<16xf32>
      %select_n3A_821 = arith.select %eq3A_819, %broadcast_in_dim3A_820, %select_n3A_765 : vector<16xi1>, vector<16xf32>
      %get3A_822 = arith.constant 14 : i32
      %get3A_823 = arith.index_cast %get3A_822 : i32 to index
      %get3A_824 = arith.constant 0 : index
      %get3A_825 = tpu.vector_load %arg9[%get3A_823, %get3A_824] {strides = array<i32>} : memref<40x128xf32, #tpu.memory_space<vmem>>, vector<16xf32>,
      %mul3A_826 = arith.mulf %get3A_11, %get3A_825 : vector<16xf32>
      %get3A_827 = arith.constant 14 : i32
      %get3A_828 = arith.index_cast %get3A_827 : i32 to index
      %get3A_829 = arith.constant 16 : index
      %get3A_830 = tpu.vector_load %arg9[%get3A_828, %get3A_829] {strides = array<i32>} : memref<40x128xf32, #tpu.memory_space<vmem>>, vector<16xf32>,
      %mul3A_831 = arith.mulf %get3A_15, %get3A_830 : vector<16xf32>
      %add3A_832 = arith.addf %mul3A_826, %mul3A_831 : vector<16xf32>
      %get3A_833 = arith.constant 14 : i32
      %get3A_834 = arith.index_cast %get3A_833 : i32 to index
      %get3A_835 = arith.constant 32 : index
      %get3A_836 = tpu.vector_load %arg9[%get3A_834, %get3A_835] {strides = array<i32>} : memref<40x128xf32, #tpu.memory_space<vmem>>, vector<16xf32>,
      %mul3A_837 = arith.mulf %get3A_19, %get3A_836 : vector<16xf32>
      %add3A_838 = arith.addf %add3A_832, %mul3A_837 : vector<16xf32>
      %get3A_839 = arith.constant 14 : i32
      %get3A_840 = arith.index_cast %get3A_839 : i32 to index
      %get3A_841 = arith.constant 48 : index
      %get3A_842 = tpu.vector_load %arg9[%get3A_840, %get3A_841] {strides = array<i32>} : memref<40x128xf32, #tpu.memory_space<vmem>>, vector<16xf32>,
      %mul3A_843 = arith.mulf %get3A_23, %get3A_842 : vector<16xf32>
      %add3A_844 = arith.addf %add3A_838, %mul3A_843 : vector<16xf32>
      %get3A_845 = arith.constant 14 : i32
      %get3A_846 = arith.index_cast %get3A_845 : i32 to index
      %get3A_847 = arith.constant 64 : index
      %get3A_848 = tpu.vector_load %arg9[%get3A_846, %get3A_847] {strides = array<i32>} : memref<40x128xf32, #tpu.memory_space<vmem>>, vector<16xf32>,
      %mul3A_849 = arith.mulf %get3A_27, %get3A_848 : vector<16xf32>
      %add3A_850 = arith.addf %add3A_844, %mul3A_849 : vector<16xf32>
      %get3A_851 = arith.constant 14 : i32
      %get3A_852 = arith.index_cast %get3A_851 : i32 to index
      %get3A_853 = arith.constant 80 : index
      %get3A_854 = tpu.vector_load %arg9[%get3A_852, %get3A_853] {strides = array<i32>} : memref<40x128xf32, #tpu.memory_space<vmem>>, vector<16xf32>,
      %mul3A_855 = arith.mulf %get3A_31, %get3A_854 : vector<16xf32>
      %add3A_856 = arith.addf %add3A_850, %mul3A_855 : vector<16xf32>
      %get3A_857 = arith.constant 14 : i32
      %get3A_858 = arith.index_cast %get3A_857 : i32 to index
      %get3A_859 = arith.constant 96 : index
      %get3A_860 = tpu.vector_load %arg9[%get3A_858, %get3A_859] {strides = array<i32>} : memref<40x128xf32, #tpu.memory_space<vmem>>, vector<16xf32>,
      %mul3A_861 = arith.mulf %get3A_35, %get3A_860 : vector<16xf32>
      %add3A_862 = arith.addf %add3A_856, %mul3A_861 : vector<16xf32>
      %get3A_863 = arith.constant 14 : i32
      %get3A_864 = arith.index_cast %get3A_863 : i32 to index
      %get3A_865 = arith.constant 112 : index
      %get3A_866 = tpu.vector_load %arg9[%get3A_864, %get3A_865] {strides = array<i32>} : memref<40x128xf32, #tpu.memory_space<vmem>>, vector<16xf32>,
      %mul3A_867 = arith.mulf %get3A_39, %get3A_866 : vector<16xf32>
      %add3A_868 = arith.addf %add3A_862, %mul3A_867 : vector<16xf32>
      %reduce_sum3A_869 = arith.constant true
      %reduce_sum3A_870 = vector.broadcast %reduce_sum3A_869 : i1 to vector<16xi1>
      %reduce_sum3A_871 = tpu.scan <sum>, %add3A_868 masked %reduce_sum3A_870 : vector<16xf32>, vector<16xi1> -> vector<16xf32>
      %reduce_sum3A_872 = vector.extract %reduce_sum3A_871[15] : f32 from vector<16xf32>
      %eq3A_873 = arith.constant 14 : i32
      %eq3A_874 = vector.broadcast %eq3A_873 : i32 to vector<16xi32>
      %eq3A_875 = arith.cmpi eq, %iota3A, %eq3A_874 : vector<16xi32>
      %broadcast_in_dim3A_876 = vector.broadcast %reduce_sum3A_872 : f32 to vector<16xf32>
      %select_n3A_877 = arith.select %eq3A_875, %broadcast_in_dim3A_876, %select_n3A_821 : vector<16xi1>, vector<16xf32>
      %get3A_878 = arith.constant 15 : i32
      %get3A_879 = arith.index_cast %get3A_878 : i32 to index
      %get3A_880 = arith.constant 0 : index
      %get3A_881 = tpu.vector_load %arg9[%get3A_879, %get3A_880] {strides = array<i32>} : memref<40x128xf32, #tpu.memory_space<vmem>>, vector<16xf32>,
      %mul3A_882 = arith.mulf %get3A_11, %get3A_881 : vector<16xf32>
      %get3A_883 = arith.constant 15 : i32
      %get3A_884 = arith.index_cast %get3A_883 : i32 to index
      %get3A_885 = arith.constant 16 : index
      %get3A_886 = tpu.vector_load %arg9[%get3A_884, %get3A_885] {strides = array<i32>} : memref<40x128xf32, #tpu.memory_space<vmem>>, vector<16xf32>,
      %mul3A_887 = arith.mulf %get3A_15, %get3A_886 : vector<16xf32>
      %add3A_888 = arith.addf %mul3A_882, %mul3A_887 : vector<16xf32>
      %get3A_889 = arith.constant 15 : i32
      %get3A_890 = arith.index_cast %get3A_889 : i32 to index
      %get3A_891 = arith.constant 32 : index
      %get3A_892 = tpu.vector_load %arg9[%get3A_890, %get3A_891] {strides = array<i32>} : memref<40x128xf32, #tpu.memory_space<vmem>>, vector<16xf32>,
      %mul3A_893 = arith.mulf %get3A_19, %get3A_892 : vector<16xf32>
      %add3A_894 = arith.addf %add3A_888, %mul3A_893 : vector<16xf32>
      %get3A_895 = arith.constant 15 : i32
      %get3A_896 = arith.index_cast %get3A_895 : i32 to index
      %get3A_897 = arith.constant 48 : index
      %get3A_898 = tpu.vector_load %arg9[%get3A_896, %get3A_897] {strides = array<i32>} : memref<40x128xf32, #tpu.memory_space<vmem>>, vector<16xf32>,
      %mul3A_899 = arith.mulf %get3A_23, %get3A_898 : vector<16xf32>
      %add3A_900 = arith.addf %add3A_894, %mul3A_899 : vector<16xf32>
      %get3A_901 = arith.constant 15 : i32
      %get3A_902 = arith.index_cast %get3A_901 : i32 to index
      %get3A_903 = arith.constant 64 : index
      %get3A_904 = tpu.vector_load %arg9[%get3A_902, %get3A_903] {strides = array<i32>} : memref<40x128xf32, #tpu.memory_space<vmem>>, vector<16xf32>,
      %mul3A_905 = arith.mulf %get3A_27, %get3A_904 : vector<16xf32>
      %add3A_906 = arith.addf %add3A_900, %mul3A_905 : vector<16xf32>
      %get3A_907 = arith.constant 15 : i32
      %get3A_908 = arith.index_cast %get3A_907 : i32 to index
      %get3A_909 = arith.constant 80 : index
      %get3A_910 = tpu.vector_load %arg9[%get3A_908, %get3A_909] {strides = array<i32>} : memref<40x128xf32, #tpu.memory_space<vmem>>, vector<16xf32>,
      %mul3A_911 = arith.mulf %get3A_31, %get3A_910 : vector<16xf32>
      %add3A_912 = arith.addf %add3A_906, %mul3A_911 : vector<16xf32>
      %get3A_913 = arith.constant 15 : i32
      %get3A_914 = arith.index_cast %get3A_913 : i32 to index
      %get3A_915 = arith.constant 96 : index
      %get3A_916 = tpu.vector_load %arg9[%get3A_914, %get3A_915] {strides = array<i32>} : memref<40x128xf32, #tpu.memory_space<vmem>>, vector<16xf32>,
      %mul3A_917 = arith.mulf %get3A_35, %get3A_916 : vector<16xf32>
      %add3A_918 = arith.addf %add3A_912, %mul3A_917 : vector<16xf32>
      %get3A_919 = arith.constant 15 : i32
      %get3A_920 = arith.index_cast %get3A_919 : i32 to index
      %get3A_921 = arith.constant 112 : index
      %get3A_922 = tpu.vector_load %arg9[%get3A_920, %get3A_921] {strides = array<i32>} : memref<40x128xf32, #tpu.memory_space<vmem>>, vector<16xf32>,
      %mul3A_923 = arith.mulf %get3A_39, %get3A_922 : vector<16xf32>
      %add3A_924 = arith.addf %add3A_918, %mul3A_923 : vector<16xf32>
      %reduce_sum3A_925 = arith.constant true
      %reduce_sum3A_926 = vector.broadcast %reduce_sum3A_925 : i1 to vector<16xi1>
      %reduce_sum3A_927 = tpu.scan <sum>, %add3A_924 masked %reduce_sum3A_926 : vector<16xf32>, vector<16xi1> -> vector<16xf32>
      %reduce_sum3A_928 = vector.extract %reduce_sum3A_927[15] : f32 from vector<16xf32>
      %eq3A_929 = arith.constant 15 : i32
      %eq3A_930 = vector.broadcast %eq3A_929 : i32 to vector<16xi32>
      %eq3A_931 = arith.cmpi eq, %iota3A, %eq3A_930 : vector<16xi32>
      %broadcast_in_dim3A_932 = vector.broadcast %reduce_sum3A_928 : f32 to vector<16xf32>
      %select_n3A_933 = arith.select %eq3A_931, %broadcast_in_dim3A_932, %select_n3A_877 : vector<16xi1>, vector<16xf32>
      %get3A_934 = arith.constant 0 : index
      %get3A_935 = tpu.vector_load %arg10[%get3A_934] {strides = array<i32>} : memref<48xf32, #tpu.memory_space<vmem>>, vector<16xf32>,
      %add3A_936 = arith.addf %select_n3A_933, %get3A_935 : vector<16xf32>
      %max3A = arith.constant 0.000000e+00 : f32
      %max3A_937 = vector.broadcast %max3A : f32 to vector<16xf32>
      %max3A_938 = arith.maximumf %add3A_936, %max3A_937 : vector<16xf32>
      %swap3A = arith.constant 0 : index
      %swap3A_939 = tpu.vector_load %arg11[%swap3A] {strides = array<i32>} : memref<48xf32, #tpu.memory_space<vmem>>, vector<16xf32>,
      tpu.vector_store %arg11[%swap3A], %max3A_938 {strides = array<i32>} : memref<48xf32, #tpu.memory_space<vmem>>, vector<16xf32>,
      %broadcast_in_dim3A_940 = arith.constant 0.000000e+00 : f32
      %broadcast_in_dim3A_941 = vector.broadcast %broadcast_in_dim3A_940 : f32 to vector<16xf32>
      %get3A_942 = arith.constant 16 : i32
      %get3A_943 = arith.index_cast %get3A_942 : i32 to index
      %get3A_944 = arith.constant 0 : index
      %get3A_945 = tpu.vector_load %arg9[%get3A_943, %get3A_944] {strides = array<i32>} : memref<40x128xf32, #tpu.memory_space<vmem>>, vector<16xf32>,
      %mul3A_946 = arith.mulf %get3A_11, %get3A_945 : vector<16xf32>
      %get3A_947 = arith.constant 16 : i32
      %get3A_948 = arith.index_cast %get3A_947 : i32 to index
      %get3A_949 = arith.constant 16 : index
      %get3A_950 = tpu.vector_load %arg9[%get3A_948, %get3A_949] {strides = array<i32>} : memref<40x128xf32, #tpu.memory_space<vmem>>, vector<16xf32>,
      %mul3A_951 = arith.mulf %get3A_15, %get3A_950 : vector<16xf32>
      %add3A_952 = arith.addf %mul3A_946, %mul3A_951 : vector<16xf32>
      %get3A_953 = arith.constant 16 : i32
      %get3A_954 = arith.index_cast %get3A_953 : i32 to index
      %get3A_955 = arith.constant 32 : index
      %get3A_956 = tpu.vector_load %arg9[%get3A_954, %get3A_955] {strides = array<i32>} : memref<40x128xf32, #tpu.memory_space<vmem>>, vector<16xf32>,
      %mul3A_957 = arith.mulf %get3A_19, %get3A_956 : vector<16xf32>
      %add3A_958 = arith.addf %add3A_952, %mul3A_957 : vector<16xf32>
      %get3A_959 = arith.constant 16 : i32
      %get3A_960 = arith.index_cast %get3A_959 : i32 to index
      %get3A_961 = arith.constant 48 : index
      %get3A_962 = tpu.vector_load %arg9[%get3A_960, %get3A_961] {strides = array<i32>} : memref<40x128xf32, #tpu.memory_space<vmem>>, vector<16xf32>,
      %mul3A_963 = arith.mulf %get3A_23, %get3A_962 : vector<16xf32>
      %add3A_964 = arith.addf %add3A_958, %mul3A_963 : vector<16xf32>
      %get3A_965 = arith.constant 16 : i32
      %get3A_966 = arith.index_cast %get3A_965 : i32 to index
      %get3A_967 = arith.constant 64 : index
      %get3A_968 = tpu.vector_load %arg9[%get3A_966, %get3A_967] {strides = array<i32>} : memref<40x128xf32, #tpu.memory_space<vmem>>, vector<16xf32>,
      %mul3A_969 = arith.mulf %get3A_27, %get3A_968 : vector<16xf32>
      %add3A_970 = arith.addf %add3A_964, %mul3A_969 : vector<16xf32>
      %get3A_971 = arith.constant 16 : i32
      %get3A_972 = arith.index_cast %get3A_971 : i32 to index
      %get3A_973 = arith.constant 80 : index
      %get3A_974 = tpu.vector_load %arg9[%get3A_972, %get3A_973] {strides = array<i32>} : memref<40x128xf32, #tpu.memory_space<vmem>>, vector<16xf32>,
      %mul3A_975 = arith.mulf %get3A_31, %get3A_974 : vector<16xf32>
      %add3A_976 = arith.addf %add3A_970, %mul3A_975 : vector<16xf32>
      %get3A_977 = arith.constant 16 : i32
      %get3A_978 = arith.index_cast %get3A_977 : i32 to index
      %get3A_979 = arith.constant 96 : index
      %get3A_980 = tpu.vector_load %arg9[%get3A_978, %get3A_979] {strides = array<i32>} : memref<40x128xf32, #tpu.memory_space<vmem>>, vector<16xf32>,
      %mul3A_981 = arith.mulf %get3A_35, %get3A_980 : vector<16xf32>
      %add3A_982 = arith.addf %add3A_976, %mul3A_981 : vector<16xf32>
      %get3A_983 = arith.constant 16 : i32
      %get3A_984 = arith.index_cast %get3A_983 : i32 to index
      %get3A_985 = arith.constant 112 : index
      %get3A_986 = tpu.vector_load %arg9[%get3A_984, %get3A_985] {strides = array<i32>} : memref<40x128xf32, #tpu.memory_space<vmem>>, vector<16xf32>,
      %mul3A_987 = arith.mulf %get3A_39, %get3A_986 : vector<16xf32>
      %add3A_988 = arith.addf %add3A_982, %mul3A_987 : vector<16xf32>
      %reduce_sum3A_989 = arith.constant true
      %reduce_sum3A_990 = vector.broadcast %reduce_sum3A_989 : i1 to vector<16xi1>
      %reduce_sum3A_991 = tpu.scan <sum>, %add3A_988 masked %reduce_sum3A_990 : vector<16xf32>, vector<16xi1> -> vector<16xf32>
      %reduce_sum3A_992 = vector.extract %reduce_sum3A_991[15] : f32 from vector<16xf32>
      %eq3A_993 = arith.constant 0 : i32
      %eq3A_994 = vector.broadcast %eq3A_993 : i32 to vector<16xi32>
      %eq3A_995 = arith.cmpi eq, %iota3A, %eq3A_994 : vector<16xi32>
      %broadcast_in_dim3A_996 = vector.broadcast %reduce_sum3A_992 : f32 to vector<16xf32>
      %select_n3A_997 = arith.select %eq3A_995, %broadcast_in_dim3A_996, %broadcast_in_dim3A_941 : vector<16xi1>, vector<16xf32>
      %get3A_998 = arith.constant 17 : i32
      %get3A_999 = arith.index_cast %get3A_998 : i32 to index
      %get3A_1000 = arith.constant 0 : index
      %get3A_1001 = tpu.vector_load %arg9[%get3A_999, %get3A_1000] {strides = array<i32>} : memref<40x128xf32, #tpu.memory_space<vmem>>, vector<16xf32>,
      %mul3A_1002 = arith.mulf %get3A_11, %get3A_1001 : vector<16xf32>
      %get3A_1003 = arith.constant 17 : i32
      %get3A_1004 = arith.index_cast %get3A_1003 : i32 to index
      %get3A_1005 = arith.constant 16 : index
      %get3A_1006 = tpu.vector_load %arg9[%get3A_1004, %get3A_1005] {strides = array<i32>} : memref<40x128xf32, #tpu.memory_space<vmem>>, vector<16xf32>,
      %mul3A_1007 = arith.mulf %get3A_15, %get3A_1006 : vector<16xf32>
      %add3A_1008 = arith.addf %mul3A_1002, %mul3A_1007 : vector<16xf32>
      %get3A_1009 = arith.constant 17 : i32
      %get3A_1010 = arith.index_cast %get3A_1009 : i32 to index
      %get3A_1011 = arith.constant 32 : index
      %get3A_1012 = tpu.vector_load %arg9[%get3A_1010, %get3A_1011] {strides = array<i32>} : memref<40x128xf32, #tpu.memory_space<vmem>>, vector<16xf32>,
      %mul3A_1013 = arith.mulf %get3A_19, %get3A_1012 : vector<16xf32>
      %add3A_1014 = arith.addf %add3A_1008, %mul3A_1013 : vector<16xf32>
      %get3A_1015 = arith.constant 17 : i32
      %get3A_1016 = arith.index_cast %get3A_1015 : i32 to index
      %get3A_1017 = arith.constant 48 : index
      %get3A_1018 = tpu.vector_load %arg9[%get3A_1016, %get3A_1017] {strides = array<i32>} : memref<40x128xf32, #tpu.memory_space<vmem>>, vector<16xf32>,
      %mul3A_1019 = arith.mulf %get3A_23, %get3A_1018 : vector<16xf32>
      %add3A_1020 = arith.addf %add3A_1014, %mul3A_1019 : vector<16xf32>
      %get3A_1021 = arith.constant 17 : i32
      %get3A_1022 = arith.index_cast %get3A_1021 : i32 to index
      %get3A_1023 = arith.constant 64 : index
      %get3A_1024 = tpu.vector_load %arg9[%get3A_1022, %get3A_1023] {strides = array<i32>} : memref<40x128xf32, #tpu.memory_space<vmem>>, vector<16xf32>,
      %mul3A_1025 = arith.mulf %get3A_27, %get3A_1024 : vector<16xf32>
      %add3A_1026 = arith.addf %add3A_1020, %mul3A_1025 : vector<16xf32>
      %get3A_1027 = arith.constant 17 : i32
      %get3A_1028 = arith.index_cast %get3A_1027 : i32 to index
      %get3A_1029 = arith.constant 80 : index
      %get3A_1030 = tpu.vector_load %arg9[%get3A_1028, %get3A_1029] {strides = array<i32>} : memref<40x128xf32, #tpu.memory_space<vmem>>, vector<16xf32>,
      %mul3A_1031 = arith.mulf %get3A_31, %get3A_1030 : vector<16xf32>
      %add3A_1032 = arith.addf %add3A_1026, %mul3A_1031 : vector<16xf32>
      %get3A_1033 = arith.constant 17 : i32
      %get3A_1034 = arith.index_cast %get3A_1033 : i32 to index
      %get3A_1035 = arith.constant 96 : index
      %get3A_1036 = tpu.vector_load %arg9[%get3A_1034, %get3A_1035] {strides = array<i32>} : memref<40x128xf32, #tpu.memory_space<vmem>>, vector<16xf32>,
      %mul3A_1037 = arith.mulf %get3A_35, %get3A_1036 : vector<16xf32>
      %add3A_1038 = arith.addf %add3A_1032, %mul3A_1037 : vector<16xf32>
      %get3A_1039 = arith.constant 17 : i32
      %get3A_1040 = arith.index_cast %get3A_1039 : i32 to index
      %get3A_1041 = arith.constant 112 : index
      %get3A_1042 = tpu.vector_load %arg9[%get3A_1040, %get3A_1041] {strides = array<i32>} : memref<40x128xf32, #tpu.memory_space<vmem>>, vector<16xf32>,
      %mul3A_1043 = arith.mulf %get3A_39, %get3A_1042 : vector<16xf32>
      %add3A_1044 = arith.addf %add3A_1038, %mul3A_1043 : vector<16xf32>
      %reduce_sum3A_1045 = arith.constant true
      %reduce_sum3A_1046 = vector.broadcast %reduce_sum3A_1045 : i1 to vector<16xi1>
      %reduce_sum3A_1047 = tpu.scan <sum>, %add3A_1044 masked %reduce_sum3A_1046 : vector<16xf32>, vector<16xi1> -> vector<16xf32>
      %reduce_sum3A_1048 = vector.extract %reduce_sum3A_1047[15] : f32 from vector<16xf32>
      %eq3A_1049 = arith.constant 1 : i32
      %eq3A_1050 = vector.broadcast %eq3A_1049 : i32 to vector<16xi32>
      %eq3A_1051 = arith.cmpi eq, %iota3A, %eq3A_1050 : vector<16xi32>
      %broadcast_in_dim3A_1052 = vector.broadcast %reduce_sum3A_1048 : f32 to vector<16xf32>
      %select_n3A_1053 = arith.select %eq3A_1051, %broadcast_in_dim3A_1052, %select_n3A_997 : vector<16xi1>, vector<16xf32>
      %get3A_1054 = arith.constant 18 : i32
      %get3A_1055 = arith.index_cast %get3A_1054 : i32 to index
      %get3A_1056 = arith.constant 0 : index
      %get3A_1057 = tpu.vector_load %arg9[%get3A_1055, %get3A_1056] {strides = array<i32>} : memref<40x128xf32, #tpu.memory_space<vmem>>, vector<16xf32>,
      %mul3A_1058 = arith.mulf %get3A_11, %get3A_1057 : vector<16xf32>
      %get3A_1059 = arith.constant 18 : i32
      %get3A_1060 = arith.index_cast %get3A_1059 : i32 to index
      %get3A_1061 = arith.constant 16 : index
      %get3A_1062 = tpu.vector_load %arg9[%get3A_1060, %get3A_1061] {strides = array<i32>} : memref<40x128xf32, #tpu.memory_space<vmem>>, vector<16xf32>,
      %mul3A_1063 = arith.mulf %get3A_15, %get3A_1062 : vector<16xf32>
      %add3A_1064 = arith.addf %mul3A_1058, %mul3A_1063 : vector<16xf32>
      %get3A_1065 = arith.constant 18 : i32
      %get3A_1066 = arith.index_cast %get3A_1065 : i32 to index
      %get3A_1067 = arith.constant 32 : index
      %get3A_1068 = tpu.vector_load %arg9[%get3A_1066, %get3A_1067] {strides = array<i32>} : memref<40x128xf32, #tpu.memory_space<vmem>>, vector<16xf32>,
      %mul3A_1069 = arith.mulf %get3A_19, %get3A_1068 : vector<16xf32>
      %add3A_1070 = arith.addf %add3A_1064, %mul3A_1069 : vector<16xf32>
      %get3A_1071 = arith.constant 18 : i32
      %get3A_1072 = arith.index_cast %get3A_1071 : i32 to index
      %get3A_1073 = arith.constant 48 : index
      %get3A_1074 = tpu.vector_load %arg9[%get3A_1072, %get3A_1073] {strides = array<i32>} : memref<40x128xf32, #tpu.memory_space<vmem>>, vector<16xf32>,
      %mul3A_1075 = arith.mulf %get3A_23, %get3A_1074 : vector<16xf32>
      %add3A_1076 = arith.addf %add3A_1070, %mul3A_1075 : vector<16xf32>
      %get3A_1077 = arith.constant 18 : i32
      %get3A_1078 = arith.index_cast %get3A_1077 : i32 to index
      %get3A_1079 = arith.constant 64 : index
      %get3A_1080 = tpu.vector_load %arg9[%get3A_1078, %get3A_1079] {strides = array<i32>} : memref<40x128xf32, #tpu.memory_space<vmem>>, vector<16xf32>,
      %mul3A_1081 = arith.mulf %get3A_27, %get3A_1080 : vector<16xf32>
      %add3A_1082 = arith.addf %add3A_1076, %mul3A_1081 : vector<16xf32>
      %get3A_1083 = arith.constant 18 : i32
      %get3A_1084 = arith.index_cast %get3A_1083 : i32 to index
      %get3A_1085 = arith.constant 80 : index
      %get3A_1086 = tpu.vector_load %arg9[%get3A_1084, %get3A_1085] {strides = array<i32>} : memref<40x128xf32, #tpu.memory_space<vmem>>, vector<16xf32>,
      %mul3A_1087 = arith.mulf %get3A_31, %get3A_1086 : vector<16xf32>
      %add3A_1088 = arith.addf %add3A_1082, %mul3A_1087 : vector<16xf32>
      %get3A_1089 = arith.constant 18 : i32
      %get3A_1090 = arith.index_cast %get3A_1089 : i32 to index
      %get3A_1091 = arith.constant 96 : index
      %get3A_1092 = tpu.vector_load %arg9[%get3A_1090, %get3A_1091] {strides = array<i32>} : memref<40x128xf32, #tpu.memory_space<vmem>>, vector<16xf32>,
      %mul3A_1093 = arith.mulf %get3A_35, %get3A_1092 : vector<16xf32>
      %add3A_1094 = arith.addf %add3A_1088, %mul3A_1093 : vector<16xf32>
      %get3A_1095 = arith.constant 18 : i32
      %get3A_1096 = arith.index_cast %get3A_1095 : i32 to index
      %get3A_1097 = arith.constant 112 : index
      %get3A_1098 = tpu.vector_load %arg9[%get3A_1096, %get3A_1097] {strides = array<i32>} : memref<40x128xf32, #tpu.memory_space<vmem>>, vector<16xf32>,
      %mul3A_1099 = arith.mulf %get3A_39, %get3A_1098 : vector<16xf32>
      %add3A_1100 = arith.addf %add3A_1094, %mul3A_1099 : vector<16xf32>
      %reduce_sum3A_1101 = arith.constant true
      %reduce_sum3A_1102 = vector.broadcast %reduce_sum3A_1101 : i1 to vector<16xi1>
      %reduce_sum3A_1103 = tpu.scan <sum>, %add3A_1100 masked %reduce_sum3A_1102 : vector<16xf32>, vector<16xi1> -> vector<16xf32>
      %reduce_sum3A_1104 = vector.extract %reduce_sum3A_1103[15] : f32 from vector<16xf32>
      %eq3A_1105 = arith.constant 2 : i32
      %eq3A_1106 = vector.broadcast %eq3A_1105 : i32 to vector<16xi32>
      %eq3A_1107 = arith.cmpi eq, %iota3A, %eq3A_1106 : vector<16xi32>
      %broadcast_in_dim3A_1108 = vector.broadcast %reduce_sum3A_1104 : f32 to vector<16xf32>
      %select_n3A_1109 = arith.select %eq3A_1107, %broadcast_in_dim3A_1108, %select_n3A_1053 : vector<16xi1>, vector<16xf32>
      %get3A_1110 = arith.constant 19 : i32
      %get3A_1111 = arith.index_cast %get3A_1110 : i32 to index
      %get3A_1112 = arith.constant 0 : index
      %get3A_1113 = tpu.vector_load %arg9[%get3A_1111, %get3A_1112] {strides = array<i32>} : memref<40x128xf32, #tpu.memory_space<vmem>>, vector<16xf32>,
      %mul3A_1114 = arith.mulf %get3A_11, %get3A_1113 : vector<16xf32>
      %get3A_1115 = arith.constant 19 : i32
      %get3A_1116 = arith.index_cast %get3A_1115 : i32 to index
      %get3A_1117 = arith.constant 16 : index
      %get3A_1118 = tpu.vector_load %arg9[%get3A_1116, %get3A_1117] {strides = array<i32>} : memref<40x128xf32, #tpu.memory_space<vmem>>, vector<16xf32>,
      %mul3A_1119 = arith.mulf %get3A_15, %get3A_1118 : vector<16xf32>
      %add3A_1120 = arith.addf %mul3A_1114, %mul3A_1119 : vector<16xf32>
      %get3A_1121 = arith.constant 19 : i32
      %get3A_1122 = arith.index_cast %get3A_1121 : i32 to index
      %get3A_1123 = arith.constant 32 : index
      %get3A_1124 = tpu.vector_load %arg9[%get3A_1122, %get3A_1123] {strides = array<i32>} : memref<40x128xf32, #tpu.memory_space<vmem>>, vector<16xf32>,
      %mul3A_1125 = arith.mulf %get3A_19, %get3A_1124 : vector<16xf32>
      %add3A_1126 = arith.addf %add3A_1120, %mul3A_1125 : vector<16xf32>
      %get3A_1127 = arith.constant 19 : i32
      %get3A_1128 = arith.index_cast %get3A_1127 : i32 to index
      %get3A_1129 = arith.constant 48 : index
      %get3A_1130 = tpu.vector_load %arg9[%get3A_1128, %get3A_1129] {strides = array<i32>} : memref<40x128xf32, #tpu.memory_space<vmem>>, vector<16xf32>,
      %mul3A_1131 = arith.mulf %get3A_23, %get3A_1130 : vector<16xf32>
      %add3A_1132 = arith.addf %add3A_1126, %mul3A_1131 : vector<16xf32>
      %get3A_1133 = arith.constant 19 : i32
      %get3A_1134 = arith.index_cast %get3A_1133 : i32 to index
      %get3A_1135 = arith.constant 64 : index
      %get3A_1136 = tpu.vector_load %arg9[%get3A_1134, %get3A_1135] {strides = array<i32>} : memref<40x128xf32, #tpu.memory_space<vmem>>, vector<16xf32>,
      %mul3A_1137 = arith.mulf %get3A_27, %get3A_1136 : vector<16xf32>
      %add3A_1138 = arith.addf %add3A_1132, %mul3A_1137 : vector<16xf32>
      %get3A_1139 = arith.constant 19 : i32
      %get3A_1140 = arith.index_cast %get3A_1139 : i32 to index
      %get3A_1141 = arith.constant 80 : index
      %get3A_1142 = tpu.vector_load %arg9[%get3A_1140, %get3A_1141] {strides = array<i32>} : memref<40x128xf32, #tpu.memory_space<vmem>>, vector<16xf32>,
      %mul3A_1143 = arith.mulf %get3A_31, %get3A_1142 : vector<16xf32>
      %add3A_1144 = arith.addf %add3A_1138, %mul3A_1143 : vector<16xf32>
      %get3A_1145 = arith.constant 19 : i32
      %get3A_1146 = arith.index_cast %get3A_1145 : i32 to index
      %get3A_1147 = arith.constant 96 : index
      %get3A_1148 = tpu.vector_load %arg9[%get3A_1146, %get3A_1147] {strides = array<i32>} : memref<40x128xf32, #tpu.memory_space<vmem>>, vector<16xf32>,
      %mul3A_1149 = arith.mulf %get3A_35, %get3A_1148 : vector<16xf32>
      %add3A_1150 = arith.addf %add3A_1144, %mul3A_1149 : vector<16xf32>
      %get3A_1151 = arith.constant 19 : i32
      %get3A_1152 = arith.index_cast %get3A_1151 : i32 to index
      %get3A_1153 = arith.constant 112 : index
      %get3A_1154 = tpu.vector_load %arg9[%get3A_1152, %get3A_1153] {strides = array<i32>} : memref<40x128xf32, #tpu.memory_space<vmem>>, vector<16xf32>,
      %mul3A_1155 = arith.mulf %get3A_39, %get3A_1154 : vector<16xf32>
      %add3A_1156 = arith.addf %add3A_1150, %mul3A_1155 : vector<16xf32>
      %reduce_sum3A_1157 = arith.constant true
      %reduce_sum3A_1158 = vector.broadcast %reduce_sum3A_1157 : i1 to vector<16xi1>
      %reduce_sum3A_1159 = tpu.scan <sum>, %add3A_1156 masked %reduce_sum3A_1158 : vector<16xf32>, vector<16xi1> -> vector<16xf32>
      %reduce_sum3A_1160 = vector.extract %reduce_sum3A_1159[15] : f32 from vector<16xf32>
      %eq3A_1161 = arith.constant 3 : i32
      %eq3A_1162 = vector.broadcast %eq3A_1161 : i32 to vector<16xi32>
      %eq3A_1163 = arith.cmpi eq, %iota3A, %eq3A_1162 : vector<16xi32>
      %broadcast_in_dim3A_1164 = vector.broadcast %reduce_sum3A_1160 : f32 to vector<16xf32>
      %select_n3A_1165 = arith.select %eq3A_1163, %broadcast_in_dim3A_1164, %select_n3A_1109 : vector<16xi1>, vector<16xf32>
      %get3A_1166 = arith.constant 20 : i32
      %get3A_1167 = arith.index_cast %get3A_1166 : i32 to index
      %get3A_1168 = arith.constant 0 : index
      %get3A_1169 = tpu.vector_load %arg9[%get3A_1167, %get3A_1168] {strides = array<i32>} : memref<40x128xf32, #tpu.memory_space<vmem>>, vector<16xf32>,
      %mul3A_1170 = arith.mulf %get3A_11, %get3A_1169 : vector<16xf32>
      %get3A_1171 = arith.constant 20 : i32
      %get3A_1172 = arith.index_cast %get3A_1171 : i32 to index
      %get3A_1173 = arith.constant 16 : index
      %get3A_1174 = tpu.vector_load %arg9[%get3A_1172, %get3A_1173] {strides = array<i32>} : memref<40x128xf32, #tpu.memory_space<vmem>>, vector<16xf32>,
      %mul3A_1175 = arith.mulf %get3A_15, %get3A_1174 : vector<16xf32>
      %add3A_1176 = arith.addf %mul3A_1170, %mul3A_1175 : vector<16xf32>
      %get3A_1177 = arith.constant 20 : i32
      %get3A_1178 = arith.index_cast %get3A_1177 : i32 to index
      %get3A_1179 = arith.constant 32 : index
      %get3A_1180 = tpu.vector_load %arg9[%get3A_1178, %get3A_1179] {strides = array<i32>} : memref<40x128xf32, #tpu.memory_space<vmem>>, vector<16xf32>,
      %mul3A_1181 = arith.mulf %get3A_19, %get3A_1180 : vector<16xf32>
      %add3A_1182 = arith.addf %add3A_1176, %mul3A_1181 : vector<16xf32>
      %get3A_1183 = arith.constant 20 : i32
      %get3A_1184 = arith.index_cast %get3A_1183 : i32 to index
      %get3A_1185 = arith.constant 48 : index
      %get3A_1186 = tpu.vector_load %arg9[%get3A_1184, %get3A_1185] {strides = array<i32>} : memref<40x128xf32, #tpu.memory_space<vmem>>, vector<16xf32>,
      %mul3A_1187 = arith.mulf %get3A_23, %get3A_1186 : vector<16xf32>
      %add3A_1188 = arith.addf %add3A_1182, %mul3A_1187 : vector<16xf32>
      %get3A_1189 = arith.constant 20 : i32
      %get3A_1190 = arith.index_cast %get3A_1189 : i32 to index
      %get3A_1191 = arith.constant 64 : index
      %get3A_1192 = tpu.vector_load %arg9[%get3A_1190, %get3A_1191] {strides = array<i32>} : memref<40x128xf32, #tpu.memory_space<vmem>>, vector<16xf32>,
      %mul3A_1193 = arith.mulf %get3A_27, %get3A_1192 : vector<16xf32>
      %add3A_1194 = arith.addf %add3A_1188, %mul3A_1193 : vector<16xf32>
      %get3A_1195 = arith.constant 20 : i32
      %get3A_1196 = arith.index_cast %get3A_1195 : i32 to index
      %get3A_1197 = arith.constant 80 : index
      %get3A_1198 = tpu.vector_load %arg9[%get3A_1196, %get3A_1197] {strides = array<i32>} : memref<40x128xf32, #tpu.memory_space<vmem>>, vector<16xf32>,
      %mul3A_1199 = arith.mulf %get3A_31, %get3A_1198 : vector<16xf32>
      %add3A_1200 = arith.addf %add3A_1194, %mul3A_1199 : vector<16xf32>
      %get3A_1201 = arith.constant 20 : i32
      %get3A_1202 = arith.index_cast %get3A_1201 : i32 to index
      %get3A_1203 = arith.constant 96 : index
      %get3A_1204 = tpu.vector_load %arg9[%get3A_1202, %get3A_1203] {strides = array<i32>} : memref<40x128xf32, #tpu.memory_space<vmem>>, vector<16xf32>,
      %mul3A_1205 = arith.mulf %get3A_35, %get3A_1204 : vector<16xf32>
      %add3A_1206 = arith.addf %add3A_1200, %mul3A_1205 : vector<16xf32>
      %get3A_1207 = arith.constant 20 : i32
      %get3A_1208 = arith.index_cast %get3A_1207 : i32 to index
      %get3A_1209 = arith.constant 112 : index
      %get3A_1210 = tpu.vector_load %arg9[%get3A_1208, %get3A_1209] {strides = array<i32>} : memref<40x128xf32, #tpu.memory_space<vmem>>, vector<16xf32>,
      %mul3A_1211 = arith.mulf %get3A_39, %get3A_1210 : vector<16xf32>
      %add3A_1212 = arith.addf %add3A_1206, %mul3A_1211 : vector<16xf32>
      %reduce_sum3A_1213 = arith.constant true
      %reduce_sum3A_1214 = vector.broadcast %reduce_sum3A_1213 : i1 to vector<16xi1>
      %reduce_sum3A_1215 = tpu.scan <sum>, %add3A_1212 masked %reduce_sum3A_1214 : vector<16xf32>, vector<16xi1> -> vector<16xf32>
      %reduce_sum3A_1216 = vector.extract %reduce_sum3A_1215[15] : f32 from vector<16xf32>
      %eq3A_1217 = arith.constant 4 : i32
      %eq3A_1218 = vector.broadcast %eq3A_1217 : i32 to vector<16xi32>
      %eq3A_1219 = arith.cmpi eq, %iota3A, %eq3A_1218 : vector<16xi32>
      %broadcast_in_dim3A_1220 = vector.broadcast %reduce_sum3A_1216 : f32 to vector<16xf32>
      %select_n3A_1221 = arith.select %eq3A_1219, %broadcast_in_dim3A_1220, %select_n3A_1165 : vector<16xi1>, vector<16xf32>
      %get3A_1222 = arith.constant 21 : i32
      %get3A_1223 = arith.index_cast %get3A_1222 : i32 to index
      %get3A_1224 = arith.constant 0 : index
      %get3A_1225 = tpu.vector_load %arg9[%get3A_1223, %get3A_1224] {strides = array<i32>} : memref<40x128xf32, #tpu.memory_space<vmem>>, vector<16xf32>,
      %mul3A_1226 = arith.mulf %get3A_11, %get3A_1225 : vector<16xf32>
      %get3A_1227 = arith.constant 21 : i32
      %get3A_1228 = arith.index_cast %get3A_1227 : i32 to index
      %get3A_1229 = arith.constant 16 : index
      %get3A_1230 = tpu.vector_load %arg9[%get3A_1228, %get3A_1229] {strides = array<i32>} : memref<40x128xf32, #tpu.memory_space<vmem>>, vector<16xf32>,
      %mul3A_1231 = arith.mulf %get3A_15, %get3A_1230 : vector<16xf32>
      %add3A_1232 = arith.addf %mul3A_1226, %mul3A_1231 : vector<16xf32>
      %get3A_1233 = arith.constant 21 : i32
      %get3A_1234 = arith.index_cast %get3A_1233 : i32 to index
      %get3A_1235 = arith.constant 32 : index
      %get3A_1236 = tpu.vector_load %arg9[%get3A_1234, %get3A_1235] {strides = array<i32>} : memref<40x128xf32, #tpu.memory_space<vmem>>, vector<16xf32>,
      %mul3A_1237 = arith.mulf %get3A_19, %get3A_1236 : vector<16xf32>
      %add3A_1238 = arith.addf %add3A_1232, %mul3A_1237 : vector<16xf32>
      %get3A_1239 = arith.constant 21 : i32
      %get3A_1240 = arith.index_cast %get3A_1239 : i32 to index
      %get3A_1241 = arith.constant 48 : index
      %get3A_1242 = tpu.vector_load %arg9[%get3A_1240, %get3A_1241] {strides = array<i32>} : memref<40x128xf32, #tpu.memory_space<vmem>>, vector<16xf32>,
      %mul3A_1243 = arith.mulf %get3A_23, %get3A_1242 : vector<16xf32>
      %add3A_1244 = arith.addf %add3A_1238, %mul3A_1243 : vector<16xf32>
      %get3A_1245 = arith.constant 21 : i32
      %get3A_1246 = arith.index_cast %get3A_1245 : i32 to index
      %get3A_1247 = arith.constant 64 : index
      %get3A_1248 = tpu.vector_load %arg9[%get3A_1246, %get3A_1247] {strides = array<i32>} : memref<40x128xf32, #tpu.memory_space<vmem>>, vector<16xf32>,
      %mul3A_1249 = arith.mulf %get3A_27, %get3A_1248 : vector<16xf32>
      %add3A_1250 = arith.addf %add3A_1244, %mul3A_1249 : vector<16xf32>
      %get3A_1251 = arith.constant 21 : i32
      %get3A_1252 = arith.index_cast %get3A_1251 : i32 to index
      %get3A_1253 = arith.constant 80 : index
      %get3A_1254 = tpu.vector_load %arg9[%get3A_1252, %get3A_1253] {strides = array<i32>} : memref<40x128xf32, #tpu.memory_space<vmem>>, vector<16xf32>,
      %mul3A_1255 = arith.mulf %get3A_31, %get3A_1254 : vector<16xf32>
      %add3A_1256 = arith.addf %add3A_1250, %mul3A_1255 : vector<16xf32>
      %get3A_1257 = arith.constant 21 : i32
      %get3A_1258 = arith.index_cast %get3A_1257 : i32 to index
      %get3A_1259 = arith.constant 96 : index
      %get3A_1260 = tpu.vector_load %arg9[%get3A_1258, %get3A_1259] {strides = array<i32>} : memref<40x128xf32, #tpu.memory_space<vmem>>, vector<16xf32>,
      %mul3A_1261 = arith.mulf %get3A_35, %get3A_1260 : vector<16xf32>
      %add3A_1262 = arith.addf %add3A_1256, %mul3A_1261 : vector<16xf32>
      %get3A_1263 = arith.constant 21 : i32
      %get3A_1264 = arith.index_cast %get3A_1263 : i32 to index
      %get3A_1265 = arith.constant 112 : index
      %get3A_1266 = tpu.vector_load %arg9[%get3A_1264, %get3A_1265] {strides = array<i32>} : memref<40x128xf32, #tpu.memory_space<vmem>>, vector<16xf32>,
      %mul3A_1267 = arith.mulf %get3A_39, %get3A_1266 : vector<16xf32>
      %add3A_1268 = arith.addf %add3A_1262, %mul3A_1267 : vector<16xf32>
      %reduce_sum3A_1269 = arith.constant true
      %reduce_sum3A_1270 = vector.broadcast %reduce_sum3A_1269 : i1 to vector<16xi1>
      %reduce_sum3A_1271 = tpu.scan <sum>, %add3A_1268 masked %reduce_sum3A_1270 : vector<16xf32>, vector<16xi1> -> vector<16xf32>
      %reduce_sum3A_1272 = vector.extract %reduce_sum3A_1271[15] : f32 from vector<16xf32>
      %eq3A_1273 = arith.constant 5 : i32
      %eq3A_1274 = vector.broadcast %eq3A_1273 : i32 to vector<16xi32>
      %eq3A_1275 = arith.cmpi eq, %iota3A, %eq3A_1274 : vector<16xi32>
      %broadcast_in_dim3A_1276 = vector.broadcast %reduce_sum3A_1272 : f32 to vector<16xf32>
      %select_n3A_1277 = arith.select %eq3A_1275, %broadcast_in_dim3A_1276, %select_n3A_1221 : vector<16xi1>, vector<16xf32>
      %get3A_1278 = arith.constant 22 : i32
      %get3A_1279 = arith.index_cast %get3A_1278 : i32 to index
      %get3A_1280 = arith.constant 0 : index
      %get3A_1281 = tpu.vector_load %arg9[%get3A_1279, %get3A_1280] {strides = array<i32>} : memref<40x128xf32, #tpu.memory_space<vmem>>, vector<16xf32>,
      %mul3A_1282 = arith.mulf %get3A_11, %get3A_1281 : vector<16xf32>
      %get3A_1283 = arith.constant 22 : i32
      %get3A_1284 = arith.index_cast %get3A_1283 : i32 to index
      %get3A_1285 = arith.constant 16 : index
      %get3A_1286 = tpu.vector_load %arg9[%get3A_1284, %get3A_1285] {strides = array<i32>} : memref<40x128xf32, #tpu.memory_space<vmem>>, vector<16xf32>,
      %mul3A_1287 = arith.mulf %get3A_15, %get3A_1286 : vector<16xf32>
      %add3A_1288 = arith.addf %mul3A_1282, %mul3A_1287 : vector<16xf32>
      %get3A_1289 = arith.constant 22 : i32
      %get3A_1290 = arith.index_cast %get3A_1289 : i32 to index
      %get3A_1291 = arith.constant 32 : index
      %get3A_1292 = tpu.vector_load %arg9[%get3A_1290, %get3A_1291] {strides = array<i32>} : memref<40x128xf32, #tpu.memory_space<vmem>>, vector<16xf32>,
      %mul3A_1293 = arith.mulf %get3A_19, %get3A_1292 : vector<16xf32>
      %add3A_1294 = arith.addf %add3A_1288, %mul3A_1293 : vector<16xf32>
      %get3A_1295 = arith.constant 22 : i32
      %get3A_1296 = arith.index_cast %get3A_1295 : i32 to index
      %get3A_1297 = arith.constant 48 : index
      %get3A_1298 = tpu.vector_load %arg9[%get3A_1296, %get3A_1297] {strides = array<i32>} : memref<40x128xf32, #tpu.memory_space<vmem>>, vector<16xf32>,
      %mul3A_1299 = arith.mulf %get3A_23, %get3A_1298 : vector<16xf32>
      %add3A_1300 = arith.addf %add3A_1294, %mul3A_1299 : vector<16xf32>
      %get3A_1301 = arith.constant 22 : i32
      %get3A_1302 = arith.index_cast %get3A_1301 : i32 to index
      %get3A_1303 = arith.constant 64 : index
      %get3A_1304 = tpu.vector_load %arg9[%get3A_1302, %get3A_1303] {strides = array<i32>} : memref<40x128xf32, #tpu.memory_space<vmem>>, vector<16xf32>,
      %mul3A_1305 = arith.mulf %get3A_27, %get3A_1304 : vector<16xf32>
      %add3A_1306 = arith.addf %add3A_1300, %mul3A_1305 : vector<16xf32>
      %get3A_1307 = arith.constant 22 : i32
      %get3A_1308 = arith.index_cast %get3A_1307 : i32 to index
      %get3A_1309 = arith.constant 80 : index
      %get3A_1310 = tpu.vector_load %arg9[%get3A_1308, %get3A_1309] {strides = array<i32>} : memref<40x128xf32, #tpu.memory_space<vmem>>, vector<16xf32>,
      %mul3A_1311 = arith.mulf %get3A_31, %get3A_1310 : vector<16xf32>
      %add3A_1312 = arith.addf %add3A_1306, %mul3A_1311 : vector<16xf32>
      %get3A_1313 = arith.constant 22 : i32
      %get3A_1314 = arith.index_cast %get3A_1313 : i32 to index
      %get3A_1315 = arith.constant 96 : index
      %get3A_1316 = tpu.vector_load %arg9[%get3A_1314, %get3A_1315] {strides = array<i32>} : memref<40x128xf32, #tpu.memory_space<vmem>>, vector<16xf32>,
      %mul3A_1317 = arith.mulf %get3A_35, %get3A_1316 : vector<16xf32>
      %add3A_1318 = arith.addf %add3A_1312, %mul3A_1317 : vector<16xf32>
      %get3A_1319 = arith.constant 22 : i32
      %get3A_1320 = arith.index_cast %get3A_1319 : i32 to index
      %get3A_1321 = arith.constant 112 : index
      %get3A_1322 = tpu.vector_load %arg9[%get3A_1320, %get3A_1321] {strides = array<i32>} : memref<40x128xf32, #tpu.memory_space<vmem>>, vector<16xf32>,
      %mul3A_1323 = arith.mulf %get3A_39, %get3A_1322 : vector<16xf32>
      %add3A_1324 = arith.addf %add3A_1318, %mul3A_1323 : vector<16xf32>
      %reduce_sum3A_1325 = arith.constant true
      %reduce_sum3A_1326 = vector.broadcast %reduce_sum3A_1325 : i1 to vector<16xi1>
      %reduce_sum3A_1327 = tpu.scan <sum>, %add3A_1324 masked %reduce_sum3A_1326 : vector<16xf32>, vector<16xi1> -> vector<16xf32>
      %reduce_sum3A_1328 = vector.extract %reduce_sum3A_1327[15] : f32 from vector<16xf32>
      %eq3A_1329 = arith.constant 6 : i32
      %eq3A_1330 = vector.broadcast %eq3A_1329 : i32 to vector<16xi32>
      %eq3A_1331 = arith.cmpi eq, %iota3A, %eq3A_1330 : vector<16xi32>
      %broadcast_in_dim3A_1332 = vector.broadcast %reduce_sum3A_1328 : f32 to vector<16xf32>
      %select_n3A_1333 = arith.select %eq3A_1331, %broadcast_in_dim3A_1332, %select_n3A_1277 : vector<16xi1>, vector<16xf32>
      %get3A_1334 = arith.constant 23 : i32
      %get3A_1335 = arith.index_cast %get3A_1334 : i32 to index
      %get3A_1336 = arith.constant 0 : index
      %get3A_1337 = tpu.vector_load %arg9[%get3A_1335, %get3A_1336] {strides = array<i32>} : memref<40x128xf32, #tpu.memory_space<vmem>>, vector<16xf32>,
      %mul3A_1338 = arith.mulf %get3A_11, %get3A_1337 : vector<16xf32>
      %get3A_1339 = arith.constant 23 : i32
      %get3A_1340 = arith.index_cast %get3A_1339 : i32 to index
      %get3A_1341 = arith.constant 16 : index
      %get3A_1342 = tpu.vector_load %arg9[%get3A_1340, %get3A_1341] {strides = array<i32>} : memref<40x128xf32, #tpu.memory_space<vmem>>, vector<16xf32>,
      %mul3A_1343 = arith.mulf %get3A_15, %get3A_1342 : vector<16xf32>
      %add3A_1344 = arith.addf %mul3A_1338, %mul3A_1343 : vector<16xf32>
      %get3A_1345 = arith.constant 23 : i32
      %get3A_1346 = arith.index_cast %get3A_1345 : i32 to index
      %get3A_1347 = arith.constant 32 : index
      %get3A_1348 = tpu.vector_load %arg9[%get3A_1346, %get3A_1347] {strides = array<i32>} : memref<40x128xf32, #tpu.memory_space<vmem>>, vector<16xf32>,
      %mul3A_1349 = arith.mulf %get3A_19, %get3A_1348 : vector<16xf32>
      %add3A_1350 = arith.addf %add3A_1344, %mul3A_1349 : vector<16xf32>
      %get3A_1351 = arith.constant 23 : i32
      %get3A_1352 = arith.index_cast %get3A_1351 : i32 to index
      %get3A_1353 = arith.constant 48 : index
      %get3A_1354 = tpu.vector_load %arg9[%get3A_1352, %get3A_1353] {strides = array<i32>} : memref<40x128xf32, #tpu.memory_space<vmem>>, vector<16xf32>,
      %mul3A_1355 = arith.mulf %get3A_23, %get3A_1354 : vector<16xf32>
      %add3A_1356 = arith.addf %add3A_1350, %mul3A_1355 : vector<16xf32>
      %get3A_1357 = arith.constant 23 : i32
      %get3A_1358 = arith.index_cast %get3A_1357 : i32 to index
      %get3A_1359 = arith.constant 64 : index
      %get3A_1360 = tpu.vector_load %arg9[%get3A_1358, %get3A_1359] {strides = array<i32>} : memref<40x128xf32, #tpu.memory_space<vmem>>, vector<16xf32>,
      %mul3A_1361 = arith.mulf %get3A_27, %get3A_1360 : vector<16xf32>
      %add3A_1362 = arith.addf %add3A_1356, %mul3A_1361 : vector<16xf32>
      %get3A_1363 = arith.constant 23 : i32
      %get3A_1364 = arith.index_cast %get3A_1363 : i32 to index
      %get3A_1365 = arith.constant 80 : index
      %get3A_1366 = tpu.vector_load %arg9[%get3A_1364, %get3A_1365] {strides = array<i32>} : memref<40x128xf32, #tpu.memory_space<vmem>>, vector<16xf32>,
      %mul3A_1367 = arith.mulf %get3A_31, %get3A_1366 : vector<16xf32>
      %add3A_1368 = arith.addf %add3A_1362, %mul3A_1367 : vector<16xf32>
      %get3A_1369 = arith.constant 23 : i32
      %get3A_1370 = arith.index_cast %get3A_1369 : i32 to index
      %get3A_1371 = arith.constant 96 : index
      %get3A_1372 = tpu.vector_load %arg9[%get3A_1370, %get3A_1371] {strides = array<i32>} : memref<40x128xf32, #tpu.memory_space<vmem>>, vector<16xf32>,
      %mul3A_1373 = arith.mulf %get3A_35, %get3A_1372 : vector<16xf32>
      %add3A_1374 = arith.addf %add3A_1368, %mul3A_1373 : vector<16xf32>
      %get3A_1375 = arith.constant 23 : i32
      %get3A_1376 = arith.index_cast %get3A_1375 : i32 to index
      %get3A_1377 = arith.constant 112 : index
      %get3A_1378 = tpu.vector_load %arg9[%get3A_1376, %get3A_1377] {strides = array<i32>} : memref<40x128xf32, #tpu.memory_space<vmem>>, vector<16xf32>,
      %mul3A_1379 = arith.mulf %get3A_39, %get3A_1378 : vector<16xf32>
      %add3A_1380 = arith.addf %add3A_1374, %mul3A_1379 : vector<16xf32>
      %reduce_sum3A_1381 = arith.constant true
      %reduce_sum3A_1382 = vector.broadcast %reduce_sum3A_1381 : i1 to vector<16xi1>
      %reduce_sum3A_1383 = tpu.scan <sum>, %add3A_1380 masked %reduce_sum3A_1382 : vector<16xf32>, vector<16xi1> -> vector<16xf32>
      %reduce_sum3A_1384 = vector.extract %reduce_sum3A_1383[15] : f32 from vector<16xf32>
      %eq3A_1385 = arith.constant 7 : i32
      %eq3A_1386 = vector.broadcast %eq3A_1385 : i32 to vector<16xi32>
      %eq3A_1387 = arith.cmpi eq, %iota3A, %eq3A_1386 : vector<16xi32>
      %broadcast_in_dim3A_1388 = vector.broadcast %reduce_sum3A_1384 : f32 to vector<16xf32>
      %select_n3A_1389 = arith.select %eq3A_1387, %broadcast_in_dim3A_1388, %select_n3A_1333 : vector<16xi1>, vector<16xf32>
      %get3A_1390 = arith.constant 24 : i32
      %get3A_1391 = arith.index_cast %get3A_1390 : i32 to index
      %get3A_1392 = arith.constant 0 : index
      %get3A_1393 = tpu.vector_load %arg9[%get3A_1391, %get3A_1392] {strides = array<i32>} : memref<40x128xf32, #tpu.memory_space<vmem>>, vector<16xf32>,
      %mul3A_1394 = arith.mulf %get3A_11, %get3A_1393 : vector<16xf32>
      %get3A_1395 = arith.constant 24 : i32
      %get3A_1396 = arith.index_cast %get3A_1395 : i32 to index
      %get3A_1397 = arith.constant 16 : index
      %get3A_1398 = tpu.vector_load %arg9[%get3A_1396, %get3A_1397] {strides = array<i32>} : memref<40x128xf32, #tpu.memory_space<vmem>>, vector<16xf32>,
      %mul3A_1399 = arith.mulf %get3A_15, %get3A_1398 : vector<16xf32>
      %add3A_1400 = arith.addf %mul3A_1394, %mul3A_1399 : vector<16xf32>
      %get3A_1401 = arith.constant 24 : i32
      %get3A_1402 = arith.index_cast %get3A_1401 : i32 to index
      %get3A_1403 = arith.constant 32 : index
      %get3A_1404 = tpu.vector_load %arg9[%get3A_1402, %get3A_1403] {strides = array<i32>} : memref<40x128xf32, #tpu.memory_space<vmem>>, vector<16xf32>,
      %mul3A_1405 = arith.mulf %get3A_19, %get3A_1404 : vector<16xf32>
      %add3A_1406 = arith.addf %add3A_1400, %mul3A_1405 : vector<16xf32>
      %get3A_1407 = arith.constant 24 : i32
      %get3A_1408 = arith.index_cast %get3A_1407 : i32 to index
      %get3A_1409 = arith.constant 48 : index
      %get3A_1410 = tpu.vector_load %arg9[%get3A_1408, %get3A_1409] {strides = array<i32>} : memref<40x128xf32, #tpu.memory_space<vmem>>, vector<16xf32>,
      %mul3A_1411 = arith.mulf %get3A_23, %get3A_1410 : vector<16xf32>
      %add3A_1412 = arith.addf %add3A_1406, %mul3A_1411 : vector<16xf32>
      %get3A_1413 = arith.constant 24 : i32
      %get3A_1414 = arith.index_cast %get3A_1413 : i32 to index
      %get3A_1415 = arith.constant 64 : index
      %get3A_1416 = tpu.vector_load %arg9[%get3A_1414, %get3A_1415] {strides = array<i32>} : memref<40x128xf32, #tpu.memory_space<vmem>>, vector<16xf32>,
      %mul3A_1417 = arith.mulf %get3A_27, %get3A_1416 : vector<16xf32>
      %add3A_1418 = arith.addf %add3A_1412, %mul3A_1417 : vector<16xf32>
      %get3A_1419 = arith.constant 24 : i32
      %get3A_1420 = arith.index_cast %get3A_1419 : i32 to index
      %get3A_1421 = arith.constant 80 : index
      %get3A_1422 = tpu.vector_load %arg9[%get3A_1420, %get3A_1421] {strides = array<i32>} : memref<40x128xf32, #tpu.memory_space<vmem>>, vector<16xf32>,
      %mul3A_1423 = arith.mulf %get3A_31, %get3A_1422 : vector<16xf32>
      %add3A_1424 = arith.addf %add3A_1418, %mul3A_1423 : vector<16xf32>
      %get3A_1425 = arith.constant 24 : i32
      %get3A_1426 = arith.index_cast %get3A_1425 : i32 to index
      %get3A_1427 = arith.constant 96 : index
      %get3A_1428 = tpu.vector_load %arg9[%get3A_1426, %get3A_1427] {strides = array<i32>} : memref<40x128xf32, #tpu.memory_space<vmem>>, vector<16xf32>,
      %mul3A_1429 = arith.mulf %get3A_35, %get3A_1428 : vector<16xf32>
      %add3A_1430 = arith.addf %add3A_1424, %mul3A_1429 : vector<16xf32>
      %get3A_1431 = arith.constant 24 : i32
      %get3A_1432 = arith.index_cast %get3A_1431 : i32 to index
      %get3A_1433 = arith.constant 112 : index
      %get3A_1434 = tpu.vector_load %arg9[%get3A_1432, %get3A_1433] {strides = array<i32>} : memref<40x128xf32, #tpu.memory_space<vmem>>, vector<16xf32>,
      %mul3A_1435 = arith.mulf %get3A_39, %get3A_1434 : vector<16xf32>
      %add3A_1436 = arith.addf %add3A_1430, %mul3A_1435 : vector<16xf32>
      %reduce_sum3A_1437 = arith.constant true
      %reduce_sum3A_1438 = vector.broadcast %reduce_sum3A_1437 : i1 to vector<16xi1>
      %reduce_sum3A_1439 = tpu.scan <sum>, %add3A_1436 masked %reduce_sum3A_1438 : vector<16xf32>, vector<16xi1> -> vector<16xf32>
      %reduce_sum3A_1440 = vector.extract %reduce_sum3A_1439[15] : f32 from vector<16xf32>
      %eq3A_1441 = arith.constant 8 : i32
      %eq3A_1442 = vector.broadcast %eq3A_1441 : i32 to vector<16xi32>
      %eq3A_1443 = arith.cmpi eq, %iota3A, %eq3A_1442 : vector<16xi32>
      %broadcast_in_dim3A_1444 = vector.broadcast %reduce_sum3A_1440 : f32 to vector<16xf32>
      %select_n3A_1445 = arith.select %eq3A_1443, %broadcast_in_dim3A_1444, %select_n3A_1389 : vector<16xi1>, vector<16xf32>
      %get3A_1446 = arith.constant 25 : i32
      %get3A_1447 = arith.index_cast %get3A_1446 : i32 to index
      %get3A_1448 = arith.constant 0 : index
      %get3A_1449 = tpu.vector_load %arg9[%get3A_1447, %get3A_1448] {strides = array<i32>} : memref<40x128xf32, #tpu.memory_space<vmem>>, vector<16xf32>,
      %mul3A_1450 = arith.mulf %get3A_11, %get3A_1449 : vector<16xf32>
      %get3A_1451 = arith.constant 25 : i32
      %get3A_1452 = arith.index_cast %get3A_1451 : i32 to index
      %get3A_1453 = arith.constant 16 : index
      %get3A_1454 = tpu.vector_load %arg9[%get3A_1452, %get3A_1453] {strides = array<i32>} : memref<40x128xf32, #tpu.memory_space<vmem>>, vector<16xf32>,
      %mul3A_1455 = arith.mulf %get3A_15, %get3A_1454 : vector<16xf32>
      %add3A_1456 = arith.addf %mul3A_1450, %mul3A_1455 : vector<16xf32>
      %get3A_1457 = arith.constant 25 : i32
      %get3A_1458 = arith.index_cast %get3A_1457 : i32 to index
      %get3A_1459 = arith.constant 32 : index
      %get3A_1460 = tpu.vector_load %arg9[%get3A_1458, %get3A_1459] {strides = array<i32>} : memref<40x128xf32, #tpu.memory_space<vmem>>, vector<16xf32>,
      %mul3A_1461 = arith.mulf %get3A_19, %get3A_1460 : vector<16xf32>
      %add3A_1462 = arith.addf %add3A_1456, %mul3A_1461 : vector<16xf32>
      %get3A_1463 = arith.constant 25 : i32
      %get3A_1464 = arith.index_cast %get3A_1463 : i32 to index
      %get3A_1465 = arith.constant 48 : index
      %get3A_1466 = tpu.vector_load %arg9[%get3A_1464, %get3A_1465] {strides = array<i32>} : memref<40x128xf32, #tpu.memory_space<vmem>>, vector<16xf32>,
      %mul3A_1467 = arith.mulf %get3A_23, %get3A_1466 : vector<16xf32>
      %add3A_1468 = arith.addf %add3A_1462, %mul3A_1467 : vector<16xf32>
      %get3A_1469 = arith.constant 25 : i32
      %get3A_1470 = arith.index_cast %get3A_1469 : i32 to index
      %get3A_1471 = arith.constant 64 : index
      %get3A_1472 = tpu.vector_load %arg9[%get3A_1470, %get3A_1471] {strides = array<i32>} : memref<40x128xf32, #tpu.memory_space<vmem>>, vector<16xf32>,
      %mul3A_1473 = arith.mulf %get3A_27, %get3A_1472 : vector<16xf32>
      %add3A_1474 = arith.addf %add3A_1468, %mul3A_1473 : vector<16xf32>
      %get3A_1475 = arith.constant 25 : i32
      %get3A_1476 = arith.index_cast %get3A_1475 : i32 to index
      %get3A_1477 = arith.constant 80 : index
      %get3A_1478 = tpu.vector_load %arg9[%get3A_1476, %get3A_1477] {strides = array<i32>} : memref<40x128xf32, #tpu.memory_space<vmem>>, vector<16xf32>,
      %mul3A_1479 = arith.mulf %get3A_31, %get3A_1478 : vector<16xf32>
      %add3A_1480 = arith.addf %add3A_1474, %mul3A_1479 : vector<16xf32>
      %get3A_1481 = arith.constant 25 : i32
      %get3A_1482 = arith.index_cast %get3A_1481 : i32 to index
      %get3A_1483 = arith.constant 96 : index
      %get3A_1484 = tpu.vector_load %arg9[%get3A_1482, %get3A_1483] {strides = array<i32>} : memref<40x128xf32, #tpu.memory_space<vmem>>, vector<16xf32>,
      %mul3A_1485 = arith.mulf %get3A_35, %get3A_1484 : vector<16xf32>
      %add3A_1486 = arith.addf %add3A_1480, %mul3A_1485 : vector<16xf32>
      %get3A_1487 = arith.constant 25 : i32
      %get3A_1488 = arith.index_cast %get3A_1487 : i32 to index
      %get3A_1489 = arith.constant 112 : index
      %get3A_1490 = tpu.vector_load %arg9[%get3A_1488, %get3A_1489] {strides = array<i32>} : memref<40x128xf32, #tpu.memory_space<vmem>>, vector<16xf32>,
      %mul3A_1491 = arith.mulf %get3A_39, %get3A_1490 : vector<16xf32>
      %add3A_1492 = arith.addf %add3A_1486, %mul3A_1491 : vector<16xf32>
      %reduce_sum3A_1493 = arith.constant true
      %reduce_sum3A_1494 = vector.broadcast %reduce_sum3A_1493 : i1 to vector<16xi1>
      %reduce_sum3A_1495 = tpu.scan <sum>, %add3A_1492 masked %reduce_sum3A_1494 : vector<16xf32>, vector<16xi1> -> vector<16xf32>
      %reduce_sum3A_1496 = vector.extract %reduce_sum3A_1495[15] : f32 from vector<16xf32>
      %eq3A_1497 = arith.constant 9 : i32
      %eq3A_1498 = vector.broadcast %eq3A_1497 : i32 to vector<16xi32>
      %eq3A_1499 = arith.cmpi eq, %iota3A, %eq3A_1498 : vector<16xi32>
      %broadcast_in_dim3A_1500 = vector.broadcast %reduce_sum3A_1496 : f32 to vector<16xf32>
      %select_n3A_1501 = arith.select %eq3A_1499, %broadcast_in_dim3A_1500, %select_n3A_1445 : vector<16xi1>, vector<16xf32>
      %get3A_1502 = arith.constant 26 : i32
      %get3A_1503 = arith.index_cast %get3A_1502 : i32 to index
      %get3A_1504 = arith.constant 0 : index
      %get3A_1505 = tpu.vector_load %arg9[%get3A_1503, %get3A_1504] {strides = array<i32>} : memref<40x128xf32, #tpu.memory_space<vmem>>, vector<16xf32>,
      %mul3A_1506 = arith.mulf %get3A_11, %get3A_1505 : vector<16xf32>
      %get3A_1507 = arith.constant 26 : i32
      %get3A_1508 = arith.index_cast %get3A_1507 : i32 to index
      %get3A_1509 = arith.constant 16 : index
      %get3A_1510 = tpu.vector_load %arg9[%get3A_1508, %get3A_1509] {strides = array<i32>} : memref<40x128xf32, #tpu.memory_space<vmem>>, vector<16xf32>,
      %mul3A_1511 = arith.mulf %get3A_15, %get3A_1510 : vector<16xf32>
      %add3A_1512 = arith.addf %mul3A_1506, %mul3A_1511 : vector<16xf32>
      %get3A_1513 = arith.constant 26 : i32
      %get3A_1514 = arith.index_cast %get3A_1513 : i32 to index
      %get3A_1515 = arith.constant 32 : index
      %get3A_1516 = tpu.vector_load %arg9[%get3A_1514, %get3A_1515] {strides = array<i32>} : memref<40x128xf32, #tpu.memory_space<vmem>>, vector<16xf32>,
      %mul3A_1517 = arith.mulf %get3A_19, %get3A_1516 : vector<16xf32>
      %add3A_1518 = arith.addf %add3A_1512, %mul3A_1517 : vector<16xf32>
      %get3A_1519 = arith.constant 26 : i32
      %get3A_1520 = arith.index_cast %get3A_1519 : i32 to index
      %get3A_1521 = arith.constant 48 : index
      %get3A_1522 = tpu.vector_load %arg9[%get3A_1520, %get3A_1521] {strides = array<i32>} : memref<40x128xf32, #tpu.memory_space<vmem>>, vector<16xf32>,
      %mul3A_1523 = arith.mulf %get3A_23, %get3A_1522 : vector<16xf32>
      %add3A_1524 = arith.addf %add3A_1518, %mul3A_1523 : vector<16xf32>
      %get3A_1525 = arith.constant 26 : i32
      %get3A_1526 = arith.index_cast %get3A_1525 : i32 to index
      %get3A_1527 = arith.constant 64 : index
      %get3A_1528 = tpu.vector_load %arg9[%get3A_1526, %get3A_1527] {strides = array<i32>} : memref<40x128xf32, #tpu.memory_space<vmem>>, vector<16xf32>,
      %mul3A_1529 = arith.mulf %get3A_27, %get3A_1528 : vector<16xf32>
      %add3A_1530 = arith.addf %add3A_1524, %mul3A_1529 : vector<16xf32>
      %get3A_1531 = arith.constant 26 : i32
      %get3A_1532 = arith.index_cast %get3A_1531 : i32 to index
      %get3A_1533 = arith.constant 80 : index
      %get3A_1534 = tpu.vector_load %arg9[%get3A_1532, %get3A_1533] {strides = array<i32>} : memref<40x128xf32, #tpu.memory_space<vmem>>, vector<16xf32>,
      %mul3A_1535 = arith.mulf %get3A_31, %get3A_1534 : vector<16xf32>
      %add3A_1536 = arith.addf %add3A_1530, %mul3A_1535 : vector<16xf32>
      %get3A_1537 = arith.constant 26 : i32
      %get3A_1538 = arith.index_cast %get3A_1537 : i32 to index
      %get3A_1539 = arith.constant 96 : index
      %get3A_1540 = tpu.vector_load %arg9[%get3A_1538, %get3A_1539] {strides = array<i32>} : memref<40x128xf32, #tpu.memory_space<vmem>>, vector<16xf32>,
      %mul3A_1541 = arith.mulf %get3A_35, %get3A_1540 : vector<16xf32>
      %add3A_1542 = arith.addf %add3A_1536, %mul3A_1541 : vector<16xf32>
      %get3A_1543 = arith.constant 26 : i32
      %get3A_1544 = arith.index_cast %get3A_1543 : i32 to index
      %get3A_1545 = arith.constant 112 : index
      %get3A_1546 = tpu.vector_load %arg9[%get3A_1544, %get3A_1545] {strides = array<i32>} : memref<40x128xf32, #tpu.memory_space<vmem>>, vector<16xf32>,
      %mul3A_1547 = arith.mulf %get3A_39, %get3A_1546 : vector<16xf32>
      %add3A_1548 = arith.addf %add3A_1542, %mul3A_1547 : vector<16xf32>
      %reduce_sum3A_1549 = arith.constant true
      %reduce_sum3A_1550 = vector.broadcast %reduce_sum3A_1549 : i1 to vector<16xi1>
      %reduce_sum3A_1551 = tpu.scan <sum>, %add3A_1548 masked %reduce_sum3A_1550 : vector<16xf32>, vector<16xi1> -> vector<16xf32>
      %reduce_sum3A_1552 = vector.extract %reduce_sum3A_1551[15] : f32 from vector<16xf32>
      %eq3A_1553 = arith.constant 10 : i32
      %eq3A_1554 = vector.broadcast %eq3A_1553 : i32 to vector<16xi32>
      %eq3A_1555 = arith.cmpi eq, %iota3A, %eq3A_1554 : vector<16xi32>
      %broadcast_in_dim3A_1556 = vector.broadcast %reduce_sum3A_1552 : f32 to vector<16xf32>
      %select_n3A_1557 = arith.select %eq3A_1555, %broadcast_in_dim3A_1556, %select_n3A_1501 : vector<16xi1>, vector<16xf32>
      %get3A_1558 = arith.constant 27 : i32
      %get3A_1559 = arith.index_cast %get3A_1558 : i32 to index
      %get3A_1560 = arith.constant 0 : index
      %get3A_1561 = tpu.vector_load %arg9[%get3A_1559, %get3A_1560] {strides = array<i32>} : memref<40x128xf32, #tpu.memory_space<vmem>>, vector<16xf32>,
      %mul3A_1562 = arith.mulf %get3A_11, %get3A_1561 : vector<16xf32>
      %get3A_1563 = arith.constant 27 : i32
      %get3A_1564 = arith.index_cast %get3A_1563 : i32 to index
      %get3A_1565 = arith.constant 16 : index
      %get3A_1566 = tpu.vector_load %arg9[%get3A_1564, %get3A_1565] {strides = array<i32>} : memref<40x128xf32, #tpu.memory_space<vmem>>, vector<16xf32>,
      %mul3A_1567 = arith.mulf %get3A_15, %get3A_1566 : vector<16xf32>
      %add3A_1568 = arith.addf %mul3A_1562, %mul3A_1567 : vector<16xf32>
      %get3A_1569 = arith.constant 27 : i32
      %get3A_1570 = arith.index_cast %get3A_1569 : i32 to index
      %get3A_1571 = arith.constant 32 : index
      %get3A_1572 = tpu.vector_load %arg9[%get3A_1570, %get3A_1571] {strides = array<i32>} : memref<40x128xf32, #tpu.memory_space<vmem>>, vector<16xf32>,
      %mul3A_1573 = arith.mulf %get3A_19, %get3A_1572 : vector<16xf32>
      %add3A_1574 = arith.addf %add3A_1568, %mul3A_1573 : vector<16xf32>
      %get3A_1575 = arith.constant 27 : i32
      %get3A_1576 = arith.index_cast %get3A_1575 : i32 to index
      %get3A_1577 = arith.constant 48 : index
      %get3A_1578 = tpu.vector_load %arg9[%get3A_1576, %get3A_1577] {strides = array<i32>} : memref<40x128xf32, #tpu.memory_space<vmem>>, vector<16xf32>,
      %mul3A_1579 = arith.mulf %get3A_23, %get3A_1578 : vector<16xf32>
      %add3A_1580 = arith.addf %add3A_1574, %mul3A_1579 : vector<16xf32>
      %get3A_1581 = arith.constant 27 : i32
      %get3A_1582 = arith.index_cast %get3A_1581 : i32 to index
      %get3A_1583 = arith.constant 64 : index
      %get3A_1584 = tpu.vector_load %arg9[%get3A_1582, %get3A_1583] {strides = array<i32>} : memref<40x128xf32, #tpu.memory_space<vmem>>, vector<16xf32>,
      %mul3A_1585 = arith.mulf %get3A_27, %get3A_1584 : vector<16xf32>
      %add3A_1586 = arith.addf %add3A_1580, %mul3A_1585 : vector<16xf32>
      %get3A_1587 = arith.constant 27 : i32
      %get3A_1588 = arith.index_cast %get3A_1587 : i32 to index
      %get3A_1589 = arith.constant 80 : index
      %get3A_1590 = tpu.vector_load %arg9[%get3A_1588, %get3A_1589] {strides = array<i32>} : memref<40x128xf32, #tpu.memory_space<vmem>>, vector<16xf32>,
      %mul3A_1591 = arith.mulf %get3A_31, %get3A_1590 : vector<16xf32>
      %add3A_1592 = arith.addf %add3A_1586, %mul3A_1591 : vector<16xf32>
      %get3A_1593 = arith.constant 27 : i32
      %get3A_1594 = arith.index_cast %get3A_1593 : i32 to index
      %get3A_1595 = arith.constant 96 : index
      %get3A_1596 = tpu.vector_load %arg9[%get3A_1594, %get3A_1595] {strides = array<i32>} : memref<40x128xf32, #tpu.memory_space<vmem>>, vector<16xf32>,
      %mul3A_1597 = arith.mulf %get3A_35, %get3A_1596 : vector<16xf32>
      %add3A_1598 = arith.addf %add3A_1592, %mul3A_1597 : vector<16xf32>
      %get3A_1599 = arith.constant 27 : i32
      %get3A_1600 = arith.index_cast %get3A_1599 : i32 to index
      %get3A_1601 = arith.constant 112 : index
      %get3A_1602 = tpu.vector_load %arg9[%get3A_1600, %get3A_1601] {strides = array<i32>} : memref<40x128xf32, #tpu.memory_space<vmem>>, vector<16xf32>,
      %mul3A_1603 = arith.mulf %get3A_39, %get3A_1602 : vector<16xf32>
      %add3A_1604 = arith.addf %add3A_1598, %mul3A_1603 : vector<16xf32>
      %reduce_sum3A_1605 = arith.constant true
      %reduce_sum3A_1606 = vector.broadcast %reduce_sum3A_1605 : i1 to vector<16xi1>
      %reduce_sum3A_1607 = tpu.scan <sum>, %add3A_1604 masked %reduce_sum3A_1606 : vector<16xf32>, vector<16xi1> -> vector<16xf32>
      %reduce_sum3A_1608 = vector.extract %reduce_sum3A_1607[15] : f32 from vector<16xf32>
      %eq3A_1609 = arith.constant 11 : i32
      %eq3A_1610 = vector.broadcast %eq3A_1609 : i32 to vector<16xi32>
      %eq3A_1611 = arith.cmpi eq, %iota3A, %eq3A_1610 : vector<16xi32>
      %broadcast_in_dim3A_1612 = vector.broadcast %reduce_sum3A_1608 : f32 to vector<16xf32>
      %select_n3A_1613 = arith.select %eq3A_1611, %broadcast_in_dim3A_1612, %select_n3A_1557 : vector<16xi1>, vector<16xf32>
      %get3A_1614 = arith.constant 28 : i32
      %get3A_1615 = arith.index_cast %get3A_1614 : i32 to index
      %get3A_1616 = arith.constant 0 : index
      %get3A_1617 = tpu.vector_load %arg9[%get3A_1615, %get3A_1616] {strides = array<i32>} : memref<40x128xf32, #tpu.memory_space<vmem>>, vector<16xf32>,
      %mul3A_1618 = arith.mulf %get3A_11, %get3A_1617 : vector<16xf32>
      %get3A_1619 = arith.constant 28 : i32
      %get3A_1620 = arith.index_cast %get3A_1619 : i32 to index
      %get3A_1621 = arith.constant 16 : index
      %get3A_1622 = tpu.vector_load %arg9[%get3A_1620, %get3A_1621] {strides = array<i32>} : memref<40x128xf32, #tpu.memory_space<vmem>>, vector<16xf32>,
      %mul3A_1623 = arith.mulf %get3A_15, %get3A_1622 : vector<16xf32>
      %add3A_1624 = arith.addf %mul3A_1618, %mul3A_1623 : vector<16xf32>
      %get3A_1625 = arith.constant 28 : i32
      %get3A_1626 = arith.index_cast %get3A_1625 : i32 to index
      %get3A_1627 = arith.constant 32 : index
      %get3A_1628 = tpu.vector_load %arg9[%get3A_1626, %get3A_1627] {strides = array<i32>} : memref<40x128xf32, #tpu.memory_space<vmem>>, vector<16xf32>,
      %mul3A_1629 = arith.mulf %get3A_19, %get3A_1628 : vector<16xf32>
      %add3A_1630 = arith.addf %add3A_1624, %mul3A_1629 : vector<16xf32>
      %get3A_1631 = arith.constant 28 : i32
      %get3A_1632 = arith.index_cast %get3A_1631 : i32 to index
      %get3A_1633 = arith.constant 48 : index
      %get3A_1634 = tpu.vector_load %arg9[%get3A_1632, %get3A_1633] {strides = array<i32>} : memref<40x128xf32, #tpu.memory_space<vmem>>, vector<16xf32>,
      %mul3A_1635 = arith.mulf %get3A_23, %get3A_1634 : vector<16xf32>
      %add3A_1636 = arith.addf %add3A_1630, %mul3A_1635 : vector<16xf32>
      %get3A_1637 = arith.constant 28 : i32
      %get3A_1638 = arith.index_cast %get3A_1637 : i32 to index
      %get3A_1639 = arith.constant 64 : index
      %get3A_1640 = tpu.vector_load %arg9[%get3A_1638, %get3A_1639] {strides = array<i32>} : memref<40x128xf32, #tpu.memory_space<vmem>>, vector<16xf32>,
      %mul3A_1641 = arith.mulf %get3A_27, %get3A_1640 : vector<16xf32>
      %add3A_1642 = arith.addf %add3A_1636, %mul3A_1641 : vector<16xf32>
      %get3A_1643 = arith.constant 28 : i32
      %get3A_1644 = arith.index_cast %get3A_1643 : i32 to index
      %get3A_1645 = arith.constant 80 : index
      %get3A_1646 = tpu.vector_load %arg9[%get3A_1644, %get3A_1645] {strides = array<i32>} : memref<40x128xf32, #tpu.memory_space<vmem>>, vector<16xf32>,
      %mul3A_1647 = arith.mulf %get3A_31, %get3A_1646 : vector<16xf32>
      %add3A_1648 = arith.addf %add3A_1642, %mul3A_1647 : vector<16xf32>
      %get3A_1649 = arith.constant 28 : i32
      %get3A_1650 = arith.index_cast %get3A_1649 : i32 to index
      %get3A_1651 = arith.constant 96 : index
      %get3A_1652 = tpu.vector_load %arg9[%get3A_1650, %get3A_1651] {strides = array<i32>} : memref<40x128xf32, #tpu.memory_space<vmem>>, vector<16xf32>,
      %mul3A_1653 = arith.mulf %get3A_35, %get3A_1652 : vector<16xf32>
      %add3A_1654 = arith.addf %add3A_1648, %mul3A_1653 : vector<16xf32>
      %get3A_1655 = arith.constant 28 : i32
      %get3A_1656 = arith.index_cast %get3A_1655 : i32 to index
      %get3A_1657 = arith.constant 112 : index
      %get3A_1658 = tpu.vector_load %arg9[%get3A_1656, %get3A_1657] {strides = array<i32>} : memref<40x128xf32, #tpu.memory_space<vmem>>, vector<16xf32>,
      %mul3A_1659 = arith.mulf %get3A_39, %get3A_1658 : vector<16xf32>
      %add3A_1660 = arith.addf %add3A_1654, %mul3A_1659 : vector<16xf32>
      %reduce_sum3A_1661 = arith.constant true
      %reduce_sum3A_1662 = vector.broadcast %reduce_sum3A_1661 : i1 to vector<16xi1>
      %reduce_sum3A_1663 = tpu.scan <sum>, %add3A_1660 masked %reduce_sum3A_1662 : vector<16xf32>, vector<16xi1> -> vector<16xf32>
      %reduce_sum3A_1664 = vector.extract %reduce_sum3A_1663[15] : f32 from vector<16xf32>
      %eq3A_1665 = arith.constant 12 : i32
      %eq3A_1666 = vector.broadcast %eq3A_1665 : i32 to vector<16xi32>
      %eq3A_1667 = arith.cmpi eq, %iota3A, %eq3A_1666 : vector<16xi32>
      %broadcast_in_dim3A_1668 = vector.broadcast %reduce_sum3A_1664 : f32 to vector<16xf32>
      %select_n3A_1669 = arith.select %eq3A_1667, %broadcast_in_dim3A_1668, %select_n3A_1613 : vector<16xi1>, vector<16xf32>
      %get3A_1670 = arith.constant 29 : i32
      %get3A_1671 = arith.index_cast %get3A_1670 : i32 to index
      %get3A_1672 = arith.constant 0 : index
      %get3A_1673 = tpu.vector_load %arg9[%get3A_1671, %get3A_1672] {strides = array<i32>} : memref<40x128xf32, #tpu.memory_space<vmem>>, vector<16xf32>,
      %mul3A_1674 = arith.mulf %get3A_11, %get3A_1673 : vector<16xf32>
      %get3A_1675 = arith.constant 29 : i32
      %get3A_1676 = arith.index_cast %get3A_1675 : i32 to index
      %get3A_1677 = arith.constant 16 : index
      %get3A_1678 = tpu.vector_load %arg9[%get3A_1676, %get3A_1677] {strides = array<i32>} : memref<40x128xf32, #tpu.memory_space<vmem>>, vector<16xf32>,
      %mul3A_1679 = arith.mulf %get3A_15, %get3A_1678 : vector<16xf32>
      %add3A_1680 = arith.addf %mul3A_1674, %mul3A_1679 : vector<16xf32>
      %get3A_1681 = arith.constant 29 : i32
      %get3A_1682 = arith.index_cast %get3A_1681 : i32 to index
      %get3A_1683 = arith.constant 32 : index
      %get3A_1684 = tpu.vector_load %arg9[%get3A_1682, %get3A_1683] {strides = array<i32>} : memref<40x128xf32, #tpu.memory_space<vmem>>, vector<16xf32>,
      %mul3A_1685 = arith.mulf %get3A_19, %get3A_1684 : vector<16xf32>
      %add3A_1686 = arith.addf %add3A_1680, %mul3A_1685 : vector<16xf32>
      %get3A_1687 = arith.constant 29 : i32
      %get3A_1688 = arith.index_cast %get3A_1687 : i32 to index
      %get3A_1689 = arith.constant 48 : index
      %get3A_1690 = tpu.vector_load %arg9[%get3A_1688, %get3A_1689] {strides = array<i32>} : memref<40x128xf32, #tpu.memory_space<vmem>>, vector<16xf32>,
      %mul3A_1691 = arith.mulf %get3A_23, %get3A_1690 : vector<16xf32>
      %add3A_1692 = arith.addf %add3A_1686, %mul3A_1691 : vector<16xf32>
      %get3A_1693 = arith.constant 29 : i32
      %get3A_1694 = arith.index_cast %get3A_1693 : i32 to index
      %get3A_1695 = arith.constant 64 : index
      %get3A_1696 = tpu.vector_load %arg9[%get3A_1694, %get3A_1695] {strides = array<i32>} : memref<40x128xf32, #tpu.memory_space<vmem>>, vector<16xf32>,
      %mul3A_1697 = arith.mulf %get3A_27, %get3A_1696 : vector<16xf32>
      %add3A_1698 = arith.addf %add3A_1692, %mul3A_1697 : vector<16xf32>
      %get3A_1699 = arith.constant 29 : i32
      %get3A_1700 = arith.index_cast %get3A_1699 : i32 to index
      %get3A_1701 = arith.constant 80 : index
      %get3A_1702 = tpu.vector_load %arg9[%get3A_1700, %get3A_1701] {strides = array<i32>} : memref<40x128xf32, #tpu.memory_space<vmem>>, vector<16xf32>,
      %mul3A_1703 = arith.mulf %get3A_31, %get3A_1702 : vector<16xf32>
      %add3A_1704 = arith.addf %add3A_1698, %mul3A_1703 : vector<16xf32>
      %get3A_1705 = arith.constant 29 : i32
      %get3A_1706 = arith.index_cast %get3A_1705 : i32 to index
      %get3A_1707 = arith.constant 96 : index
      %get3A_1708 = tpu.vector_load %arg9[%get3A_1706, %get3A_1707] {strides = array<i32>} : memref<40x128xf32, #tpu.memory_space<vmem>>, vector<16xf32>,
      %mul3A_1709 = arith.mulf %get3A_35, %get3A_1708 : vector<16xf32>
      %add3A_1710 = arith.addf %add3A_1704, %mul3A_1709 : vector<16xf32>
      %get3A_1711 = arith.constant 29 : i32
      %get3A_1712 = arith.index_cast %get3A_1711 : i32 to index
      %get3A_1713 = arith.constant 112 : index
      %get3A_1714 = tpu.vector_load %arg9[%get3A_1712, %get3A_1713] {strides = array<i32>} : memref<40x128xf32, #tpu.memory_space<vmem>>, vector<16xf32>,
      %mul3A_1715 = arith.mulf %get3A_39, %get3A_1714 : vector<16xf32>
      %add3A_1716 = arith.addf %add3A_1710, %mul3A_1715 : vector<16xf32>
      %reduce_sum3A_1717 = arith.constant true
      %reduce_sum3A_1718 = vector.broadcast %reduce_sum3A_1717 : i1 to vector<16xi1>
      %reduce_sum3A_1719 = tpu.scan <sum>, %add3A_1716 masked %reduce_sum3A_1718 : vector<16xf32>, vector<16xi1> -> vector<16xf32>
      %reduce_sum3A_1720 = vector.extract %reduce_sum3A_1719[15] : f32 from vector<16xf32>
      %eq3A_1721 = arith.constant 13 : i32
      %eq3A_1722 = vector.broadcast %eq3A_1721 : i32 to vector<16xi32>
      %eq3A_1723 = arith.cmpi eq, %iota3A, %eq3A_1722 : vector<16xi32>
      %broadcast_in_dim3A_1724 = vector.broadcast %reduce_sum3A_1720 : f32 to vector<16xf32>
      %select_n3A_1725 = arith.select %eq3A_1723, %broadcast_in_dim3A_1724, %select_n3A_1669 : vector<16xi1>, vector<16xf32>
      %get3A_1726 = arith.constant 30 : i32
      %get3A_1727 = arith.index_cast %get3A_1726 : i32 to index
      %get3A_1728 = arith.constant 0 : index
      %get3A_1729 = tpu.vector_load %arg9[%get3A_1727, %get3A_1728] {strides = array<i32>} : memref<40x128xf32, #tpu.memory_space<vmem>>, vector<16xf32>,
      %mul3A_1730 = arith.mulf %get3A_11, %get3A_1729 : vector<16xf32>
      %get3A_1731 = arith.constant 30 : i32
      %get3A_1732 = arith.index_cast %get3A_1731 : i32 to index
      %get3A_1733 = arith.constant 16 : index
      %get3A_1734 = tpu.vector_load %arg9[%get3A_1732, %get3A_1733] {strides = array<i32>} : memref<40x128xf32, #tpu.memory_space<vmem>>, vector<16xf32>,
      %mul3A_1735 = arith.mulf %get3A_15, %get3A_1734 : vector<16xf32>
      %add3A_1736 = arith.addf %mul3A_1730, %mul3A_1735 : vector<16xf32>
      %get3A_1737 = arith.constant 30 : i32
      %get3A_1738 = arith.index_cast %get3A_1737 : i32 to index
      %get3A_1739 = arith.constant 32 : index
      %get3A_1740 = tpu.vector_load %arg9[%get3A_1738, %get3A_1739] {strides = array<i32>} : memref<40x128xf32, #tpu.memory_space<vmem>>, vector<16xf32>,
      %mul3A_1741 = arith.mulf %get3A_19, %get3A_1740 : vector<16xf32>
      %add3A_1742 = arith.addf %add3A_1736, %mul3A_1741 : vector<16xf32>
      %get3A_1743 = arith.constant 30 : i32
      %get3A_1744 = arith.index_cast %get3A_1743 : i32 to index
      %get3A_1745 = arith.constant 48 : index
      %get3A_1746 = tpu.vector_load %arg9[%get3A_1744, %get3A_1745] {strides = array<i32>} : memref<40x128xf32, #tpu.memory_space<vmem>>, vector<16xf32>,
      %mul3A_1747 = arith.mulf %get3A_23, %get3A_1746 : vector<16xf32>
      %add3A_1748 = arith.addf %add3A_1742, %mul3A_1747 : vector<16xf32>
      %get3A_1749 = arith.constant 30 : i32
      %get3A_1750 = arith.index_cast %get3A_1749 : i32 to index
      %get3A_1751 = arith.constant 64 : index
      %get3A_1752 = tpu.vector_load %arg9[%get3A_1750, %get3A_1751] {strides = array<i32>} : memref<40x128xf32, #tpu.memory_space<vmem>>, vector<16xf32>,
      %mul3A_1753 = arith.mulf %get3A_27, %get3A_1752 : vector<16xf32>
      %add3A_1754 = arith.addf %add3A_1748, %mul3A_1753 : vector<16xf32>
      %get3A_1755 = arith.constant 30 : i32
      %get3A_1756 = arith.index_cast %get3A_1755 : i32 to index
      %get3A_1757 = arith.constant 80 : index
      %get3A_1758 = tpu.vector_load %arg9[%get3A_1756, %get3A_1757] {strides = array<i32>} : memref<40x128xf32, #tpu.memory_space<vmem>>, vector<16xf32>,
      %mul3A_1759 = arith.mulf %get3A_31, %get3A_1758 : vector<16xf32>
      %add3A_1760 = arith.addf %add3A_1754, %mul3A_1759 : vector<16xf32>
      %get3A_1761 = arith.constant 30 : i32
      %get3A_1762 = arith.index_cast %get3A_1761 : i32 to index
      %get3A_1763 = arith.constant 96 : index
      %get3A_1764 = tpu.vector_load %arg9[%get3A_1762, %get3A_1763] {strides = array<i32>} : memref<40x128xf32, #tpu.memory_space<vmem>>, vector<16xf32>,
      %mul3A_1765 = arith.mulf %get3A_35, %get3A_1764 : vector<16xf32>
      %add3A_1766 = arith.addf %add3A_1760, %mul3A_1765 : vector<16xf32>
      %get3A_1767 = arith.constant 30 : i32
      %get3A_1768 = arith.index_cast %get3A_1767 : i32 to index
      %get3A_1769 = arith.constant 112 : index
      %get3A_1770 = tpu.vector_load %arg9[%get3A_1768, %get3A_1769] {strides = array<i32>} : memref<40x128xf32, #tpu.memory_space<vmem>>, vector<16xf32>,
      %mul3A_1771 = arith.mulf %get3A_39, %get3A_1770 : vector<16xf32>
      %add3A_1772 = arith.addf %add3A_1766, %mul3A_1771 : vector<16xf32>
      %reduce_sum3A_1773 = arith.constant true
      %reduce_sum3A_1774 = vector.broadcast %reduce_sum3A_1773 : i1 to vector<16xi1>
      %reduce_sum3A_1775 = tpu.scan <sum>, %add3A_1772 masked %reduce_sum3A_1774 : vector<16xf32>, vector<16xi1> -> vector<16xf32>
      %reduce_sum3A_1776 = vector.extract %reduce_sum3A_1775[15] : f32 from vector<16xf32>
      %eq3A_1777 = arith.constant 14 : i32
      %eq3A_1778 = vector.broadcast %eq3A_1777 : i32 to vector<16xi32>
      %eq3A_1779 = arith.cmpi eq, %iota3A, %eq3A_1778 : vector<16xi32>
      %broadcast_in_dim3A_1780 = vector.broadcast %reduce_sum3A_1776 : f32 to vector<16xf32>
      %select_n3A_1781 = arith.select %eq3A_1779, %broadcast_in_dim3A_1780, %select_n3A_1725 : vector<16xi1>, vector<16xf32>
      %get3A_1782 = arith.constant 31 : i32
      %get3A_1783 = arith.index_cast %get3A_1782 : i32 to index
      %get3A_1784 = arith.constant 0 : index
      %get3A_1785 = tpu.vector_load %arg9[%get3A_1783, %get3A_1784] {strides = array<i32>} : memref<40x128xf32, #tpu.memory_space<vmem>>, vector<16xf32>,
      %mul3A_1786 = arith.mulf %get3A_11, %get3A_1785 : vector<16xf32>
      %get3A_1787 = arith.constant 31 : i32
      %get3A_1788 = arith.index_cast %get3A_1787 : i32 to index
      %get3A_1789 = arith.constant 16 : index
      %get3A_1790 = tpu.vector_load %arg9[%get3A_1788, %get3A_1789] {strides = array<i32>} : memref<40x128xf32, #tpu.memory_space<vmem>>, vector<16xf32>,
      %mul3A_1791 = arith.mulf %get3A_15, %get3A_1790 : vector<16xf32>
      %add3A_1792 = arith.addf %mul3A_1786, %mul3A_1791 : vector<16xf32>
      %get3A_1793 = arith.constant 31 : i32
      %get3A_1794 = arith.index_cast %get3A_1793 : i32 to index
      %get3A_1795 = arith.constant 32 : index
      %get3A_1796 = tpu.vector_load %arg9[%get3A_1794, %get3A_1795] {strides = array<i32>} : memref<40x128xf32, #tpu.memory_space<vmem>>, vector<16xf32>,
      %mul3A_1797 = arith.mulf %get3A_19, %get3A_1796 : vector<16xf32>
      %add3A_1798 = arith.addf %add3A_1792, %mul3A_1797 : vector<16xf32>
      %get3A_1799 = arith.constant 31 : i32
      %get3A_1800 = arith.index_cast %get3A_1799 : i32 to index
      %get3A_1801 = arith.constant 48 : index
      %get3A_1802 = tpu.vector_load %arg9[%get3A_1800, %get3A_1801] {strides = array<i32>} : memref<40x128xf32, #tpu.memory_space<vmem>>, vector<16xf32>,
      %mul3A_1803 = arith.mulf %get3A_23, %get3A_1802 : vector<16xf32>
      %add3A_1804 = arith.addf %add3A_1798, %mul3A_1803 : vector<16xf32>
      %get3A_1805 = arith.constant 31 : i32
      %get3A_1806 = arith.index_cast %get3A_1805 : i32 to index
      %get3A_1807 = arith.constant 64 : index
      %get3A_1808 = tpu.vector_load %arg9[%get3A_1806, %get3A_1807] {strides = array<i32>} : memref<40x128xf32, #tpu.memory_space<vmem>>, vector<16xf32>,
      %mul3A_1809 = arith.mulf %get3A_27, %get3A_1808 : vector<16xf32>
      %add3A_1810 = arith.addf %add3A_1804, %mul3A_1809 : vector<16xf32>
      %get3A_1811 = arith.constant 31 : i32
      %get3A_1812 = arith.index_cast %get3A_1811 : i32 to index
      %get3A_1813 = arith.constant 80 : index
      %get3A_1814 = tpu.vector_load %arg9[%get3A_1812, %get3A_1813] {strides = array<i32>} : memref<40x128xf32, #tpu.memory_space<vmem>>, vector<16xf32>,
      %mul3A_1815 = arith.mulf %get3A_31, %get3A_1814 : vector<16xf32>
      %add3A_1816 = arith.addf %add3A_1810, %mul3A_1815 : vector<16xf32>
      %get3A_1817 = arith.constant 31 : i32
      %get3A_1818 = arith.index_cast %get3A_1817 : i32 to index
      %get3A_1819 = arith.constant 96 : index
      %get3A_1820 = tpu.vector_load %arg9[%get3A_1818, %get3A_1819] {strides = array<i32>} : memref<40x128xf32, #tpu.memory_space<vmem>>, vector<16xf32>,
      %mul3A_1821 = arith.mulf %get3A_35, %get3A_1820 : vector<16xf32>
      %add3A_1822 = arith.addf %add3A_1816, %mul3A_1821 : vector<16xf32>
      %get3A_1823 = arith.constant 31 : i32
      %get3A_1824 = arith.index_cast %get3A_1823 : i32 to index
      %get3A_1825 = arith.constant 112 : index
      %get3A_1826 = tpu.vector_load %arg9[%get3A_1824, %get3A_1825] {strides = array<i32>} : memref<40x128xf32, #tpu.memory_space<vmem>>, vector<16xf32>,
      %mul3A_1827 = arith.mulf %get3A_39, %get3A_1826 : vector<16xf32>
      %add3A_1828 = arith.addf %add3A_1822, %mul3A_1827 : vector<16xf32>
      %reduce_sum3A_1829 = arith.constant true
      %reduce_sum3A_1830 = vector.broadcast %reduce_sum3A_1829 : i1 to vector<16xi1>
      %reduce_sum3A_1831 = tpu.scan <sum>, %add3A_1828 masked %reduce_sum3A_1830 : vector<16xf32>, vector<16xi1> -> vector<16xf32>
      %reduce_sum3A_1832 = vector.extract %reduce_sum3A_1831[15] : f32 from vector<16xf32>
      %eq3A_1833 = arith.constant 15 : i32
      %eq3A_1834 = vector.broadcast %eq3A_1833 : i32 to vector<16xi32>
      %eq3A_1835 = arith.cmpi eq, %iota3A, %eq3A_1834 : vector<16xi32>
      %broadcast_in_dim3A_1836 = vector.broadcast %reduce_sum3A_1832 : f32 to vector<16xf32>
      %select_n3A_1837 = arith.select %eq3A_1835, %broadcast_in_dim3A_1836, %select_n3A_1781 : vector<16xi1>, vector<16xf32>
      %get3A_1838 = arith.constant 16 : index
      %get3A_1839 = tpu.vector_load %arg10[%get3A_1838] {strides = array<i32>} : memref<48xf32, #tpu.memory_space<vmem>>, vector<16xf32>,
      %add3A_1840 = arith.addf %select_n3A_1837, %get3A_1839 : vector<16xf32>
      %max3A_1841 = arith.constant 0.000000e+00 : f32
      %max3A_1842 = vector.broadcast %max3A_1841 : f32 to vector<16xf32>
      %max3A_1843 = arith.maximumf %add3A_1840, %max3A_1842 : vector<16xf32>
      %swap3A_1844 = arith.constant 16 : index
      %swap3A_1845 = tpu.vector_load %arg11[%swap3A_1844] {strides = array<i32>} : memref<48xf32, #tpu.memory_space<vmem>>, vector<16xf32>,
      tpu.vector_store %arg11[%swap3A_1844], %max3A_1843 {strides = array<i32>} : memref<48xf32, #tpu.memory_space<vmem>>, vector<16xf32>,
      %broadcast_in_dim3A_1846 = arith.constant 0.000000e+00 : f32
      %broadcast_in_dim3A_1847 = vector.broadcast %broadcast_in_dim3A_1846 : f32 to vector<16xf32>
      %get3A_1848 = arith.constant 32 : i32
      %get3A_1849 = arith.index_cast %get3A_1848 : i32 to index
      %get3A_1850 = arith.constant 0 : index
      %get3A_1851 = tpu.vector_load %arg9[%get3A_1849, %get3A_1850] {strides = array<i32>} : memref<40x128xf32, #tpu.memory_space<vmem>>, vector<16xf32>,
      %mul3A_1852 = arith.mulf %get3A_11, %get3A_1851 : vector<16xf32>
      %get3A_1853 = arith.constant 32 : i32
      %get3A_1854 = arith.index_cast %get3A_1853 : i32 to index
      %get3A_1855 = arith.constant 16 : index
      %get3A_1856 = tpu.vector_load %arg9[%get3A_1854, %get3A_1855] {strides = array<i32>} : memref<40x128xf32, #tpu.memory_space<vmem>>, vector<16xf32>,
      %mul3A_1857 = arith.mulf %get3A_15, %get3A_1856 : vector<16xf32>
      %add3A_1858 = arith.addf %mul3A_1852, %mul3A_1857 : vector<16xf32>
      %get3A_1859 = arith.constant 32 : i32
      %get3A_1860 = arith.index_cast %get3A_1859 : i32 to index
      %get3A_1861 = arith.constant 32 : index
      %get3A_1862 = tpu.vector_load %arg9[%get3A_1860, %get3A_1861] {strides = array<i32>} : memref<40x128xf32, #tpu.memory_space<vmem>>, vector<16xf32>,
      %mul3A_1863 = arith.mulf %get3A_19, %get3A_1862 : vector<16xf32>
      %add3A_1864 = arith.addf %add3A_1858, %mul3A_1863 : vector<16xf32>
      %get3A_1865 = arith.constant 32 : i32
      %get3A_1866 = arith.index_cast %get3A_1865 : i32 to index
      %get3A_1867 = arith.constant 48 : index
      %get3A_1868 = tpu.vector_load %arg9[%get3A_1866, %get3A_1867] {strides = array<i32>} : memref<40x128xf32, #tpu.memory_space<vmem>>, vector<16xf32>,
      %mul3A_1869 = arith.mulf %get3A_23, %get3A_1868 : vector<16xf32>
      %add3A_1870 = arith.addf %add3A_1864, %mul3A_1869 : vector<16xf32>
      %get3A_1871 = arith.constant 32 : i32
      %get3A_1872 = arith.index_cast %get3A_1871 : i32 to index
      %get3A_1873 = arith.constant 64 : index
      %get3A_1874 = tpu.vector_load %arg9[%get3A_1872, %get3A_1873] {strides = array<i32>} : memref<40x128xf32, #tpu.memory_space<vmem>>, vector<16xf32>,
      %mul3A_1875 = arith.mulf %get3A_27, %get3A_1874 : vector<16xf32>
      %add3A_1876 = arith.addf %add3A_1870, %mul3A_1875 : vector<16xf32>
      %get3A_1877 = arith.constant 32 : i32
      %get3A_1878 = arith.index_cast %get3A_1877 : i32 to index
      %get3A_1879 = arith.constant 80 : index
      %get3A_1880 = tpu.vector_load %arg9[%get3A_1878, %get3A_1879] {strides = array<i32>} : memref<40x128xf32, #tpu.memory_space<vmem>>, vector<16xf32>,
      %mul3A_1881 = arith.mulf %get3A_31, %get3A_1880 : vector<16xf32>
      %add3A_1882 = arith.addf %add3A_1876, %mul3A_1881 : vector<16xf32>
      %get3A_1883 = arith.constant 32 : i32
      %get3A_1884 = arith.index_cast %get3A_1883 : i32 to index
      %get3A_1885 = arith.constant 96 : index
      %get3A_1886 = tpu.vector_load %arg9[%get3A_1884, %get3A_1885] {strides = array<i32>} : memref<40x128xf32, #tpu.memory_space<vmem>>, vector<16xf32>,
      %mul3A_1887 = arith.mulf %get3A_35, %get3A_1886 : vector<16xf32>
      %add3A_1888 = arith.addf %add3A_1882, %mul3A_1887 : vector<16xf32>
      %get3A_1889 = arith.constant 32 : i32
      %get3A_1890 = arith.index_cast %get3A_1889 : i32 to index
      %get3A_1891 = arith.constant 112 : index
      %get3A_1892 = tpu.vector_load %arg9[%get3A_1890, %get3A_1891] {strides = array<i32>} : memref<40x128xf32, #tpu.memory_space<vmem>>, vector<16xf32>,
      %mul3A_1893 = arith.mulf %get3A_39, %get3A_1892 : vector<16xf32>
      %add3A_1894 = arith.addf %add3A_1888, %mul3A_1893 : vector<16xf32>
      %reduce_sum3A_1895 = arith.constant true
      %reduce_sum3A_1896 = vector.broadcast %reduce_sum3A_1895 : i1 to vector<16xi1>
      %reduce_sum3A_1897 = tpu.scan <sum>, %add3A_1894 masked %reduce_sum3A_1896 : vector<16xf32>, vector<16xi1> -> vector<16xf32>
      %reduce_sum3A_1898 = vector.extract %reduce_sum3A_1897[15] : f32 from vector<16xf32>
      %eq3A_1899 = arith.constant 0 : i32
      %eq3A_1900 = vector.broadcast %eq3A_1899 : i32 to vector<16xi32>
      %eq3A_1901 = arith.cmpi eq, %iota3A, %eq3A_1900 : vector<16xi32>
      %broadcast_in_dim3A_1902 = vector.broadcast %reduce_sum3A_1898 : f32 to vector<16xf32>
      %select_n3A_1903 = arith.select %eq3A_1901, %broadcast_in_dim3A_1902, %broadcast_in_dim3A_1847 : vector<16xi1>, vector<16xf32>
      %get3A_1904 = arith.constant 33 : i32
      %get3A_1905 = arith.index_cast %get3A_1904 : i32 to index
      %get3A_1906 = arith.constant 0 : index
      %get3A_1907 = tpu.vector_load %arg9[%get3A_1905, %get3A_1906] {strides = array<i32>} : memref<40x128xf32, #tpu.memory_space<vmem>>, vector<16xf32>,
      %mul3A_1908 = arith.mulf %get3A_11, %get3A_1907 : vector<16xf32>
      %get3A_1909 = arith.constant 33 : i32
      %get3A_1910 = arith.index_cast %get3A_1909 : i32 to index
      %get3A_1911 = arith.constant 16 : index
      %get3A_1912 = tpu.vector_load %arg9[%get3A_1910, %get3A_1911] {strides = array<i32>} : memref<40x128xf32, #tpu.memory_space<vmem>>, vector<16xf32>,
      %mul3A_1913 = arith.mulf %get3A_15, %get3A_1912 : vector<16xf32>
      %add3A_1914 = arith.addf %mul3A_1908, %mul3A_1913 : vector<16xf32>
      %get3A_1915 = arith.constant 33 : i32
      %get3A_1916 = arith.index_cast %get3A_1915 : i32 to index
      %get3A_1917 = arith.constant 32 : index
      %get3A_1918 = tpu.vector_load %arg9[%get3A_1916, %get3A_1917] {strides = array<i32>} : memref<40x128xf32, #tpu.memory_space<vmem>>, vector<16xf32>,
      %mul3A_1919 = arith.mulf %get3A_19, %get3A_1918 : vector<16xf32>
      %add3A_1920 = arith.addf %add3A_1914, %mul3A_1919 : vector<16xf32>
      %get3A_1921 = arith.constant 33 : i32
      %get3A_1922 = arith.index_cast %get3A_1921 : i32 to index
      %get3A_1923 = arith.constant 48 : index
      %get3A_1924 = tpu.vector_load %arg9[%get3A_1922, %get3A_1923] {strides = array<i32>} : memref<40x128xf32, #tpu.memory_space<vmem>>, vector<16xf32>,
      %mul3A_1925 = arith.mulf %get3A_23, %get3A_1924 : vector<16xf32>
      %add3A_1926 = arith.addf %add3A_1920, %mul3A_1925 : vector<16xf32>
      %get3A_1927 = arith.constant 33 : i32
      %get3A_1928 = arith.index_cast %get3A_1927 : i32 to index
      %get3A_1929 = arith.constant 64 : index
      %get3A_1930 = tpu.vector_load %arg9[%get3A_1928, %get3A_1929] {strides = array<i32>} : memref<40x128xf32, #tpu.memory_space<vmem>>, vector<16xf32>,
      %mul3A_1931 = arith.mulf %get3A_27, %get3A_1930 : vector<16xf32>
      %add3A_1932 = arith.addf %add3A_1926, %mul3A_1931 : vector<16xf32>
      %get3A_1933 = arith.constant 33 : i32
      %get3A_1934 = arith.index_cast %get3A_1933 : i32 to index
      %get3A_1935 = arith.constant 80 : index
      %get3A_1936 = tpu.vector_load %arg9[%get3A_1934, %get3A_1935] {strides = array<i32>} : memref<40x128xf32, #tpu.memory_space<vmem>>, vector<16xf32>,
      %mul3A_1937 = arith.mulf %get3A_31, %get3A_1936 : vector<16xf32>
      %add3A_1938 = arith.addf %add3A_1932, %mul3A_1937 : vector<16xf32>
      %get3A_1939 = arith.constant 33 : i32
      %get3A_1940 = arith.index_cast %get3A_1939 : i32 to index
      %get3A_1941 = arith.constant 96 : index
      %get3A_1942 = tpu.vector_load %arg9[%get3A_1940, %get3A_1941] {strides = array<i32>} : memref<40x128xf32, #tpu.memory_space<vmem>>, vector<16xf32>,
      %mul3A_1943 = arith.mulf %get3A_35, %get3A_1942 : vector<16xf32>
      %add3A_1944 = arith.addf %add3A_1938, %mul3A_1943 : vector<16xf32>
      %get3A_1945 = arith.constant 33 : i32
      %get3A_1946 = arith.index_cast %get3A_1945 : i32 to index
      %get3A_1947 = arith.constant 112 : index
      %get3A_1948 = tpu.vector_load %arg9[%get3A_1946, %get3A_1947] {strides = array<i32>} : memref<40x128xf32, #tpu.memory_space<vmem>>, vector<16xf32>,
      %mul3A_1949 = arith.mulf %get3A_39, %get3A_1948 : vector<16xf32>
      %add3A_1950 = arith.addf %add3A_1944, %mul3A_1949 : vector<16xf32>
      %reduce_sum3A_1951 = arith.constant true
      %reduce_sum3A_1952 = vector.broadcast %reduce_sum3A_1951 : i1 to vector<16xi1>
      %reduce_sum3A_1953 = tpu.scan <sum>, %add3A_1950 masked %reduce_sum3A_1952 : vector<16xf32>, vector<16xi1> -> vector<16xf32>
      %reduce_sum3A_1954 = vector.extract %reduce_sum3A_1953[15] : f32 from vector<16xf32>
      %eq3A_1955 = arith.constant 1 : i32
      %eq3A_1956 = vector.broadcast %eq3A_1955 : i32 to vector<16xi32>
      %eq3A_1957 = arith.cmpi eq, %iota3A, %eq3A_1956 : vector<16xi32>
      %broadcast_in_dim3A_1958 = vector.broadcast %reduce_sum3A_1954 : f32 to vector<16xf32>
      %select_n3A_1959 = arith.select %eq3A_1957, %broadcast_in_dim3A_1958, %select_n3A_1903 : vector<16xi1>, vector<16xf32>
      %get3A_1960 = arith.constant 34 : i32
      %get3A_1961 = arith.index_cast %get3A_1960 : i32 to index
      %get3A_1962 = arith.constant 0 : index
      %get3A_1963 = tpu.vector_load %arg9[%get3A_1961, %get3A_1962] {strides = array<i32>} : memref<40x128xf32, #tpu.memory_space<vmem>>, vector<16xf32>,
      %mul3A_1964 = arith.mulf %get3A_11, %get3A_1963 : vector<16xf32>
      %get3A_1965 = arith.constant 34 : i32
      %get3A_1966 = arith.index_cast %get3A_1965 : i32 to index
      %get3A_1967 = arith.constant 16 : index
      %get3A_1968 = tpu.vector_load %arg9[%get3A_1966, %get3A_1967] {strides = array<i32>} : memref<40x128xf32, #tpu.memory_space<vmem>>, vector<16xf32>,
      %mul3A_1969 = arith.mulf %get3A_15, %get3A_1968 : vector<16xf32>
      %add3A_1970 = arith.addf %mul3A_1964, %mul3A_1969 : vector<16xf32>
      %get3A_1971 = arith.constant 34 : i32
      %get3A_1972 = arith.index_cast %get3A_1971 : i32 to index
      %get3A_1973 = arith.constant 32 : index
      %get3A_1974 = tpu.vector_load %arg9[%get3A_1972, %get3A_1973] {strides = array<i32>} : memref<40x128xf32, #tpu.memory_space<vmem>>, vector<16xf32>,
      %mul3A_1975 = arith.mulf %get3A_19, %get3A_1974 : vector<16xf32>
      %add3A_1976 = arith.addf %add3A_1970, %mul3A_1975 : vector<16xf32>
      %get3A_1977 = arith.constant 34 : i32
      %get3A_1978 = arith.index_cast %get3A_1977 : i32 to index
      %get3A_1979 = arith.constant 48 : index
      %get3A_1980 = tpu.vector_load %arg9[%get3A_1978, %get3A_1979] {strides = array<i32>} : memref<40x128xf32, #tpu.memory_space<vmem>>, vector<16xf32>,
      %mul3A_1981 = arith.mulf %get3A_23, %get3A_1980 : vector<16xf32>
      %add3A_1982 = arith.addf %add3A_1976, %mul3A_1981 : vector<16xf32>
      %get3A_1983 = arith.constant 34 : i32
      %get3A_1984 = arith.index_cast %get3A_1983 : i32 to index
      %get3A_1985 = arith.constant 64 : index
      %get3A_1986 = tpu.vector_load %arg9[%get3A_1984, %get3A_1985] {strides = array<i32>} : memref<40x128xf32, #tpu.memory_space<vmem>>, vector<16xf32>,
      %mul3A_1987 = arith.mulf %get3A_27, %get3A_1986 : vector<16xf32>
      %add3A_1988 = arith.addf %add3A_1982, %mul3A_1987 : vector<16xf32>
      %get3A_1989 = arith.constant 34 : i32
      %get3A_1990 = arith.index_cast %get3A_1989 : i32 to index
      %get3A_1991 = arith.constant 80 : index
      %get3A_1992 = tpu.vector_load %arg9[%get3A_1990, %get3A_1991] {strides = array<i32>} : memref<40x128xf32, #tpu.memory_space<vmem>>, vector<16xf32>,
      %mul3A_1993 = arith.mulf %get3A_31, %get3A_1992 : vector<16xf32>
      %add3A_1994 = arith.addf %add3A_1988, %mul3A_1993 : vector<16xf32>
      %get3A_1995 = arith.constant 34 : i32
      %get3A_1996 = arith.index_cast %get3A_1995 : i32 to index
      %get3A_1997 = arith.constant 96 : index
      %get3A_1998 = tpu.vector_load %arg9[%get3A_1996, %get3A_1997] {strides = array<i32>} : memref<40x128xf32, #tpu.memory_space<vmem>>, vector<16xf32>,
      %mul3A_1999 = arith.mulf %get3A_35, %get3A_1998 : vector<16xf32>
      %add3A_2000 = arith.addf %add3A_1994, %mul3A_1999 : vector<16xf32>
      %get3A_2001 = arith.constant 34 : i32
      %get3A_2002 = arith.index_cast %get3A_2001 : i32 to index
      %get3A_2003 = arith.constant 112 : index
      %get3A_2004 = tpu.vector_load %arg9[%get3A_2002, %get3A_2003] {strides = array<i32>} : memref<40x128xf32, #tpu.memory_space<vmem>>, vector<16xf32>,
      %mul3A_2005 = arith.mulf %get3A_39, %get3A_2004 : vector<16xf32>
      %add3A_2006 = arith.addf %add3A_2000, %mul3A_2005 : vector<16xf32>
      %reduce_sum3A_2007 = arith.constant true
      %reduce_sum3A_2008 = vector.broadcast %reduce_sum3A_2007 : i1 to vector<16xi1>
      %reduce_sum3A_2009 = tpu.scan <sum>, %add3A_2006 masked %reduce_sum3A_2008 : vector<16xf32>, vector<16xi1> -> vector<16xf32>
      %reduce_sum3A_2010 = vector.extract %reduce_sum3A_2009[15] : f32 from vector<16xf32>
      %eq3A_2011 = arith.constant 2 : i32
      %eq3A_2012 = vector.broadcast %eq3A_2011 : i32 to vector<16xi32>
      %eq3A_2013 = arith.cmpi eq, %iota3A, %eq3A_2012 : vector<16xi32>
      %broadcast_in_dim3A_2014 = vector.broadcast %reduce_sum3A_2010 : f32 to vector<16xf32>
      %select_n3A_2015 = arith.select %eq3A_2013, %broadcast_in_dim3A_2014, %select_n3A_1959 : vector<16xi1>, vector<16xf32>
      %get3A_2016 = arith.constant 35 : i32
      %get3A_2017 = arith.index_cast %get3A_2016 : i32 to index
      %get3A_2018 = arith.constant 0 : index
      %get3A_2019 = tpu.vector_load %arg9[%get3A_2017, %get3A_2018] {strides = array<i32>} : memref<40x128xf32, #tpu.memory_space<vmem>>, vector<16xf32>,
      %mul3A_2020 = arith.mulf %get3A_11, %get3A_2019 : vector<16xf32>
      %get3A_2021 = arith.constant 35 : i32
      %get3A_2022 = arith.index_cast %get3A_2021 : i32 to index
      %get3A_2023 = arith.constant 16 : index
      %get3A_2024 = tpu.vector_load %arg9[%get3A_2022, %get3A_2023] {strides = array<i32>} : memref<40x128xf32, #tpu.memory_space<vmem>>, vector<16xf32>,
      %mul3A_2025 = arith.mulf %get3A_15, %get3A_2024 : vector<16xf32>
      %add3A_2026 = arith.addf %mul3A_2020, %mul3A_2025 : vector<16xf32>
      %get3A_2027 = arith.constant 35 : i32
      %get3A_2028 = arith.index_cast %get3A_2027 : i32 to index
      %get3A_2029 = arith.constant 32 : index
      %get3A_2030 = tpu.vector_load %arg9[%get3A_2028, %get3A_2029] {strides = array<i32>} : memref<40x128xf32, #tpu.memory_space<vmem>>, vector<16xf32>,
      %mul3A_2031 = arith.mulf %get3A_19, %get3A_2030 : vector<16xf32>
      %add3A_2032 = arith.addf %add3A_2026, %mul3A_2031 : vector<16xf32>
      %get3A_2033 = arith.constant 35 : i32
      %get3A_2034 = arith.index_cast %get3A_2033 : i32 to index
      %get3A_2035 = arith.constant 48 : index
      %get3A_2036 = tpu.vector_load %arg9[%get3A_2034, %get3A_2035] {strides = array<i32>} : memref<40x128xf32, #tpu.memory_space<vmem>>, vector<16xf32>,
      %mul3A_2037 = arith.mulf %get3A_23, %get3A_2036 : vector<16xf32>
      %add3A_2038 = arith.addf %add3A_2032, %mul3A_2037 : vector<16xf32>
      %get3A_2039 = arith.constant 35 : i32
      %get3A_2040 = arith.index_cast %get3A_2039 : i32 to index
      %get3A_2041 = arith.constant 64 : index
      %get3A_2042 = tpu.vector_load %arg9[%get3A_2040, %get3A_2041] {strides = array<i32>} : memref<40x128xf32, #tpu.memory_space<vmem>>, vector<16xf32>,
      %mul3A_2043 = arith.mulf %get3A_27, %get3A_2042 : vector<16xf32>
      %add3A_2044 = arith.addf %add3A_2038, %mul3A_2043 : vector<16xf32>
      %get3A_2045 = arith.constant 35 : i32
      %get3A_2046 = arith.index_cast %get3A_2045 : i32 to index
      %get3A_2047 = arith.constant 80 : index
      %get3A_2048 = tpu.vector_load %arg9[%get3A_2046, %get3A_2047] {strides = array<i32>} : memref<40x128xf32, #tpu.memory_space<vmem>>, vector<16xf32>,
      %mul3A_2049 = arith.mulf %get3A_31, %get3A_2048 : vector<16xf32>
      %add3A_2050 = arith.addf %add3A_2044, %mul3A_2049 : vector<16xf32>
      %get3A_2051 = arith.constant 35 : i32
      %get3A_2052 = arith.index_cast %get3A_2051 : i32 to index
      %get3A_2053 = arith.constant 96 : index
      %get3A_2054 = tpu.vector_load %arg9[%get3A_2052, %get3A_2053] {strides = array<i32>} : memref<40x128xf32, #tpu.memory_space<vmem>>, vector<16xf32>,
      %mul3A_2055 = arith.mulf %get3A_35, %get3A_2054 : vector<16xf32>
      %add3A_2056 = arith.addf %add3A_2050, %mul3A_2055 : vector<16xf32>
      %get3A_2057 = arith.constant 35 : i32
      %get3A_2058 = arith.index_cast %get3A_2057 : i32 to index
      %get3A_2059 = arith.constant 112 : index
      %get3A_2060 = tpu.vector_load %arg9[%get3A_2058, %get3A_2059] {strides = array<i32>} : memref<40x128xf32, #tpu.memory_space<vmem>>, vector<16xf32>,
      %mul3A_2061 = arith.mulf %get3A_39, %get3A_2060 : vector<16xf32>
      %add3A_2062 = arith.addf %add3A_2056, %mul3A_2061 : vector<16xf32>
      %reduce_sum3A_2063 = arith.constant true
      %reduce_sum3A_2064 = vector.broadcast %reduce_sum3A_2063 : i1 to vector<16xi1>
      %reduce_sum3A_2065 = tpu.scan <sum>, %add3A_2062 masked %reduce_sum3A_2064 : vector<16xf32>, vector<16xi1> -> vector<16xf32>
      %reduce_sum3A_2066 = vector.extract %reduce_sum3A_2065[15] : f32 from vector<16xf32>
      %eq3A_2067 = arith.constant 3 : i32
      %eq3A_2068 = vector.broadcast %eq3A_2067 : i32 to vector<16xi32>
      %eq3A_2069 = arith.cmpi eq, %iota3A, %eq3A_2068 : vector<16xi32>
      %broadcast_in_dim3A_2070 = vector.broadcast %reduce_sum3A_2066 : f32 to vector<16xf32>
      %select_n3A_2071 = arith.select %eq3A_2069, %broadcast_in_dim3A_2070, %select_n3A_2015 : vector<16xi1>, vector<16xf32>
      %get3A_2072 = arith.constant 36 : i32
      %get3A_2073 = arith.index_cast %get3A_2072 : i32 to index
      %get3A_2074 = arith.constant 0 : index
      %get3A_2075 = tpu.vector_load %arg9[%get3A_2073, %get3A_2074] {strides = array<i32>} : memref<40x128xf32, #tpu.memory_space<vmem>>, vector<16xf32>,
      %mul3A_2076 = arith.mulf %get3A_11, %get3A_2075 : vector<16xf32>
      %get3A_2077 = arith.constant 36 : i32
      %get3A_2078 = arith.index_cast %get3A_2077 : i32 to index
      %get3A_2079 = arith.constant 16 : index
      %get3A_2080 = tpu.vector_load %arg9[%get3A_2078, %get3A_2079] {strides = array<i32>} : memref<40x128xf32, #tpu.memory_space<vmem>>, vector<16xf32>,
      %mul3A_2081 = arith.mulf %get3A_15, %get3A_2080 : vector<16xf32>
      %add3A_2082 = arith.addf %mul3A_2076, %mul3A_2081 : vector<16xf32>
      %get3A_2083 = arith.constant 36 : i32
      %get3A_2084 = arith.index_cast %get3A_2083 : i32 to index
      %get3A_2085 = arith.constant 32 : index
      %get3A_2086 = tpu.vector_load %arg9[%get3A_2084, %get3A_2085] {strides = array<i32>} : memref<40x128xf32, #tpu.memory_space<vmem>>, vector<16xf32>,
      %mul3A_2087 = arith.mulf %get3A_19, %get3A_2086 : vector<16xf32>
      %add3A_2088 = arith.addf %add3A_2082, %mul3A_2087 : vector<16xf32>
      %get3A_2089 = arith.constant 36 : i32
      %get3A_2090 = arith.index_cast %get3A_2089 : i32 to index
      %get3A_2091 = arith.constant 48 : index
      %get3A_2092 = tpu.vector_load %arg9[%get3A_2090, %get3A_2091] {strides = array<i32>} : memref<40x128xf32, #tpu.memory_space<vmem>>, vector<16xf32>,
      %mul3A_2093 = arith.mulf %get3A_23, %get3A_2092 : vector<16xf32>
      %add3A_2094 = arith.addf %add3A_2088, %mul3A_2093 : vector<16xf32>
      %get3A_2095 = arith.constant 36 : i32
      %get3A_2096 = arith.index_cast %get3A_2095 : i32 to index
      %get3A_2097 = arith.constant 64 : index
      %get3A_2098 = tpu.vector_load %arg9[%get3A_2096, %get3A_2097] {strides = array<i32>} : memref<40x128xf32, #tpu.memory_space<vmem>>, vector<16xf32>,
      %mul3A_2099 = arith.mulf %get3A_27, %get3A_2098 : vector<16xf32>
      %add3A_2100 = arith.addf %add3A_2094, %mul3A_2099 : vector<16xf32>
      %get3A_2101 = arith.constant 36 : i32
      %get3A_2102 = arith.index_cast %get3A_2101 : i32 to index
      %get3A_2103 = arith.constant 80 : index
      %get3A_2104 = tpu.vector_load %arg9[%get3A_2102, %get3A_2103] {strides = array<i32>} : memref<40x128xf32, #tpu.memory_space<vmem>>, vector<16xf32>,
      %mul3A_2105 = arith.mulf %get3A_31, %get3A_2104 : vector<16xf32>
      %add3A_2106 = arith.addf %add3A_2100, %mul3A_2105 : vector<16xf32>
      %get3A_2107 = arith.constant 36 : i32
      %get3A_2108 = arith.index_cast %get3A_2107 : i32 to index
      %get3A_2109 = arith.constant 96 : index
      %get3A_2110 = tpu.vector_load %arg9[%get3A_2108, %get3A_2109] {strides = array<i32>} : memref<40x128xf32, #tpu.memory_space<vmem>>, vector<16xf32>,
      %mul3A_2111 = arith.mulf %get3A_35, %get3A_2110 : vector<16xf32>
      %add3A_2112 = arith.addf %add3A_2106, %mul3A_2111 : vector<16xf32>
      %get3A_2113 = arith.constant 36 : i32
      %get3A_2114 = arith.index_cast %get3A_2113 : i32 to index
      %get3A_2115 = arith.constant 112 : index
      %get3A_2116 = tpu.vector_load %arg9[%get3A_2114, %get3A_2115] {strides = array<i32>} : memref<40x128xf32, #tpu.memory_space<vmem>>, vector<16xf32>,
      %mul3A_2117 = arith.mulf %get3A_39, %get3A_2116 : vector<16xf32>
      %add3A_2118 = arith.addf %add3A_2112, %mul3A_2117 : vector<16xf32>
      %reduce_sum3A_2119 = arith.constant true
      %reduce_sum3A_2120 = vector.broadcast %reduce_sum3A_2119 : i1 to vector<16xi1>
      %reduce_sum3A_2121 = tpu.scan <sum>, %add3A_2118 masked %reduce_sum3A_2120 : vector<16xf32>, vector<16xi1> -> vector<16xf32>
      %reduce_sum3A_2122 = vector.extract %reduce_sum3A_2121[15] : f32 from vector<16xf32>
      %eq3A_2123 = arith.constant 4 : i32
      %eq3A_2124 = vector.broadcast %eq3A_2123 : i32 to vector<16xi32>
      %eq3A_2125 = arith.cmpi eq, %iota3A, %eq3A_2124 : vector<16xi32>
      %broadcast_in_dim3A_2126 = vector.broadcast %reduce_sum3A_2122 : f32 to vector<16xf32>
      %select_n3A_2127 = arith.select %eq3A_2125, %broadcast_in_dim3A_2126, %select_n3A_2071 : vector<16xi1>, vector<16xf32>
      %get3A_2128 = arith.constant 37 : i32
      %get3A_2129 = arith.index_cast %get3A_2128 : i32 to index
      %get3A_2130 = arith.constant 0 : index
      %get3A_2131 = tpu.vector_load %arg9[%get3A_2129, %get3A_2130] {strides = array<i32>} : memref<40x128xf32, #tpu.memory_space<vmem>>, vector<16xf32>,
      %mul3A_2132 = arith.mulf %get3A_11, %get3A_2131 : vector<16xf32>
      %get3A_2133 = arith.constant 37 : i32
      %get3A_2134 = arith.index_cast %get3A_2133 : i32 to index
      %get3A_2135 = arith.constant 16 : index
      %get3A_2136 = tpu.vector_load %arg9[%get3A_2134, %get3A_2135] {strides = array<i32>} : memref<40x128xf32, #tpu.memory_space<vmem>>, vector<16xf32>,
      %mul3A_2137 = arith.mulf %get3A_15, %get3A_2136 : vector<16xf32>
      %add3A_2138 = arith.addf %mul3A_2132, %mul3A_2137 : vector<16xf32>
      %get3A_2139 = arith.constant 37 : i32
      %get3A_2140 = arith.index_cast %get3A_2139 : i32 to index
      %get3A_2141 = arith.constant 32 : index
      %get3A_2142 = tpu.vector_load %arg9[%get3A_2140, %get3A_2141] {strides = array<i32>} : memref<40x128xf32, #tpu.memory_space<vmem>>, vector<16xf32>,
      %mul3A_2143 = arith.mulf %get3A_19, %get3A_2142 : vector<16xf32>
      %add3A_2144 = arith.addf %add3A_2138, %mul3A_2143 : vector<16xf32>
      %get3A_2145 = arith.constant 37 : i32
      %get3A_2146 = arith.index_cast %get3A_2145 : i32 to index
      %get3A_2147 = arith.constant 48 : index
      %get3A_2148 = tpu.vector_load %arg9[%get3A_2146, %get3A_2147] {strides = array<i32>} : memref<40x128xf32, #tpu.memory_space<vmem>>, vector<16xf32>,
      %mul3A_2149 = arith.mulf %get3A_23, %get3A_2148 : vector<16xf32>
      %add3A_2150 = arith.addf %add3A_2144, %mul3A_2149 : vector<16xf32>
      %get3A_2151 = arith.constant 37 : i32
      %get3A_2152 = arith.index_cast %get3A_2151 : i32 to index
      %get3A_2153 = arith.constant 64 : index
      %get3A_2154 = tpu.vector_load %arg9[%get3A_2152, %get3A_2153] {strides = array<i32>} : memref<40x128xf32, #tpu.memory_space<vmem>>, vector<16xf32>,
      %mul3A_2155 = arith.mulf %get3A_27, %get3A_2154 : vector<16xf32>
      %add3A_2156 = arith.addf %add3A_2150, %mul3A_2155 : vector<16xf32>
      %get3A_2157 = arith.constant 37 : i32
      %get3A_2158 = arith.index_cast %get3A_2157 : i32 to index
      %get3A_2159 = arith.constant 80 : index
      %get3A_2160 = tpu.vector_load %arg9[%get3A_2158, %get3A_2159] {strides = array<i32>} : memref<40x128xf32, #tpu.memory_space<vmem>>, vector<16xf32>,
      %mul3A_2161 = arith.mulf %get3A_31, %get3A_2160 : vector<16xf32>
      %add3A_2162 = arith.addf %add3A_2156, %mul3A_2161 : vector<16xf32>
      %get3A_2163 = arith.constant 37 : i32
      %get3A_2164 = arith.index_cast %get3A_2163 : i32 to index
      %get3A_2165 = arith.constant 96 : index
      %get3A_2166 = tpu.vector_load %arg9[%get3A_2164, %get3A_2165] {strides = array<i32>} : memref<40x128xf32, #tpu.memory_space<vmem>>, vector<16xf32>,
      %mul3A_2167 = arith.mulf %get3A_35, %get3A_2166 : vector<16xf32>
      %add3A_2168 = arith.addf %add3A_2162, %mul3A_2167 : vector<16xf32>
      %get3A_2169 = arith.constant 37 : i32
      %get3A_2170 = arith.index_cast %get3A_2169 : i32 to index
      %get3A_2171 = arith.constant 112 : index
      %get3A_2172 = tpu.vector_load %arg9[%get3A_2170, %get3A_2171] {strides = array<i32>} : memref<40x128xf32, #tpu.memory_space<vmem>>, vector<16xf32>,
      %mul3A_2173 = arith.mulf %get3A_39, %get3A_2172 : vector<16xf32>
      %add3A_2174 = arith.addf %add3A_2168, %mul3A_2173 : vector<16xf32>
      %reduce_sum3A_2175 = arith.constant true
      %reduce_sum3A_2176 = vector.broadcast %reduce_sum3A_2175 : i1 to vector<16xi1>
      %reduce_sum3A_2177 = tpu.scan <sum>, %add3A_2174 masked %reduce_sum3A_2176 : vector<16xf32>, vector<16xi1> -> vector<16xf32>
      %reduce_sum3A_2178 = vector.extract %reduce_sum3A_2177[15] : f32 from vector<16xf32>
      %eq3A_2179 = arith.constant 5 : i32
      %eq3A_2180 = vector.broadcast %eq3A_2179 : i32 to vector<16xi32>
      %eq3A_2181 = arith.cmpi eq, %iota3A, %eq3A_2180 : vector<16xi32>
      %broadcast_in_dim3A_2182 = vector.broadcast %reduce_sum3A_2178 : f32 to vector<16xf32>
      %select_n3A_2183 = arith.select %eq3A_2181, %broadcast_in_dim3A_2182, %select_n3A_2127 : vector<16xi1>, vector<16xf32>
      %get3A_2184 = arith.constant 38 : i32
      %get3A_2185 = arith.index_cast %get3A_2184 : i32 to index
      %get3A_2186 = arith.constant 0 : index
      %get3A_2187 = tpu.vector_load %arg9[%get3A_2185, %get3A_2186] {strides = array<i32>} : memref<40x128xf32, #tpu.memory_space<vmem>>, vector<16xf32>,
      %mul3A_2188 = arith.mulf %get3A_11, %get3A_2187 : vector<16xf32>
      %get3A_2189 = arith.constant 38 : i32
      %get3A_2190 = arith.index_cast %get3A_2189 : i32 to index
      %get3A_2191 = arith.constant 16 : index
      %get3A_2192 = tpu.vector_load %arg9[%get3A_2190, %get3A_2191] {strides = array<i32>} : memref<40x128xf32, #tpu.memory_space<vmem>>, vector<16xf32>,
      %mul3A_2193 = arith.mulf %get3A_15, %get3A_2192 : vector<16xf32>
      %add3A_2194 = arith.addf %mul3A_2188, %mul3A_2193 : vector<16xf32>
      %get3A_2195 = arith.constant 38 : i32
      %get3A_2196 = arith.index_cast %get3A_2195 : i32 to index
      %get3A_2197 = arith.constant 32 : index
      %get3A_2198 = tpu.vector_load %arg9[%get3A_2196, %get3A_2197] {strides = array<i32>} : memref<40x128xf32, #tpu.memory_space<vmem>>, vector<16xf32>,
      %mul3A_2199 = arith.mulf %get3A_19, %get3A_2198 : vector<16xf32>
      %add3A_2200 = arith.addf %add3A_2194, %mul3A_2199 : vector<16xf32>
      %get3A_2201 = arith.constant 38 : i32
      %get3A_2202 = arith.index_cast %get3A_2201 : i32 to index
      %get3A_2203 = arith.constant 48 : index
      %get3A_2204 = tpu.vector_load %arg9[%get3A_2202, %get3A_2203] {strides = array<i32>} : memref<40x128xf32, #tpu.memory_space<vmem>>, vector<16xf32>,
      %mul3A_2205 = arith.mulf %get3A_23, %get3A_2204 : vector<16xf32>
      %add3A_2206 = arith.addf %add3A_2200, %mul3A_2205 : vector<16xf32>
      %get3A_2207 = arith.constant 38 : i32
      %get3A_2208 = arith.index_cast %get3A_2207 : i32 to index
      %get3A_2209 = arith.constant 64 : index
      %get3A_2210 = tpu.vector_load %arg9[%get3A_2208, %get3A_2209] {strides = array<i32>} : memref<40x128xf32, #tpu.memory_space<vmem>>, vector<16xf32>,
      %mul3A_2211 = arith.mulf %get3A_27, %get3A_2210 : vector<16xf32>
      %add3A_2212 = arith.addf %add3A_2206, %mul3A_2211 : vector<16xf32>
      %get3A_2213 = arith.constant 38 : i32
      %get3A_2214 = arith.index_cast %get3A_2213 : i32 to index
      %get3A_2215 = arith.constant 80 : index
      %get3A_2216 = tpu.vector_load %arg9[%get3A_2214, %get3A_2215] {strides = array<i32>} : memref<40x128xf32, #tpu.memory_space<vmem>>, vector<16xf32>,
      %mul3A_2217 = arith.mulf %get3A_31, %get3A_2216 : vector<16xf32>
      %add3A_2218 = arith.addf %add3A_2212, %mul3A_2217 : vector<16xf32>
      %get3A_2219 = arith.constant 38 : i32
      %get3A_2220 = arith.index_cast %get3A_2219 : i32 to index
      %get3A_2221 = arith.constant 96 : index
      %get3A_2222 = tpu.vector_load %arg9[%get3A_2220, %get3A_2221] {strides = array<i32>} : memref<40x128xf32, #tpu.memory_space<vmem>>, vector<16xf32>,
      %mul3A_2223 = arith.mulf %get3A_35, %get3A_2222 : vector<16xf32>
      %add3A_2224 = arith.addf %add3A_2218, %mul3A_2223 : vector<16xf32>
      %get3A_2225 = arith.constant 38 : i32
      %get3A_2226 = arith.index_cast %get3A_2225 : i32 to index
      %get3A_2227 = arith.constant 112 : index
      %get3A_2228 = tpu.vector_load %arg9[%get3A_2226, %get3A_2227] {strides = array<i32>} : memref<40x128xf32, #tpu.memory_space<vmem>>, vector<16xf32>,
      %mul3A_2229 = arith.mulf %get3A_39, %get3A_2228 : vector<16xf32>
      %add3A_2230 = arith.addf %add3A_2224, %mul3A_2229 : vector<16xf32>
      %reduce_sum3A_2231 = arith.constant true
      %reduce_sum3A_2232 = vector.broadcast %reduce_sum3A_2231 : i1 to vector<16xi1>
      %reduce_sum3A_2233 = tpu.scan <sum>, %add3A_2230 masked %reduce_sum3A_2232 : vector<16xf32>, vector<16xi1> -> vector<16xf32>
      %reduce_sum3A_2234 = vector.extract %reduce_sum3A_2233[15] : f32 from vector<16xf32>
      %eq3A_2235 = arith.constant 6 : i32
      %eq3A_2236 = vector.broadcast %eq3A_2235 : i32 to vector<16xi32>
      %eq3A_2237 = arith.cmpi eq, %iota3A, %eq3A_2236 : vector<16xi32>
      %broadcast_in_dim3A_2238 = vector.broadcast %reduce_sum3A_2234 : f32 to vector<16xf32>
      %select_n3A_2239 = arith.select %eq3A_2237, %broadcast_in_dim3A_2238, %select_n3A_2183 : vector<16xi1>, vector<16xf32>
      %get3A_2240 = arith.constant 39 : i32
      %get3A_2241 = arith.index_cast %get3A_2240 : i32 to index
      %get3A_2242 = arith.constant 0 : index
      %get3A_2243 = tpu.vector_load %arg9[%get3A_2241, %get3A_2242] {strides = array<i32>} : memref<40x128xf32, #tpu.memory_space<vmem>>, vector<16xf32>,
      %mul3A_2244 = arith.mulf %get3A_11, %get3A_2243 : vector<16xf32>
      %get3A_2245 = arith.constant 39 : i32
      %get3A_2246 = arith.index_cast %get3A_2245 : i32 to index
      %get3A_2247 = arith.constant 16 : index
      %get3A_2248 = tpu.vector_load %arg9[%get3A_2246, %get3A_2247] {strides = array<i32>} : memref<40x128xf32, #tpu.memory_space<vmem>>, vector<16xf32>,
      %mul3A_2249 = arith.mulf %get3A_15, %get3A_2248 : vector<16xf32>
      %add3A_2250 = arith.addf %mul3A_2244, %mul3A_2249 : vector<16xf32>
      %get3A_2251 = arith.constant 39 : i32
      %get3A_2252 = arith.index_cast %get3A_2251 : i32 to index
      %get3A_2253 = arith.constant 32 : index
      %get3A_2254 = tpu.vector_load %arg9[%get3A_2252, %get3A_2253] {strides = array<i32>} : memref<40x128xf32, #tpu.memory_space<vmem>>, vector<16xf32>,
      %mul3A_2255 = arith.mulf %get3A_19, %get3A_2254 : vector<16xf32>
      %add3A_2256 = arith.addf %add3A_2250, %mul3A_2255 : vector<16xf32>
      %get3A_2257 = arith.constant 39 : i32
      %get3A_2258 = arith.index_cast %get3A_2257 : i32 to index
      %get3A_2259 = arith.constant 48 : index
      %get3A_2260 = tpu.vector_load %arg9[%get3A_2258, %get3A_2259] {strides = array<i32>} : memref<40x128xf32, #tpu.memory_space<vmem>>, vector<16xf32>,
      %mul3A_2261 = arith.mulf %get3A_23, %get3A_2260 : vector<16xf32>
      %add3A_2262 = arith.addf %add3A_2256, %mul3A_2261 : vector<16xf32>
      %get3A_2263 = arith.constant 39 : i32
      %get3A_2264 = arith.index_cast %get3A_2263 : i32 to index
      %get3A_2265 = arith.constant 64 : index
      %get3A_2266 = tpu.vector_load %arg9[%get3A_2264, %get3A_2265] {strides = array<i32>} : memref<40x128xf32, #tpu.memory_space<vmem>>, vector<16xf32>,
      %mul3A_2267 = arith.mulf %get3A_27, %get3A_2266 : vector<16xf32>
      %add3A_2268 = arith.addf %add3A_2262, %mul3A_2267 : vector<16xf32>
      %get3A_2269 = arith.constant 39 : i32
      %get3A_2270 = arith.index_cast %get3A_2269 : i32 to index
      %get3A_2271 = arith.constant 80 : index
      %get3A_2272 = tpu.vector_load %arg9[%get3A_2270, %get3A_2271] {strides = array<i32>} : memref<40x128xf32, #tpu.memory_space<vmem>>, vector<16xf32>,
      %mul3A_2273 = arith.mulf %get3A_31, %get3A_2272 : vector<16xf32>
      %add3A_2274 = arith.addf %add3A_2268, %mul3A_2273 : vector<16xf32>
      %get3A_2275 = arith.constant 39 : i32
      %get3A_2276 = arith.index_cast %get3A_2275 : i32 to index
      %get3A_2277 = arith.constant 96 : index
      %get3A_2278 = tpu.vector_load %arg9[%get3A_2276, %get3A_2277] {strides = array<i32>} : memref<40x128xf32, #tpu.memory_space<vmem>>, vector<16xf32>,
      %mul3A_2279 = arith.mulf %get3A_35, %get3A_2278 : vector<16xf32>
      %add3A_2280 = arith.addf %add3A_2274, %mul3A_2279 : vector<16xf32>
      %get3A_2281 = arith.constant 39 : i32
      %get3A_2282 = arith.index_cast %get3A_2281 : i32 to index
      %get3A_2283 = arith.constant 112 : index
      %get3A_2284 = tpu.vector_load %arg9[%get3A_2282, %get3A_2283] {strides = array<i32>} : memref<40x128xf32, #tpu.memory_space<vmem>>, vector<16xf32>,
      %mul3A_2285 = arith.mulf %get3A_39, %get3A_2284 : vector<16xf32>
      %add3A_2286 = arith.addf %add3A_2280, %mul3A_2285 : vector<16xf32>
      %reduce_sum3A_2287 = arith.constant true
      %reduce_sum3A_2288 = vector.broadcast %reduce_sum3A_2287 : i1 to vector<16xi1>
      %reduce_sum3A_2289 = tpu.scan <sum>, %add3A_2286 masked %reduce_sum3A_2288 : vector<16xf32>, vector<16xi1> -> vector<16xf32>
      %reduce_sum3A_2290 = vector.extract %reduce_sum3A_2289[15] : f32 from vector<16xf32>
      %eq3A_2291 = arith.constant 7 : i32
      %eq3A_2292 = vector.broadcast %eq3A_2291 : i32 to vector<16xi32>
      %eq3A_2293 = arith.cmpi eq, %iota3A, %eq3A_2292 : vector<16xi32>
      %broadcast_in_dim3A_2294 = vector.broadcast %reduce_sum3A_2290 : f32 to vector<16xf32>
      %select_n3A_2295 = arith.select %eq3A_2293, %broadcast_in_dim3A_2294, %select_n3A_2239 : vector<16xi1>, vector<16xf32>
      %get3A_2296 = arith.constant 32 : index
      %get3A_2297 = tpu.vector_load %arg10[%get3A_2296] {strides = array<i32>} : memref<48xf32, #tpu.memory_space<vmem>>, vector<16xf32>,
      %add3A_2298 = arith.addf %select_n3A_2295, %get3A_2297 : vector<16xf32>
      %max3A_2299 = arith.constant 0.000000e+00 : f32
      %max3A_2300 = vector.broadcast %max3A_2299 : f32 to vector<16xf32>
      %max3A_2301 = arith.maximumf %add3A_2298, %max3A_2300 : vector<16xf32>
      %swap3A_2302 = arith.constant 32 : index
      %swap3A_2303 = tpu.vector_load %arg11[%swap3A_2302] {strides = array<i32>} : memref<48xf32, #tpu.memory_space<vmem>>, vector<16xf32>,
      tpu.vector_store %arg11[%swap3A_2302], %max3A_2301 {strides = array<i32>} : memref<48xf32, #tpu.memory_space<vmem>>, vector<16xf32>,
      "tpu.region"() ({
        %run_scoped3A = tpu.sem_alloc : memref<!tpu.dma_semaphore, #tpu.memory_space<semaphore_mem>>
        %dma_start3A_2304 = arith.constant 0 : i32
        %dma_start3A_2305 = tpu.memref_slice %arg11[%dma_start3A_2304] : memref<48xf32, #tpu.memory_space<vmem>> -> memref<40xf32, #tpu.memory_space<vmem>>
        %dma_start3A_2306 = tpu.memref_slice %arg6[%mul3A_4] : memref<1000xf32, #tpu.memory_space<hbm>> -> memref<40xf32, #tpu.memory_space<hbm>>
        %dma_start3A_2307 = tpu.memref_slice %arg6[%mul3A_4] : memref<1000xf32, #tpu.memory_space<hbm>> -> memref<40xf32, #tpu.memory_space<hbm>>
        %dma_start3A_2308 = arith.constant 0 : i32
        %dma_start3A_2309 = tpu.memref_slice %arg11[%dma_start3A_2308] : memref<48xf32, #tpu.memory_space<vmem>> -> memref<40xf32, #tpu.memory_space<vmem>>
        tpu.enqueue_dma source(%dma_start3A_2309 : memref<40xf32, #tpu.memory_space<vmem>>) target(%dma_start3A_2307 : memref<40xf32, #tpu.memory_space<hbm>>) target_semaphore(%run_scoped3A : memref<!tpu.dma_semaphore, #tpu.memory_space<semaphore_mem>>)
        %dma_wait3A_2310 = arith.constant 0 : i32
        %dma_wait3A_2311 = tpu.memref_slice %arg11[%dma_wait3A_2310] : memref<48xf32, #tpu.memory_space<vmem>> -> memref<40xf32, #tpu.memory_space<vmem>>
        %dma_wait3A_2312 = tpu.memref_slice %arg6[%mul3A_4] : memref<1000xf32, #tpu.memory_space<hbm>> -> memref<40xf32, #tpu.memory_space<hbm>>
        %dma_wait3A_2313 = tpu.memref_slice %arg6[%mul3A_4] : memref<1000xf32, #tpu.memory_space<hbm>> -> memref<40xf32, #tpu.memory_space<hbm>>
        %dma_wait3A_2314 = arith.constant 0 : i32
        %dma_wait3A_2315 = tpu.memref_slice %arg11[%dma_wait3A_2314] : memref<48xf32, #tpu.memory_space<vmem>> -> memref<40xf32, #tpu.memory_space<vmem>>
        tpu.wait_dma2 semaphore(%run_scoped3A : memref<!tpu.dma_semaphore, #tpu.memory_space<semaphore_mem>>) src(%dma_wait3A_2315 : memref<40xf32, #tpu.memory_space<vmem>>) dst(%dma_wait3A_2313 : memref<40xf32, #tpu.memory_space<hbm>>)
        tpu.yield
      }) : () -> ()
    } else {
    }
    return
  }
}

</mosaic_0001>

<sc_bundles>
// kernel: kernel.3.cloned.1.call-start
scs
__scs_entry_jumppad:
0x0: {  	(pc) =	sbr.rel $0x88, $3  }
0x1: {  	(tag) =	ssettag $0x0;
	lr =	simm.s32 $0x1  }
0x2: {  	[smem:$0x3F9D] =	sst lr;
	_ =	strace $0xD0000000  }
0x3: {  	_ = 	snop  }
0x4: {  	_ = 	snop  }
0x5: {  	_ = 	snop  }
0x6: {  	_ = 	snop  }
0x7: {  	_ = 	snop  }
__scs_overlays_trampoline_lowered:
0x8: {  	[smem:$0x3FAC] =	sst s0  }
0x9: {  	[smem:$0x3FAD] =	sst s1  }
0xa: {  	[smem:$0x3FAE] =	sst s2  }
0xb: {  	[smem:$0x3FAF] =	sst s3  }
0xc: {  	[smem:$0x3FB0] =	sst s4  }
0xd: {  	[smem:$0x3FB1] =	sst s5  }
0xe: {  	[smem:$0x3FB2] =	sst s6  }
0xf: {  	[smem:$0x3FB3] =	sst s7  }
0x10: {  	[smem:$0x3FB4] =	sst s8  }
0x11: {  	[smem:$0x3FB5] =	sst s9;
	s0 =	simm.s32 @!p0 $0x0  }
0x12: {  	s1 =	sld [smem:$0x3F9B];
	s0 =	simm.s32 @p0 $0x1  }
0x13: {  	[smem:$0x3FB6] =	sst s0;
	s0 =	simm.s32 @!p1 $0x0  }
0x14: {  	s2 =	sld [smem:$0x3F9A];
	s0 =	simm.s32 @p1 $0x1  }
0x15: {  	[smem:$0x3FB7] =	sst s0;
	s0 =	simm.s32 @!p2 $0x0  }
0x16: {  	s3 =	sld [smem:$0x3FDB];
	s0 =	simm.s32 @p2 $0x1  }
0x17: {  	s4 =	simm.s32 $0x1BF5;
	[smem:$0x3FB9] =	sst s0  }
0x18: {  	s0 =	sld [smem:$0x3F9C];
	_ =	swait.ge [sflag:s4], $0x0  }
0x19: {  	s7 =	sld [smem:$0x3F9D]  }
0x1a: {  	s8 =	sadd.s32 $0xFFFFE003, lr  }
0x1b: {  	s9 =	sadd.s32 $0xFFFFFEF7, lr;
	s5 =	simm.s32 $0xFFFFFFFF;
	p2 =	slt.u32 s8, $0xFFFFF086  }
0x1c: {  	p1 =	slt.u32 s9, $0xF7A;
	s5 =	simm.s32 @!p2 $0x0  }
0x1d: {  	s5 =	simm.s32 @p1 $0x1;
	p0 =	seq.s32 s7, s2  }
0x1e: {  	s7 =	smul.u32 @!p0 $0xF7A, s2;
	p2 =	seq.s32 @!p0 s5, $0x0  }
0x1f: {  	s9 =	smul.u32 $0xF7A, s1;
	s8 =	simm.s32 @!p0 $0x1BF5;
	p2 =	por !p2, p0  }
0x20: {  	[sflag:s8] =	ssyncset.s32 @!p0 $0xFFFFF086;
	s6 =	sadd.s32 @!p0 s3, s7;
	s7 =	simm.s32 @!p0 $0x108  }
0x21: {  	s3 =	sadd.s32 s3, s9;
	s6 =	sadd.s32 @!p0 $0x88, s6;
	s7 =	simm.s32 @p2 $0x1082  }
0x22: {  	[simem:s7], [sflag:s8] =	dma.local @!p0 [hbm:s6], $0xF7A  }
0x23: {  	s9 =	sor.u32 $0xD0000000, s2;
	s6 =	simm.s32 $0x108;
	_ =	swait.ge @!p0 [sflag:s8], $0x0  }
0x24: {  	s3 =	sadd.s32 $0x88, s3;
	s6 =	simm.s32 @!p1 $0x1082;
	[sflag:s4] =	ssyncset.s32 $0xFFFFF086  }
0x25: {  	[simem:s6], [sflag:s4] =	dma.local [hbm:s3], $0xF7A  }
0x26: {  	[smem:$0x3F9D] =	sst s1;
	(tag) =	ssettag s2;
	_ =	strace s9  }
0x27: {  	s1 =	sld [smem:$0x3FAD]  }
0x28: {  	s2 =	sld [smem:$0x3FAE]  }
0x29: {  	s4 =	sld [smem:$0x3FB0]  }
0x2a: {  	p0 =	seq.s32 s5, $0x0;
	s5 =	sld [smem:$0x3FB1]  }
0x2b: {  	s6 =	sld [smem:$0x3FB2]  }
0x2c: {  	s7 =	sld [smem:$0x3FB3]  }
0x2d: {  	s3 =	simm.s32 $0x108;
	s8 =	sld [smem:$0x3FB4]  }
0x2e: {  	s3 =	simm.s32 @!p0 $0x1082;
	s9 =	sld [smem:$0x3FB5]  }
0x2f: {  	lr =	sadd.s32 s0, s3;
	s0 =	sld [smem:$0x3FAC]  }
0x30: {  	s3 =	sld [smem:$0x3FAF]  }
0x31: {  	[smem:$0x3FB8] =	sst s10  }
0x32: {  	s10 =	sld [smem:$0x3FB6];
	_ =	sdelay $0x3  }
0x33: {  	p0 =	seq.s32 s10, $0x1;
	s10 =	sld [smem:$0x3FB8];
	_ =	sdelay $0x3  }
0x34: {  	[smem:$0x3FB8] =	sst s10  }
0x35: {  	s10 =	sld [smem:$0x3FB7];
	_ =	sdelay $0x3  }
0x36: {  	p1 =	seq.s32 s10, $0x1;
	s10 =	sld [smem:$0x3FB8];
	_ =	sdelay $0x3  }
0x37: {  	[smem:$0x3FB8] =	sst s10  }
0x38: {  	s10 =	sld [smem:$0x3FB9]  }
0x39: {  	_ = 	snop;
	(pc) =	sbr.ind lr, $3  }
0x3a: {  	_ = 	snop  }
0x3b: {  	_ = 	snop  }
0x3c: {  	p2 =	seq.s32 s10, $0x1;
	s10 =	sld [smem:$0x3FB8]  }
0x3d: {  	_ =	shalt  }
0x3e: {  	_ =	shalt  }
0x3f: {  	_ =	shalt  }
0x40: {  	_ =	shalt  }
0x41: {  	_ =	shalt  }
0x42: {  	_ =	shalt  }
0x43: {  	_ =	shalt  }
0x44: {  	_ =	shalt  }
0x45: {  	_ =	shalt  }
0x46: {  	_ =	shalt  }
0x47: {  	_ =	shalt  }
0x48: {  	_ =	shalt  }
0x49: {  	_ =	shalt  }
0x4a: {  	_ =	shalt  }
0x4b: {  	_ =	shalt  }
0x4c: {  	_ =	shalt  }
0x4d: {  	_ =	shalt  }
0x4e: {  	_ =	shalt  }
0x4f: {  	_ =	shalt  }
0x50: {  	_ =	shalt  }
0x51: {  	_ =	shalt  }
0x52: {  	_ =	shalt  }
0x53: {  	_ =	shalt  }
0x54: {  	_ =	shalt  }
0x55: {  	_ =	shalt  }
0x56: {  	_ =	shalt  }
0x57: {  	_ =	shalt  }
0x58: {  	_ =	shalt  }
0x59: {  	_ =	shalt  }
0x5a: {  	_ =	shalt  }
0x5b: {  	_ =	shalt  }
0x5c: {  	_ =	shalt  }
0x5d: {  	_ =	shalt  }
0x5e: {  	_ =	shalt  }
0x5f: {  	_ =	shalt  }
0x60: {  	_ =	shalt  }
0x61: {  	_ =	shalt  }
0x62: {  	_ =	shalt  }
0x63: {  	_ =	shalt  }
0x64: {  	_ =	shalt  }
0x65: {  	_ =	shalt  }
0x66: {  	_ =	shalt  }
0x67: {  	_ =	shalt  }
0x68: {  	_ =	shalt  }
0x69: {  	_ =	shalt  }
0x6a: {  	_ =	shalt  }
0x6b: {  	_ =	shalt  }
0x6c: {  	_ =	shalt  }
0x6d: {  	_ =	shalt  }
0x6e: {  	_ =	shalt  }
0x6f: {  	_ =	shalt  }
0x70: {  	_ =	shalt  }
0x71: {  	_ =	shalt  }
0x72: {  	_ =	shalt  }
0x73: {  	_ =	shalt  }
0x74: {  	_ =	shalt  }
0x75: {  	_ =	shalt  }
0x76: {  	_ =	shalt  }
0x77: {  	_ =	shalt  }
0x78: {  	_ =	shalt  }
0x79: {  	_ =	shalt  }
0x7a: {  	_ =	shalt  }
0x7b: {  	_ =	shalt  }
0x7c: {  	_ =	shalt  }
0x7d: {  	_ =	shalt  }
0x7e: {  	_ =	shalt  }
0x7f: {  	_ =	shalt  }
0x80: {  	_ =	shalt  }
0x81: {  	_ =	shalt  }
0x82: {  	_ =	shalt  }
0x83: {  	_ =	shalt  }
0x84: {  	_ =	shalt  }
0x85: {  	_ =	shalt  }
0x86: {  	_ =	shalt  }
0x87: {  	_ =	shalt  }
.Lfunc_end0:
.L_simem_size_0:
called_computation_lowered:
.L_overlay_start_0:
0x88: {  	s2 =	sld [smem:$0x3FD9]  }
0x89: {  	s3 =	sld [smem:$0x3FFE];
	_ =	sdelay $0x1  }
0x8a: {  	s1 =	srdreg.scid  }
0x8b: {  	s0 =	sand.u32 $0x1, s1  }
0x8c: {  	s18 =	sshll.u32 s0, $0xA;
	s2 =	sadd.s32 s3, s2  }
0x8d: {  	s2 =	sadd.s32 s2, s18  }
0x8e: {  	[smem:$0x3FC4] =	sst s2  }
0x8f: {  	_ = 	snop  }
0x90: {  	s2 =	sld [smem:$0x3FC9]  }
0x91: {  	s19 =	sld [smem:$0x3FC8]  }
0x92: {  	s4 =	sld [smem:$0x3FC7]  }
0x93: {  	s5 =	sld [smem:$0x3FC6]  }
0x94: {  	s6 =	sld [smem:$0x3FD0];
	(tm) =	ssettm $0x1  }
0x95: {  	s7 =	sld [smem:$0x3FFB];
	_ =	sdelay $0x3  }
0x96: {  	_ =	strace s7  }
0x97: {  	s7 =	sld [smem:$0x3FFC];
	_ =	sdelay $0x3  }
0x98: {  	_ =	strace s7  }
0x99: {  	s7 =	sld [smem:$0x3FFD];
	_ =	sdelay $0x3  }
0x9a: {  	_ =	strace s7  }
0x9b: {  	_ =	strace $0x8FFFFFFF  }
0x9c: {  	s20 =	sld [smem:$0x3FDB];
	_ =	sdelay $0x1  }
0x9d: {  	s8 =	simm.s32 $_scs_section_size  }
0x9e: {  	s9 =	simm.s32 $_size__tile_overlayer_lowered;
	s10 =	simm.s32 $_tile_overlayer_lowered  }
0x9f: {  	s23 =	simm.s32 $0x1BFF;
	s22 =	sshll.u32 s10, $0x1;
	s7 =	sadd.s32 s8, s20  }
0xa0: {  	s11 =	simm.s32 $0x0;
	s21 =	sshll.u32 s9, $0x1;
	s9 =	sadd.s32 s22, s7  }
0xa1: {  	[timem:s11], [sflag:s23] =	dma.local [hbm:s9], s21  }
0xa2: {  	_ =	swait.ge [sflag:s23], s21  }
0xa3: {  	s8 =	ssub.s32 $0x0, s21;
	[sflag:s23] =	ssyncset.done $0x0  }
0xa4: {  	[sflag:s23] =	ssyncadd.s32 s8;
	_ =	sdelay $0x1  }
0xa5: {  	s24 =	simm.s32 $0x1B8B  }
0xa6: {  	_ =	swait.ge [sflag:s24], $0x1  }
0xa7: {  	[sflag:s24] =	ssyncset.done $0x0  }
0xa8: {  	s25 =	simm.s32 $0x1B8E;
	[sflag:s24] =	ssyncadd.s32 $0xFFFFFFFF  }
0xa9: {  	s26 =	simm.s32 $execute0_lowered;
	[smem:$0x3FD2] =	sst s25  }
0xaa: {  	s8 =	sshll.u32 s26, $0x1;
	_ =	strace $0x80000046;
	[dreg:$0x1] =	wrdreg $0xFFFFFFFF  }
0xab: {  	s28 =	simm.s32 $_size_execute0_lowered;
	s7 =	sadd.s32 s7, s8;
	[dreg:$0x0] =	wrdreg $0x0  }
0xac: {  	s8 =	sshll.u32 s28, $0x1;
	[dreg:$0x2] =	wrdreg s7  }
0xad: {  	[dreg:$0x3] =	wrdreg s8  }
0xae: {  	[dreg:$0x4] =	wrdreg $0xC0  }
0xaf: {  	_ =	task [dreg:s11], $0x5FFFF  }
0xb0: {  	[dreg:$0x1] =	wrdreg $0xFFFFFFFF  }
0xb1: {  	[dreg:$0x0] =	wrdreg $0x60  }
0xb2: {  	[dreg:$0x2] =	wrdreg s2  }
0xb3: {  	[dreg:$0x3] =	wrdreg s19  }
0xb4: {  	[dreg:$0x4] =	wrdreg s4  }
0xb5: {  	[dreg:$0x5] =	wrdreg s5  }
0xb6: {  	[dreg:$0x6] =	wrdreg s6  }
0xb7: {  	[dreg:$0x7] =	wrdreg $0x9  }
0xb8: {  	_ =	task.clear_ibuf [dreg:s11], $0x8FFFF;
	_ =	strace $0x90000046  }
0xb9: {  	s29 =	simm.s32 $0x9;
	_ =	strace $0x80000048  }
0xba: {  	_ =	swait.ge [sflag:s29], $0x1  }
0xbb: {  	[sflag:s29] =	ssyncadd.s32 $0xFFFFFFFF  }
0xbc: {  	_ =	strace $0x90000048  }
0xbd: {  	_ =	sfence  }
0xbe: {  	s30 =	sld [smem:$0x0];
	_ =	sdelay $0x2  }
0xbf: {  	s31 =	sshll.u32 s1, $0xD;
	s1 =	sshrl.u32 s1, $0x2  }
0xc0: {  	s3 =	sand.u32 $0x4000, s31;
	s1 =	sadd.s32 s1, s30  }
0xc1: {  	s0 =	sor.u32 s3, s0;
	s1 =	sshll.u32 s1, $0x11  }
0xc2: {  	s0 =	sor.u32 s1, s0  }
0xc3: {  	s0 =	sadd.s32 $0x8F2B, s0  }
0xc4: {  	[sflag:s0] =	ssyncadd.remote.s32 $0x1  }
0xc5: {  	_ =	sfence.sel $0xFFFF  }
0xc6: {  	[dreg:$0x0] =	wrdreg $0xFFFFFFFF;
	(pc) =	sbr.abs _section_cstart, $3  }
0xc7: {  	[dreg:$0x1] =	wrdreg $0xFFFFFFFF  }
0xc8: {  	_ =	task.clear_ibuf [dreg:s11], $0x2FFFF;
	_ =	strace $0x9FFFFFFF  }
0xc9: {  	(tm) =	ssettm $0x7FFFFFFF  }
tec
execute0_lowered:
.L_overlay_start_1:
0x0: {  	(tag) =	ssettag $0x1  }
0x1: {  	s3 =	srdreg.scid;
	s1 =	stileid.u32  }
0x2: {  	s8 =	sand.u32 $0x1, s3;
	s9 =	sshll.u32 s1, $0x1  }
0x3: {  	s0 =	rddreg [dreg:$0x0];
	s9 =	sor.u32 s8, s9  }
0x4: {  	s2 =	rddreg [dreg:$0x1];
	p0 =	sgt.u32 s9, $0x18  }
.Ltmp0:
0x5: {  	s5 =	rddreg [dreg:$0x2];
	(pc) =	sbr.rel @p0 .LBB2_3-.Ltmp0, $4  }
0x6: {  	s6 =	rddreg [dreg:$0x3]  }
0x7: {  	s7 =	rddreg [dreg:$0x4];
	s4 =	simm.s32 $0x0  }
0x8: {  	[smem:$0x7FF] =	sst s4  }
0x9: {  	s3 =	rddreg [dreg:$0x5];
	_ =	strace $0x80000047  }
0xa: {  	s10 =	smul.u32 $0x280, s9  }
0xb: {  	vm0 =	vmmov $0x1;
	vm1 =	vmmov $0x3;
	vm2 =	vmmov $0x7;
	s8 =	ssub.s32 $0x2, s8;
	s31 =	smul.u32 $0x5, s9  }
0xc: {  	vm3 =	vmmov $0xf;
	vm4 =	vmmov $0x1f;
	vm5 =	vmmov $0x3f;
	s9 =	simm.s32 $0x2;
	s12 =	simm.s32 $0x100;
	s13 =	simm.s32 $0x1500  }
0xd: {  	vm6 =	vmmov $0x7f;
	vm7 =	vmmov $0xff;
	vm8 =	vmmov $0x1ff;
	s14 =	simm.s32 $0x1580;
	s11 =	sshrl.u32 s8, $0x1;
	s5 =	sadd.s32 s5, s10  }
0xe: {  	vm9 =	vmmov $0x3ff;
	vm10 =	vmmov $0x7ff;
	vm11 =	vmmov $0xfff;
	s8 =	ssub.s32 s8, s11;
	s6 =	sadd.s32 s6, s31;
	s7 =	sadd.s32 s7, s31  }
0xf: {  	vm12 =	vmmov $0x1fff;
	vm13 =	vmmov $0x3fff;
	vm14 =	vmmov $0x7fff;
	s10 =	simm.s32 $0x1;
	s11 =	simm.s32 $0x80;
	s8 =	smax.u32 s8, $0x1  }
.LBB2_2:
0x10: {  	[tilespmem:s4], [sflag:$0x2] =	stream.linear.gather [hbm4b:s0+s4], $0x80, $0x38;
	[tilespmem:$0x1600] =	vst v63  }
0x11: {  	_ =	swait.ge [sflag:s9], $0x80  }
0x12: {  	[sflag:s9] =	ssyncset.done $0x0  }
0x13: {  	[sflag:s9] =	ssyncadd.s32 $0xFFFFFF80  }
0x14: {  	[tilespmem:s11], [sflag:$0x1] =	stream.indirect.gather [hbm4b:s2+s10], $0x80, s4, s10, $0xb8;
	[tilespmem:$0x1600] =	vst v63  }
0x15: {  	_ = 	snop  }
0x16: {  	[tilespmem:s12], [sflag:$0x2] =	stream.linear.gather [hbm4b:s5+s4], $0x1400, $0x38;
	[tilespmem:$0x1600] =	vst v63  }
0x17: {  	_ =	swait.ge [sflag:s9], $0x1400  }
0x18: {  	[sflag:s9] =	ssyncset.done $0x0  }
0x19: {  	[sflag:s9] =	ssyncadd.s32 $0xFFFFEC00  }
0x1a: {  	[tilespmem:s13], [sflag:$0x2] =	stream.linear.gather [hbm4b:s6+s4], $0x28, $0x38;
	[tilespmem:$0x1600] =	vst v63  }
0x1b: {  	_ =	swait.ge [sflag:s9], $0x28  }
0x1c: {  	[sflag:s9] =	ssyncset.done $0x0  }
0x1d: {  	[sflag:s9] =	ssyncadd.s32 $0xFFFFFFD8  }
0x1e: {  	_ =	swait.ge [sflag:s10], $0x80  }
0x1f: {  	[sflag:s10] =	ssyncset.done $0x0  }
0x20: {  	[sflag:s10] =	ssyncadd.s32 $0xFFFFFF80  }
0x21: {  	v62 =	vld [tilespmem:$0x440];
	_ =	sdelay $0x4  }
0x22: {  	[tilespmem:$0x1F890] =	vst v62;
	v62 =	vld [tilespmem:$0x4D0];
	_ =	sdelay $0x4  }
0x23: {  	[tilespmem:$0x1F8C0] =	vst v62;
	v62 =	vld [tilespmem:$0x4E0];
	_ =	sdelay $0x4  }
0x24: {  	[tilespmem:$0x1F8D0] =	vst v62;
	v62 =	vld [tilespmem:$0x4F0];
	_ =	sdelay $0x4  }
0x25: {  	[tilespmem:$0x1F960] =	vst v62;
	v62 =	vld [tilespmem:$0x500];
	_ =	sdelay $0x4  }
0x26: {  	[tilespmem:$0x1F8E0] =	vst v62;
	v62 =	vld [tilespmem:$0x510];
	_ =	sdelay $0x4  }
0x27: {  	[tilespmem:$0x1F8F0] =	vst v62;
	v62 =	vld [tilespmem:$0x520];
	_ =	sdelay $0x4  }
0x28: {  	[tilespmem:$0x1F920] =	vst v62;
	v62 =	vld [tilespmem:$0x530];
	_ =	sdelay $0x4  }
0x29: {  	[tilespmem:$0x1F950] =	vst v62;
	v62 =	vld [tilespmem:$0x540];
	_ =	sdelay $0x4  }
0x2a: {  	[tilespmem:$0x1F980] =	vst v62;
	v62 =	vld [tilespmem:$0x550];
	_ =	sdelay $0x4  }
0x2b: {  	[tilespmem:$0x1F9A0] =	vst v62;
	v62 =	vld [tilespmem:$0x560];
	_ =	sdelay $0x4  }
0x2c: {  	[tilespmem:$0x1F9B0] =	vst v62;
	v62 =	vld [tilespmem:$0x570];
	_ =	sdelay $0x4  }
0x2d: {  	[tilespmem:$0x1FA40] =	vst v62;
	v62 =	vld [tilespmem:$0x580];
	_ =	sdelay $0x4  }
0x2e: {  	[tilespmem:$0x1F900] =	vst v62;
	v62 =	vld [tilespmem:$0x590];
	_ =	sdelay $0x4  }
0x2f: {  	[tilespmem:$0x1F910] =	vst v62;
	v62 =	vld [tilespmem:$0x5A0];
	_ =	sdelay $0x4  }
0x30: {  	[tilespmem:$0x1F930] =	vst v62;
	v62 =	vld [tilespmem:$0x5B0];
	_ =	sdelay $0x4  }
0x31: {  	[tilespmem:$0x1F970] =	vst v62;
	v62 =	vld [tilespmem:$0x5C0];
	_ =	sdelay $0x4  }
0x32: {  	[tilespmem:$0x1F990] =	vst v62;
	v62 =	vld [tilespmem:$0x5D0];
	_ =	sdelay $0x4  }
0x33: {  	[tilespmem:$0x1F9C0] =	vst v62;
	v62 =	vld [tilespmem:$0x5E0];
	_ =	sdelay $0x4  }
0x34: {  	[tilespmem:$0x1F9D0] =	vst v62;
	v62 =	vld [tilespmem:$0x5F0];
	_ =	sdelay $0x4  }
0x35: {  	[tilespmem:$0x1FA60] =	vst v62;
	v62 =	vld [tilespmem:$0x600];
	_ =	sdelay $0x4  }
0x36: {  	[tilespmem:$0x1F9E0] =	vst v62;
	v62 =	vld [tilespmem:$0x610];
	_ =	sdelay $0x4  }
0x37: {  	[tilespmem:$0x1F9F0] =	vst v62;
	v62 =	vld [tilespmem:$0x620];
	_ =	sdelay $0x4  }
0x38: {  	[tilespmem:$0x1FA20] =	vst v62;
	v62 =	vld [tilespmem:$0x630];
	_ =	sdelay $0x4  }
0x39: {  	[tilespmem:$0x1FA50] =	vst v62;
	v62 =	vld [tilespmem:$0x640];
	_ =	sdelay $0x4  }
0x3a: {  	[tilespmem:$0x1FA80] =	vst v62;
	v62 =	vld [tilespmem:$0x650];
	_ =	sdelay $0x4  }
0x3b: {  	[tilespmem:$0x1FAA0] =	vst v62;
	v62 =	vld [tilespmem:$0x660];
	_ =	sdelay $0x1  }
0x3c: {  	v6 =	vld [tilespmem:$0x80]  }
0x3d: {  	v7 =	vld [tilespmem:$0x90]  }
0x3e: {  	v22 =	vld [tilespmem:$0xA0]  }
0x3f: {  	[tilespmem:$0x1FAB0] =	vst v62;
	v62 =	vld [tilespmem:$0x670]  }
0x40: {  	v23 =	vld [tilespmem:$0xB0]  }
0x41: {  	v27 =	vld [tilespmem:$0xC0]  }
0x42: {  	v32 =	vld [tilespmem:$0xD0]  }
0x43: {  	v36 =	vld [tilespmem:$0xE0]  }
0x44: {  	[tilespmem:$0x1FB40] =	vst v62;
	v62 =	vld [tilespmem:$0x680]  }
0x45: {  	v38 =	vld [tilespmem:$0xF0]  }
0x46: {  	v10 =	vld [tilespmem:$0x100]  }
0x47: {  	v11 =	vld [tilespmem:$0x110]  }
0x48: {  	v13 =	vld [tilespmem:$0x120]  }
0x49: {  	[tilespmem:$0x1FA00] =	vst v62;
	v62 =	vld [tilespmem:$0x690]  }
0x4a: {  	v15 =	vld [tilespmem:$0x130]  }
0x4b: {  	v19 =	vld [tilespmem:$0x140]  }
0x4c: {  	v26 =	vld [tilespmem:$0x150]  }
0x4d: {  	v24 =	vld [tilespmem:$0x160]  }
0x4e: {  	[tilespmem:$0x1FA10] =	vst v62;
	v62 =	vld [tilespmem:$0x6A0]  }
0x4f: {  	v39 =	vld [tilespmem:$0x170]  }
0x50: {  	v8 =	vld [tilespmem:$0x180]  }
0x51: {  	v9 =	vld [tilespmem:$0x190]  }
0x52: {  	v12 =	vld [tilespmem:$0x1A0]  }
0x53: {  	[tilespmem:$0x1FA30] =	vst v62;
	v62 =	vld [tilespmem:$0x6B0]  }
0x54: {  	v14 =	vld [tilespmem:$0x1B0]  }
0x55: {  	v16 =	vld [tilespmem:$0x1C0]  }
0x56: {  	v20 =	vld [tilespmem:$0x1D0]  }
0x57: {  	v21 =	vld [tilespmem:$0x1E0]  }
0x58: {  	[tilespmem:$0x1FA70] =	vst v62;
	v62 =	vld [tilespmem:$0x6C0]  }
0x59: {  	v34 =	vld [tilespmem:$0x1F0]  }
0x5a: {  	v0 =	vld [tilespmem:$0x200]  }
0x5b: {  	v1 =	vld [tilespmem:$0x210]  }
0x5c: {  	v2 =	vld [tilespmem:$0x220]  }
0x5d: {  	[tilespmem:$0x1FA90] =	vst v62;
	v62 =	vld [tilespmem:$0x6D0]  }
0x5e: {  	v29 =	vld [tilespmem:$0x230]  }
0x5f: {  	v33 =	vld [tilespmem:$0x240]  }
0x60: {  	v63 =	vld [tilespmem:$0x250]  }
0x61: {  	v40 =	vld [tilespmem:$0x260]  }
0x62: {  	[tilespmem:$0x1FAC0] =	vst v62;
	v62 =	vld [tilespmem:$0x6E0]  }
0x63: {  	v53 =	vld [tilespmem:$0x270]  }
0x64: {  	v17 =	vld [tilespmem:$0x280]  }
0x65: {  	v18 =	vld [tilespmem:$0x290]  }
0x66: {  	v25 =	vld [tilespmem:$0x2A0]  }
0x67: {  	[tilespmem:$0x1FAD0] =	vst v62;
	v62 =	vld [tilespmem:$0x6F0]  }
0x68: {  	v28 =	vld [tilespmem:$0x2B0]  }
0x69: {  	v30 =	vld [tilespmem:$0x2C0]  }
0x6a: {  	v4 =	vld [tilespmem:$0x2D0]  }
0x6b: {  	v35 =	vld [tilespmem:$0x2E0]  }
0x6c: {  	[tilespmem:$0x1FB60] =	vst v62;
	v62 =	vld [tilespmem:$0x700]  }
0x6d: {  	v48 =	vld [tilespmem:$0x2F0]  }
0x6e: {  	v5 =	vld [tilespmem:$0x300]  }
0x6f: {  	v37 =	vld [tilespmem:$0x310]  }
0x70: {  	v42 =	vld [tilespmem:$0x320]  }
0x71: {  	[tilespmem:$0x1FAE0] =	vst v62;
	v62 =	vld [tilespmem:$0x710]  }
0x72: {  	v44 =	vld [tilespmem:$0x330]  }
0x73: {  	v49 =	vld [tilespmem:$0x340]  }
0x74: {  	v55 =	vld [tilespmem:$0x350]  }
0x75: {  	v57 =	vld [tilespmem:$0x360]  }
0x76: {  	[tilespmem:$0x1FAF0] =	vst v62;
	v62 =	vld [tilespmem:$0x720]  }
0x77: {  	v3 =	vld [tilespmem:$0x370]  }
0x78: {  	v31 =	vld [tilespmem:$0x390]  }
0x79: {  	v41 =	vld [tilespmem:$0x3A0]  }
0x7a: {  	v43 =	vld [tilespmem:$0x3B0]  }
0x7b: {  	[tilespmem:$0x1FB20] =	vst v62;
	v62 =	vld [tilespmem:$0x730]  }
0x7c: {  	v45 =	vld [tilespmem:$0x3C0]  }
0x7d: {  	v50 =	vld [tilespmem:$0x3D0]  }
0x7e: {  	v51 =	vld [tilespmem:$0x3E0]  }
0x7f: {  	v46 =	vld [tilespmem:$0x3F0]  }
0x80: {  	[tilespmem:$0x1FB50] =	vst v62;
	v62 =	vld [tilespmem:$0x740]  }
0x81: {  	v56 =	vld [tilespmem:$0x400]  }
0x82: {  	v52 =	vld [tilespmem:$0x410]  }
0x83: {  	v58 =	vld [tilespmem:$0x420]  }
0x84: {  	v60 =	vld [tilespmem:$0x430]  }
0x85: {  	[tilespmem:$0x1FB80] =	vst v62;
	v62 =	vld [tilespmem:$0x750]  }
0x86: {  	v54 =	vld [tilespmem:$0x450]  }
0x87: {  	v59 =	vld [tilespmem:$0x460]  }
0x88: {  	v61 =	vld [tilespmem:$0x470]  }
0x89: {  	v47 =	vld [tilespmem:$0x490];
	[tilespmem:$0x1F870] =	vst v3  }
0x8a: {  	[tilespmem:$0x1FBA0] =	vst v62;
	v62 =	vld [tilespmem:$0x760]  }
0x8b: {  	v3 =	vld [tilespmem:$0x380];
	[tilespmem:$0x1F880] =	vst v46  }
0x8c: {  	[tilespmem:$0x1F8A0] =	vst v54;
	v46 =	vld [tilespmem:$0x480]  }
0x8d: {  	[tilespmem:$0x1F8B0] =	vst v59;
	v54 =	vld [tilespmem:$0x4A0]  }
0x8e: {  	[tilespmem:$0x1F940] =	vst v61;
	v59 =	vld [tilespmem:$0x4B0]  }
0x8f: {  	v61 =	vld [tilespmem:$0x4C0];
	[tilespmem:$0x1FBB0] =	vst v62  }
0x90: {  	v62 =	vld [tilespmem:$0x770];
	_ =	sdelay $0x4  }
0x91: {  	[tilespmem:$0x1FC40] =	vst v62;
	v62 =	vld [tilespmem:$0x780];
	_ =	sdelay $0x4  }
0x92: {  	[tilespmem:$0x1FB00] =	vst v62;
	v62 =	vld [tilespmem:$0x790];
	_ =	sdelay $0x4  }
0x93: {  	[tilespmem:$0x1FB10] =	vst v62;
	v62 =	vld [tilespmem:$0x7A0];
	_ =	sdelay $0x4  }
0x94: {  	[tilespmem:$0x1FB30] =	vst v62;
	v62 =	vld [tilespmem:$0x7B0];
	_ =	sdelay $0x4  }
0x95: {  	[tilespmem:$0x1FB70] =	vst v62;
	v62 =	vld [tilespmem:$0x7C0];
	_ =	sdelay $0x4  }
0x96: {  	[tilespmem:$0x1FB90] =	vst v62;
	v62 =	vld [tilespmem:$0x7D0];
	_ =	sdelay $0x4  }
0x97: {  	[tilespmem:$0x1FBC0] =	vst v62;
	v62 =	vld [tilespmem:$0x7E0];
	_ =	sdelay $0x4  }
0x98: {  	[tilespmem:$0x1FBD0] =	vst v62;
	v62 =	vld [tilespmem:$0x7F0];
	_ =	sdelay $0x4  }
0x99: {  	[tilespmem:$0x1FC60] =	vst v62;
	v62 =	vld [tilespmem:$0x800];
	_ =	sdelay $0x4  }
0x9a: {  	[tilespmem:$0x1FBE0] =	vst v62;
	v62 =	vld [tilespmem:$0x810];
	_ =	sdelay $0x4  }
0x9b: {  	[tilespmem:$0x1FBF0] =	vst v62;
	v62 =	vld [tilespmem:$0x820];
	_ =	sdelay $0x1  }
0x9c: {  	v10 =	vmul.f32 v10, v6;
	v11 =	vmul.f32 v11, v7;
	_ =	sdelay $0x1  }
0x9d: {  	v10 =	vadd.f32 v11, v10;
	v11 =	vmul.f32 v13, v22  }
0x9e: {  	[tilespmem:$0x1FC20] =	vst v62;
	v62 =	vld [tilespmem:$0x830]  }
0x9f: {  	v10 =	vadd.f32 v11, v10;
	v11 =	vmul.f32 v15, v23  }
0xa0: {  	v8 =	vmul.f32 v8, v6  }
0xa1: {  	v9 =	vmul.f32 v9, v7;
	v10 =	vadd.f32 v11, v10;
	v11 =	vmul.f32 v19, v27;
	v19 =	vld [tilespmem:$0x860];
	_ =	sdelay $0x1  }
0xa2: {  	v8 =	vadd.f32 v9, v8;
	v9 =	vmul.f32 v12, v22;
	[tilespmem:$0x1FC50] =	vst v62;
	v62 =	vld [tilespmem:$0x840]  }
0xa3: {  	v12 =	vmul.f32 v24, v36  }
0xa4: {  	v13 =	vmul.f32 v21, v36;
	v8 =	vadd.f32 v9, v8;
	v9 =	vmul.f32 v14, v23  }
0xa5: {  	v21 =	vmul.f32 v0, v6;
	[tilespmem:$0x1FD00] =	vst v19;
	v19 =	vmul.f32 v20, v32;
	v20 =	vld [tilespmem:$0x880]  }
0xa6: {  	v24 =	vmul.f32 v1, v7;
	v8 =	vadd.f32 v9, v8;
	v9 =	vmul.f32 v16, v27;
	v16 =	vld [tilespmem:$0x870]  }
0xa7: {  	[tilespmem:$0x1FC80] =	vst v62;
	v62 =	vld [tilespmem:$0x850]  }
0xa8: {  	v10 =	vadd.f32 v11, v10;
	v11 =	vadd.f32 v24, v21;
	v24 =	vld [tilespmem:$0x8B0]  }
0xa9: {  	v14 =	vld [tilespmem:$0x980]  }
0xaa: {  	[tilespmem:$0x1FC00] =	vst v20;
	v20 =	vld [tilespmem:$0x8A0]  }
0xab: {  	v8 =	vadd.f32 v9, v8;
	v0 =	vld [tilespmem:$0x9B0]  }
0xac: {  	v21 =	vmul.f32 v2, v22;
	v2 =	vld [tilespmem:$0xA40];
	[tilespmem:$0x1FCA0] =	vst v62;
	v62 =	vmul.f32 v26, v32  }
0xad: {  	v8 =	vadd.f32 v19, v8;
	v19 =	vmul.f32 v18, v7;
	v26 =	vld [tilespmem:$0x890]  }
0xae: {  	v18 =	vmul.f32 v34, v38;
	v34 =	vld [tilespmem:$0x900];
	v10 =	vadd.f32 v62, v10;
	v62 =	vmul.f32 v17, v6  }
0xaf: {  	v8 =	vadd.f32 v13, v8;
	[tilespmem:$0x1FC30] =	vst v20;
	v20 =	vld [tilespmem:$0x8E0]  }
0xb0: {  	v39 =	vmul.f32 v39, v38;
	v17 =	vld [tilespmem:$0x8D0];
	v10 =	vadd.f32 v12, v10;
	v9 =	vadd.f32 v19, v62  }
0xb1: {  	v19 =	vmul.f32 v28, v23;
	v28 =	vadd.f32 v18, v8;
	v18 =	vmul.f32 v35, v36;
	v35 =	vld [tilespmem:$0x970]  }
0xb2: {  	v25 =	vmul.f32 v25, v22;
	v11 =	vadd.f32 v21, v11;
	[tilespmem:$0x1FC10] =	vst v26;
	v26 =	vld [tilespmem:$0x8C0]  }
0xb3: {  	v62 =	vmul.f32 v29, v23;
	v21 =	vadd.f32 v39, v10;
	v39 =	vmul.f32 v63, v32;
	v63 =	vld [tilespmem:$0x910]  }
0xb4: {  	[tilespmem:$0x1FCE0] =	vst v28;
	v28 =	vld [tilespmem:$0x940]  }
0xb5: {  	[tilespmem:$0x1FC70] =	vst v24;
	v9 =	vadd.f32 v25, v9;
	v24 =	vadd.f32 v62, v11;
	v25 =	vmul.f32 v33, v27;
	v62 =	vld [tilespmem:$0x950]  }
0xb6: {  	[tilespmem:$0x1FCB0] =	vst v17;
	v17 =	vmul.f32 v4, v32;
	v4 =	vmul.f32 v57, v36;
	v57 =	vld [tilespmem:$0x1F8C0]  }
0xb7: {  	v29 =	vadd.f32 v19, v9;
	v19 =	vld [tilespmem:$0x920]  }
0xb8: {  	[tilespmem:$0x1FD10] =	vst v20;
	v10 =	vadd.f32 v25, v24;
	v24 =	vld [tilespmem:$0x930]  }
0xb9: {  	[tilespmem:$0x1FCC0] =	vst v21;
	v25 =	vmul.f32 v3, v6;
	v3 =	vld [tilespmem:$0xA60]  }
0xba: {  	v33 =	vmul.f32 v30, v27;
	[tilespmem:$0x1FD70] =	vst v35;
	v35 =	vmul.f32 v60, v23;
	v60 =	vld [tilespmem:$0x1F8D0]  }
0xbb: {  	v20 =	vmul.f32 v5, v6;
	v21 =	vmul.f32 v37, v7;
	[tilespmem:$0x1FC90] =	vst v26;
	v26 =	vld [tilespmem:$0x8F0]  }
0xbc: {  	v40 =	vmul.f32 v40, v36;
	v8 =	vadd.f32 v33, v29;
	v10 =	vadd.f32 v39, v10;
	v39 =	vld [tilespmem:$0x9A0]  }
0xbd: {  	v11 =	vadd.f32 v21, v20;
	v29 =	vmul.f32 v42, v22;
	v21 =	vmul.f32 v56, v6;
	v56 =	vld [tilespmem:$0x9D0]  }
0xbe: {  	v33 =	vmul.f32 v53, v38;
	v53 =	vmul.f32 v45, v27;
	v45 =	vld [tilespmem:$0x9E0]  }
0xbf: {  	v11 =	vadd.f32 v29, v11;
	v29 =	vmul.f32 v58, v22;
	v58 =	vld [tilespmem:$0xA00]  }
0xc0: {  	v10 =	vadd.f32 v40, v10;
	v40 =	vld [tilespmem:$0x1F880]  }
0xc1: {  	[tilespmem:$0x1FD20] =	vst v24;
	v24 =	vmul.f32 v52, v7;
	v52 =	vld [tilespmem:$0x1F8A0]  }
0xc2: {  	v30 =	vmul.f32 v41, v22;
	v8 =	vadd.f32 v17, v8;
	v41 =	vadd.f32 v33, v10;
	v10 =	vld [tilespmem:$0x990]  }
0xc3: {  	[tilespmem:$0x1FCD0] =	vst v34;
	v34 =	vmul.f32 v44, v23;
	v33 =	vld [tilespmem:$0x1F870]  }
0xc4: {  	v37 =	vmul.f32 v48, v38;
	v8 =	vadd.f32 v18, v8;
	v18 =	vld [tilespmem:$0xAD0]  }
0xc5: {  	v48 =	vmul.f32 v49, v27;
	v11 =	vadd.f32 v34, v11;
	[tilespmem:$0x1FD50] =	vst v26;
	v26 =	vmul.f32 v31, v7;
	v31 =	vld [tilespmem:$0x960]  }
0xc6: {  	v12 =	vadd.f32 v24, v21;
	v24 =	vld [tilespmem:$0x1F8F0]  }
0xc7: {  	v11 =	vadd.f32 v48, v11;
	v48 =	vld [tilespmem:$0xA30]  }
0xc8: {  	v9 =	vadd.f32 v26, v25;
	v25 =	vadd.f32 v37, v8;
	v37 =	vld [tilespmem:$0xA10]  }
0xc9: {  	v26 =	vmul.f32 v46, v6;
	v46 =	vld [tilespmem:$0x1F890]  }
0xca: {  	v12 =	vadd.f32 v29, v12;
	v29 =	vld [tilespmem:$0x1F900]  }
0xcb: {  	v55 =	vmul.f32 v55, v32;
	v42 =	vmul.f32 v40, v38;
	v40 =	vld [tilespmem:$0xA90]  }
0xcc: {  	v9 =	vadd.f32 v30, v9;
	v30 =	vld [tilespmem:$0x9F0]  }
0xcd: {  	v11 =	vadd.f32 v55, v11;
	v12 =	vadd.f32 v35, v12;
	v35 =	vld [tilespmem:$0x1F920]  }
0xce: {  	v44 =	vmul.f32 v43, v23;
	[tilespmem:$0x1FD60] =	vst v31;
	v31 =	vmul.f32 v54, v22;
	v54 =	vld [tilespmem:$0x1F8B0]  }
0xcf: {  	[tilespmem:$0x1FD30] =	vst v28;
	v28 =	vmul.f32 v47, v7;
	v11 =	vadd.f32 v4, v11;
	v4 =	vld [tilespmem:$0xA50]  }
0xd0: {  	v49 =	vadd.f32 v44, v9;
	v44 =	vld [tilespmem:$0x9C0]  }
0xd1: {  	v14 =	vmul.f32 v14, v6;
	v10 =	vmul.f32 v10, v7;
	v9 =	vadd.f32 v28, v26;
	v28 =	vld [tilespmem:$0xA70]  }
0xd2: {  	v34 =	vmul.f32 v33, v38;
	v26 =	vmul.f32 v24, v7;
	v24 =	vld [tilespmem:$0x1F990]  }
0xd3: {  	v10 =	vadd.f32 v10, v14;
	v14 =	vld [tilespmem:$0x1FD60]  }
0xd4: {  	v17 =	vadd.f32 v34, v11;
	v34 =	vld [tilespmem:$0xA80]  }
0xd5: {  	v47 =	vmul.f32 v46, v27;
	v46 =	vld [tilespmem:$0xAA0]  }
0xd6: {  	[tilespmem:$0x1FDB0] =	vst v40;
	v40 =	vld [tilespmem:$0xB10]  }
0xd7: {  	v8 =	vadd.f32 v53, v49;
	v49 =	vld [tilespmem:$0xA20]  }
0xd8: {  	v9 =	vadd.f32 v31, v9;
	v31 =	vld [tilespmem:$0x1F910]  }
0xd9: {  	v53 =	vmul.f32 v52, v32;
	v52 =	vld [tilespmem:$0xAB0]  }
0xda: {  	v12 =	vadd.f32 v47, v12;
	v47 =	vld [tilespmem:$0x1F940]  }
0xdb: {  	v5 =	vmul.f32 v50, v32;
	[tilespmem:$0x1FD80] =	vst v30;
	v30 =	vmul.f32 v29, v6;
	v29 =	vld [tilespmem:$0x1F9A0]  }
0xdc: {  	[tilespmem:$0x1FD90] =	vst v37;
	v37 =	vmul.f32 v35, v22;
	v35 =	vld [tilespmem:$0x1F9C0]  }
0xdd: {  	v20 =	vmul.f32 v51, v36;
	v8 =	vadd.f32 v5, v8;
	v12 =	vadd.f32 v53, v12;
	v53 =	vld [tilespmem:$0x1F960]  }
0xde: {  	[tilespmem:$0x1FE40] =	vst v28;
	v28 =	vld [tilespmem:$0xAE0]  }
0xdf: {  	v8 =	vadd.f32 v20, v8;
	v20 =	vld [tilespmem:$0x1F8E0]  }
0xe0: {  	v55 =	vmul.f32 v54, v36;
	[tilespmem:$0x1FDA0] =	vst v34;
	v34 =	vld [tilespmem:$0xAF0]  }
0xe1: {  	v43 =	vmul.f32 v59, v23;
	[tilespmem:$0x1FDD0] =	vst v46;
	v46 =	vld [tilespmem:$0x1F9D0]  }
0xe2: {  	v12 =	vadd.f32 v55, v12;
	v55 =	vld [tilespmem:$0x1F970]  }
0xe3: {  	v51 =	vmul.f32 v61, v27;
	v50 =	vadd.f32 v43, v9;
	v33 =	vmul.f32 v31, v7;
	v31 =	vld [tilespmem:$0x1F9B0]  }
0xe4: {  	[tilespmem:$0x1FDE0] =	vst v52;
	v52 =	vld [tilespmem:$0x1F9F0]  }
0xe5: {  	v59 =	vmul.f32 v57, v32;
	v11 =	vadd.f32 v42, v8;
	v8 =	vadd.f32 v51, v50;
	v42 =	vld [tilespmem:$0x1F930]  }
0xe6: {  	v50 =	vld [tilespmem:$0x1F950]  }
0xe7: {  	v8 =	vadd.f32 v59, v8;
	v59 =	vld [tilespmem:$0xAC0]  }
0xe8: {  	[tilespmem:$0x1FE10] =	vst v28;
	v28 =	vld [tilespmem:$0x1FA40]  }
0xe9: {  	v21 =	vmul.f32 v20, v6;
	v20 =	vld [tilespmem:$0xB30]  }
0xea: {  	v61 =	vmul.f32 v60, v36;
	[tilespmem:$0x1FE60] =	vst v34;
	v34 =	vld [tilespmem:$0x1FA60]  }
0xeb: {  	[tilespmem:$0x1FDC0] =	vst v48;
	v48 =	vmul.f32 v47, v38;
	v47 =	vmul.f32 v46, v36;
	v46 =	vld [tilespmem:$0x1FA80]  }
0xec: {  	v54 =	vmul.f32 v53, v38;
	v8 =	vadd.f32 v61, v8;
	v61 =	vld [tilespmem:$0x1F980];
	v13 =	vadd.f32 v26, v21  }
0xed: {  	v9 =	vadd.f32 v33, v30;
	v43 =	vmul.f32 v42, v22;
	v51 =	vmul.f32 v50, v23;
	v50 =	vld [tilespmem:$0xB00]  }
0xee: {  	v8 =	vadd.f32 v54, v8;
	v54 =	vld [tilespmem:$0x1FA00];
	v13 =	vadd.f32 v37, v13  }
0xef: {  	[tilespmem:$0x1FD40] =	vst v16;
	v57 =	vmul.f32 v55, v23;
	v16 =	vadd.f32 v43, v9;
	v9 =	vadd.f32 v48, v12;
	v48 =	vld [tilespmem:$0x1F9E0]  }
0xf0: {  	v43 =	vld [tilespmem:$0xB60]  }
0xf1: {  	v60 =	vadd.f32 v51, v13;
	v5 =	vmul.f32 v61, v27;
	v21 =	vadd.f32 v57, v16;
	v57 =	vld [tilespmem:$0x1FA10]  }
0xf2: {  	v26 =	vmul.f32 v24, v27;
	v61 =	vld [tilespmem:$0x1FA20]  }
0xf3: {  	v12 =	vadd.f32 v5, v60;
	v60 =	vld [tilespmem:$0xB20]  }
0xf4: {  	v15 =	vadd.f32 v26, v21;
	v21 =	vld [tilespmem:$0x1FA30]  }
0xf5: {  	v26 =	vld [tilespmem:$0xB40]  }
0xf6: {  	v30 =	vmul.f32 v29, v32;
	v51 =	vmul.f32 v48, v6;
	v48 =	vld [tilespmem:$0xB70]  }
0xf7: {  	v37 =	vmul.f32 v35, v32;
	[tilespmem:$0x1FEA0] =	vst v43;
	v43 =	vld [tilespmem:$0x1FB00]  }
0xf8: {  	v53 =	vmul.f32 v52, v7;
	v12 =	vadd.f32 v30, v12;
	v30 =	vld [tilespmem:$0x1FA50]  }
0xf9: {  	v15 =	vadd.f32 v37, v15;
	v37 =	vld [tilespmem:$0x1FA70]  }
0xfa: {  	v13 =	vadd.f32 v53, v51;
	v51 =	vld [tilespmem:$0x1FA90]  }
0xfb: {  	v33 =	vmul.f32 v31, v36;
	v55 =	vmul.f32 v54, v6;
	v53 =	vld [tilespmem:$0x1FAA0]  }
0xfc: {  	[tilespmem:$0x1FDF0] =	vst v59;
	v59 =	vmul.f32 v57, v7;
	v5 =	vmul.f32 v61, v22;
	v61 =	vld [tilespmem:$0x1FAD0]  }
0xfd: {  	v12 =	vadd.f32 v33, v12;
	v33 =	vld [tilespmem:$0xB50]  }
0xfe: {  	v29 =	vmul.f32 v28, v38;
	v16 =	vadd.f32 v59, v55;
	v55 =	vld [tilespmem:$0x1FAB0]  }
0xff: {  	v35 =	vmul.f32 v34, v38;
	v15 =	vadd.f32 v47, v15;
	v24 =	vmul.f32 v21, v22;
	v21 =	vld [tilespmem:$0xB90]  }
0x100: {  	[tilespmem:$0x1FE00] =	vst v18;
	v18 =	vadd.f32 v5, v13;
	v59 =	vld [tilespmem:$0x1FAC0]  }
0x101: {  	v13 =	vadd.f32 v29, v12;
	v12 =	vadd.f32 v35, v15;
	v15 =	vld [tilespmem:$0xB80]  }
0x102: {  	v35 =	vld [tilespmem:$0x1FAF0]  }
0x103: {  	v16 =	vadd.f32 v24, v16;
	v24 =	vld [tilespmem:$0xC60]  }
0x104: {  	v52 =	vmul.f32 v51, v27;
	v51 =	vld [tilespmem:$0xBC0]  }
0x105: {  	v42 =	vmul.f32 v37, v23;
	v5 =	vmul.f32 v61, v36;
	v61 =	vld [tilespmem:$0x1FB40]  }
0x106: {  	v31 =	vmul.f32 v30, v23;
	[tilespmem:$0x1FE80] =	vst v33;
	v33 =	vld [tilespmem:$0x1FAE0]  }
0x107: {  	v16 =	vadd.f32 v42, v16;
	v42 =	vld [tilespmem:$0xBB0]  }
0x108: {  	v47 =	vmul.f32 v46, v27;
	v18 =	vadd.f32 v31, v18;
	v31 =	vld [tilespmem:$0x1FB50]  }
0x109: {  	[tilespmem:$0x1FCF0] =	vst v19;
	v19 =	vadd.f32 v52, v16;
	v16 =	vld [tilespmem:$0xBA0]  }
0x10a: {  	v18 =	vadd.f32 v47, v18;
	v47 =	vld [tilespmem:$0x1FB10]  }
0x10b: {  	v54 =	vmul.f32 v53, v32;
	v52 =	vld [tilespmem:$0x1FB20]  }
0x10c: {  	[tilespmem:$0x1FE20] =	vst v60;
	v60 =	vmul.f32 v59, v32;
	v37 =	vmul.f32 v35, v7;
	v35 =	vld [tilespmem:$0x1FB60]  }
0x10d: {  	v18 =	vadd.f32 v54, v18;
	v54 =	vld [tilespmem:$0xBD0]  }
0x10e: {  	v19 =	vadd.f32 v60, v19;
	v60 =	vld [tilespmem:$0xBE0]  }
0x10f: {  	v57 =	vmul.f32 v55, v36;
	[tilespmem:$0x1FE90] =	vst v51;
	v51 =	vld [tilespmem:$0xC00]  }
0x110: {  	[tilespmem:$0x1FE70] =	vst v42;
	v42 =	vld [tilespmem:$0xC10]  }
0x111: {  	v34 =	vmul.f32 v33, v6;
	v18 =	vadd.f32 v57, v18;
	v57 =	vld [tilespmem:$0x1FB30]  }
0x112: {  	[tilespmem:$0x1FE30] =	vst v20;
	v28 =	vadd.f32 v5, v19;
	v19 =	vld [tilespmem:$0x1FC60]  }
0x113: {  	[tilespmem:$0x1FEE0] =	vst v48;
	v46 =	vmul.f32 v43, v6;
	v48 =	vmul.f32 v47, v7;
	v20 =	vadd.f32 v37, v34;
	v34 =	vld [tilespmem:$0xBF0]  }
0x114: {  	v53 =	vmul.f32 v52, v22;
	v37 =	vmul.f32 v35, v38;
	v35 =	vld [tilespmem:$0x1FBB0]  }
0x115: {  	v55 =	vadd.f32 v48, v46;
	v46 =	vld [tilespmem:$0x1FB70]  }
0x116: {  	v20 =	vadd.f32 v53, v20;
	v53 =	vld [tilespmem:$0x1FB80]  }
0x117: {  	[tilespmem:$0x1FEC0] =	vst v60;
	v60 =	vld [tilespmem:$0x1FBA0]  }
0x118: {  	v33 =	vmul.f32 v31, v23;
	v28 =	vadd.f32 v37, v28;
	v37 =	vld [tilespmem:$0x1FBC0]  }
0x119: {  	v48 =	vld [tilespmem:$0x1FBE0]  }
0x11a: {  	v52 =	vadd.f32 v33, v20;
	v20 =	vld [tilespmem:$0xC30]  }
0x11b: {  	[tilespmem:$0x1FF20] =	vst v24;
	v59 =	vmul.f32 v57, v22;
	v24 =	vmul.f32 v19, v38;
	v19 =	vld [tilespmem:$0x1FCB0]  }
0x11c: {  	v31 =	vmul.f32 v35, v36;
	v35 =	vld [tilespmem:$0x1FC70]  }
0x11d: {  	[tilespmem:$0x1FE50] =	vst v26;
	v26 =	vadd.f32 v59, v55;
	v55 =	vld [tilespmem:$0x1FB90]  }
0x11e: {  	v59 =	vld [tilespmem:$0xC20]  }
0x11f: {  	v47 =	vmul.f32 v46, v23;
	v46 =	vld [tilespmem:$0x1FBD0]  }
0x120: {  	[tilespmem:$0x1FEB0] =	vst v54;
	v54 =	vmul.f32 v53, v27;
	v53 =	vld [tilespmem:$0x1FBF0]  }
0x121: {  	v5 =	vmul.f32 v61, v38;
	v61 =	vmul.f32 v60, v32;
	v60 =	vld [tilespmem:$0x1FC10]  }
0x122: {  	v43 =	vmul.f32 v37, v32;
	v37 =	vld [tilespmem:$0x1FC20]  }
0x123: {  	v26 =	vadd.f32 v47, v26;
	v47 =	vld [tilespmem:$0xC40]  }
0x124: {  	v1 =	vadd.f32 v5, v18;
	v18 =	vadd.f32 v54, v52;
	v57 =	vmul.f32 v55, v27;
	v55 =	vld [tilespmem:$0xC50]  }
0x125: {  	v33 =	vmul.f32 v46, v36;
	v46 =	vld [tilespmem:$0xC70]  }
0x126: {  	v18 =	vadd.f32 v61, v18;
	v61 =	vmul.f32 v60, v7;
	v60 =	vld [tilespmem:$0x1FC50]  }
0x127: {  	v52 =	vmul.f32 v48, v6;
	v54 =	vmul.f32 v53, v7;
	v26 =	vadd.f32 v57, v26;
	v57 =	vld [tilespmem:$0x1FC00]  }
0x128: {  	[tilespmem:$0x1FEF0] =	vst v47;
	v47 =	vld [tilespmem:$0x1FC30]  }
0x129: {  	v30 =	vadd.f32 v54, v52;
	v52 =	vld [tilespmem:$0xCA0]  }
0x12a: {  	v54 =	vld [tilespmem:$0xCB0]  }
0x12b: {  	v26 =	vadd.f32 v43, v26;
	v43 =	vmul.f32 v37, v22;
	v37 =	vmul.f32 v35, v23;
	v35 =	vld [tilespmem:$0x1FD40]  }
0x12c: {  	[tilespmem:$0x1FED0] =	vst v59;
	v59 =	vmul.f32 v57, v6;
	v57 =	vld [tilespmem:$0x1FC40]  }
0x12d: {  	v48 =	vmul.f32 v47, v22;
	v47 =	vld [tilespmem:$0x1FC80]  }
0x12e: {  	[tilespmem:$0x1FF10] =	vst v55;
	v55 =	vld [tilespmem:$0xC80];
	v30 =	vadd.f32 v43, v30;
	v29 =	vadd.f32 v61, v59;
	v61 =	vmul.f32 v60, v23  }
0x12f: {  	[tilespmem:$0x1FF40] =	vst v46;
	v46 =	vld [tilespmem:$0xC90]  }
0x130: {  	v43 =	vadd.f32 v61, v30;
	v61 =	vld [tilespmem:$0x1FCA0]  }
0x131: {  	v18 =	vadd.f32 v31, v18;
	v59 =	vmul.f32 v57, v38;
	v57 =	vld [tilespmem:$0xCC0]  }
0x132: {  	v29 =	vadd.f32 v48, v29;
	v48 =	vmul.f32 v47, v27;
	v47 =	vld [tilespmem:$0x1FCC0]  }
0x133: {  	v31 =	vadd.f32 v59, v18;
	v59 =	vld [tilespmem:$0x1FC90]  }
0x134: {  	v18 =	vadd.f32 v48, v43;
	v43 =	vld [tilespmem:$0xCD0]  }
0x135: {  	v48 =	vld [tilespmem:$0x1FCD0]  }
0x136: {  	[tilespmem:$0x1FF00] =	vst v34;
	v34 =	vmul.f32 v61, v32;
	v61 =	vld [tilespmem:$0x1FCE0]  }
0x137: {  	v29 =	vadd.f32 v37, v29;
	v37 =	vld [tilespmem:$0xD10]  }
0x138: {  	v60 =	vmul.f32 v59, v27;
	v59 =	vmul.f32 v63, v7;
	v63 =	vld [tilespmem:$0xCF0]  }
0x139: {  	[tilespmem:$0x1FF30] =	vst v43;
	v43 =	vadd.f32 v34, v18;
	v18 =	vld [tilespmem:$0x1FCF0]  }
0x13a: {  	(xrf2) =	vadd.scan.msk.f32 $0xffff, v47;
	v53 =	vmul.f32 v48, v6;
	v48 =	vld [tilespmem:$0x1FD10]  }
0x13b: {  	v34 =	vld [tilespmem:$0xD20];
	(xrf2) =	vadd.scan.msk.f32 $0xffff, v61  }
0x13c: {  	v26 =	vadd.f32 v33, v26;
	(xrf2) =	vadd.scan.msk.f32 $0xffff, v41;
	v33 =	vadd.f32 v59, v53;
	v59 =	vld [tilespmem:$0x1FD20]  }
0x13d: {  	v47 =	vmul.f32 v39, v22;
	v41 =	vmul.f32 v44, v27;
	v44 =	vld [tilespmem:$0x1FD50];
	(xrf2) =	vadd.scan.msk.f32 $0xffff, v25  }
0x13e: {  	v26 =	vadd.f32 v24, v26;
	v24 =	vmul.f32 v19, v32;
	v29 =	vadd.f32 v60, v29;
	(xrf2) =	vadd.scan.msk.f32 $0xffff, v17;
	v17 =	vld [tilespmem:$0x1FD30]  }
0x13f: {  	v10 =	vadd.f32 v47, v10;
	v25 =	vld [tilespmem:$0x1FD00];
	[tilespmem:$0x1FF50] =	vst v63;
	v63 =	vmul.f32 v0, v23;
	v19 =	vmul.f32 v18, v22  }
0x140: {  	v60 =	vld [tilespmem:$0xCE0];
	v29 =	vadd.f32 v24, v29;
	v53 =	vmul.f32 v48, v36  }
0x141: {  	v33 =	vadd.f32 v19, v33;
	v61 =	vmul.f32 v59, v23;
	v19 =	vadd.f32 v63, v10;
	v63 =	vld [tilespmem:$0xD70]  }
0x142: {  	v24 =	vld [tilespmem:$0xD00];
	(xrf2) =	vadd.scan.msk.f32 $0xffff, v11;
	v47 =	vmul.f32 v44, v38;
	v59 =	vmul.f32 v62, v32  }
0x143: {  	(xrf2) =	vadd.scan.msk.f32 $0xffff, v9;
	v9 =	vadd.f32 v53, v29;
	v62 =	vmul.f32 v56, v32;
	v56 =	vld [tilespmem:$0x1FD70];
	v18 =	vmul.f32 v17, v27  }
0x144: {  	v30 =	vmul.f32 v25, v36;
	v5 =	vadd.f32 v61, v33;
	v61 =	vld [tilespmem:$0xD60]  }
0x145: {  	v39 =	vmul.f32 v35, v38;
	v48 =	vld [tilespmem:$0xD40];
	(xrf2) =	vadd.scan.msk.f32 $0xffff, v8;
	v8 =	vadd.f32 v41, v19;
	v9 =	vadd.f32 v47, v9  }
0x146: {  	(xrf2) =	vadd.scan.msk.f32 $0xffff, v13;
	v11 =	vadd.f32 v30, v43;
	v43 =	vadd.f32 v18, v5;
	[tilespmem:$0x1FF70] =	vst v63;
	v63 =	vld [tilespmem:$0x1FD80]  }
0x147: {  	v53 =	vld [tilespmem:$0xD50];
	(xrf2) =	vadd.scan.msk.f32 $0xffff, v12;
	v17 =	vmul.f32 v14, v36;
	v33 =	vmul.f32 v45, v36;
	v8 =	vadd.f32 v62, v8;
	v18, _, _ =	vpop (xrf2)  }
0x148: {  	v44 =	vld [tilespmem:$0xDB0];
	(xrf2) =	vadd.scan.msk.f32 $0xffff, v1;
	v10 =	vadd.f32 v39, v11;
	v5 =	vadd.f32 v59, v43;
	v59 =	vmul.f32 v56, v38;
	v35, _, _ =	vpop (xrf2)  }
0x149: {  	v29 =	vld [tilespmem:$0xDF0];
	(xrf2) =	vadd.scan.msk.f32 $0xffff, v28;
	[tilespmem:$0x1FF60] =	vst v61;
	v19 =	vbroadcast v18, $0xF;
	v41 =	vbroadcast v35, $0xF;
	v61, _, _ =	vpop (xrf2)  }
0x14a: {  	v25 =	vld [tilespmem:$0xDE0];
	v8 =	vadd.f32 v33, v8;
	(xrf2) =	vadd.scan.msk.f32 $0xffff, v31;
	v12 =	vadd.f32 v17, v5;
	v62 =	vbroadcast v61, $0xF;
	v1, _, _ =	vpop (xrf2)  }
0x14b: {  	v13 =	vld [tilespmem:$0xEA0];
	(xrf2) =	vadd.scan.msk.f32 $0xffff, v26;
	v0 =	vmul.f32 v63, v38;
	v11 =	vsel vm0, v19, v41;
	v17 =	vbroadcast v1, $0xF;
	v18, _, _ =	vpop (xrf2)  }
0x14c: {  	v47 =	vld [tilespmem:$0xD90];
	(xrf2) =	vadd.scan.msk.f32 $0xffff, v10;
	v5 =	vadd.f32 v59, v12;
	v11 =	vsel vm1, v11, v62;
	v19 =	vbroadcast v18, $0xF  }
0x14d: {  	v45 =	vld [tilespmem:$0xDA0];
	(xrf2) =	vadd.scan.msk.f32 $0xffff, v9;
	v26, _, _ =	vpop (xrf2);
	v8 =	vadd.f32 v0, v8;
	v11 =	vsel vm2, v11, v17  }
0x14e: {  	(xrf2) =	vadd.scan.msk.f32 $0xffff, v5;
	v33 =	vbroadcast v26, $0xF;
	v35, _, _ =	vpop (xrf2);
	v9 =	vsel vm3, v11, v19;
	v19 =	vld [tilespmem:$0x1FD90]  }
0x14f: {  	v62 =	vld [tilespmem:$0x1FDA0];
	v41 =	vbroadcast v35, $0xF;
	v43, _, _ =	vpop (xrf2);
	(xrf2) =	vadd.scan.msk.f32 $0xffff, v8  }
0x150: {  	v37 =	vmul.f32 v37, v7;
	v14 =	vld [tilespmem:$0x1FDB0];
	v9 =	vsel vm4, v9, v33;
	v56 =	vbroadcast v43, $0xF;
	v59, _, _ =	vpop (xrf2)  }
0x151: {  	v24 =	vmul.f32 v24, v6;
	v30 =	vld [tilespmem:$0xD30];
	v8 =	vsel vm5, v9, v41;
	v0 =	vbroadcast v59, $0xF;
	v1, _, _ =	vpop (xrf2)  }
0x152: {  	v39 =	vld [tilespmem:$0xD80];
	v18 =	vmul.f32 v58, v6;
	v8 =	vsel vm6, v8, v56;
	v5 =	vbroadcast v1, $0xF;
	v17, _, _ =	vpop (xrf2)  }
0x153: {  	v43 =	vmul.f32 v49, v22;
	v8 =	vsel vm7, v8, v0;
	v33, _, _ =	vpop (xrf2);
	v26 =	vmul.f32 v19, v7;
	v19 =	vld [tilespmem:$0x1FDC0]  }
0x154: {  	v8 =	vsel vm8, v8, v5;
	v11, _, _ =	vpop (xrf2);
	v5 =	vmul.f32 v62, v6;
	v62 =	vld [tilespmem:$0x1FDD0]  }
0x155: {  	v24 =	vadd.f32 v37, v24;
	v37 =	vld [tilespmem:$0x1040];
	v49, _, _ =	vpop (xrf2);
	v9 =	vadd.f32 v26, v18  }
0x156: {  	v28 =	vld [tilespmem:$0xDD0];
	v47 =	vmul.f32 v47, v7;
	v18, _, _ =	vpop (xrf2)  }
0x157: {  	v31 =	vld [tilespmem:$0xDC0];
	v39 =	vmul.f32 v39, v6;
	v35 =	vbroadcast v17, $0xF;
	v9 =	vadd.f32 v43, v9;
	v43, _, _ =	vpop (xrf2)  }
0x158: {  	v61 =	vld [tilespmem:$0xE00];
	v17 =	vmul.f32 v14, v7;
	v41 =	vbroadcast v33, $0xF;
	v1, _, _ =	vpop (xrf2)  }
0x159: {  	v63 =	vld [tilespmem:$0xE10];
	[tilespmem:$0x1FFD0] =	vst v18;
	v26 =	vmul.f32 v19, v23;
	v0 =	vmul.f32 v62, v22;
	v10, _, _ =	vpop (xrf2)  }
0x15a: {  	v14 =	vadd.f32 v17, v5;
	[tilespmem:$0x1FFF0] =	vst v43;
	v19 =	vld [tilespmem:$0x1FDE0];
	v43 =	vbroadcast v1, $0xF;
	v18 =	vbroadcast v10, $0xF  }
0x15b: {  	v45 =	vmul.f32 v45, v22;
	v12 =	vld [tilespmem:$0xE90];
	v39 =	vadd.f32 v47, v39;
	v8 =	vsel vm9, v8, v35  }
0x15c: {  	v8 =	vsel vm10, v8, v41;
	v41 =	vadd.f32 v0, v14;
	v0 =	vsel vm0, v43, v18;
	v18 =	vld [tilespmem:$0x1FDF0]  }
0x15d: {  	v58 =	vld [tilespmem:$0xE30]  }
0x15e: {  	v44 =	vmul.f32 v44, v23;
	v39 =	vadd.f32 v45, v39;
	v11 =	vbroadcast v11, $0xF;
	v10 =	vld [tilespmem:$0x1FE00]  }
0x15f: {  	v59 =	vld [tilespmem:$0xE20];
	v5 =	vmul.f32 v2, v27;
	v9 =	vadd.f32 v26, v9;
	v1 =	vmul.f32 v19, v23  }
0x160: {  	v56 =	vld [tilespmem:$0xE40];
	v39 =	vadd.f32 v44, v39;
	v26 =	vsel vm11, v8, v11  }
0x161: {  	v44 =	vld [tilespmem:$0x10A0];
	v62 =	vadd.f32 v5, v9;
	v5 =	vadd.f32 v1, v41;
	v1 =	vmul.f32 v18, v27  }
0x162: {  	v33 =	vld [tilespmem:$0xE70];
	[tilespmem:$0x1FFE0] =	vst v26;
	v26 =	vmul.f32 v40, v7;
	v19 =	vmul.f32 v50, v6  }
0x163: {  	v35 =	vld [tilespmem:$0xE60];
	v18 =	vmul.f32 v10, v32;
	v1 =	vadd.f32 v1, v5  }
0x164: {  	v11 =	vadd.f32 v26, v19;
	v19 =	vld [tilespmem:$0x1FE10]  }
0x165: {  	v31 =	vmul.f32 v31, v27;
	v1 =	vadd.f32 v18, v1;
	v18 =	vld [tilespmem:$0x1FE30]  }
0x166: {  	v21 =	vmul.f32 v21, v7;
	v15 =	vmul.f32 v15, v6;
	[tilespmem:$0x1FFC0] =	vst v49;
	v49 =	vld [tilespmem:$0xE50]  }
0x167: {  	v28 =	vmul.f32 v28, v32;
	v31 =	vadd.f32 v31, v39;
	v17 =	vld [tilespmem:$0xE80]  }
0x168: {  	v2 =	vadd.f32 v21, v15;
	v15 =	vld [tilespmem:$0xF40]  }
0x169: {  	v4 =	vmul.f32 v4, v32;
	v28 =	vadd.f32 v28, v31;
	v31 =	vld [tilespmem:$0x10E0]  }
0x16a: {  	v26 =	vmul.f32 v19, v36;
	v19 =	vmul.f32 v18, v23;
	v18 =	vld [tilespmem:$0x1FE40]  }
0x16b: {  	v14 =	vld [tilespmem:$0xEB0]  }
0x16c: {  	v3 =	vmul.f32 v3, v36;
	v40 =	vld [tilespmem:$0xEF0];
	v8 =	vadd.f32 v4, v62  }
0x16d: {  	v9 =	vld [tilespmem:$0xF10]  }
0x16e: {  	v12 =	vmul.f32 v12, v7;
	v17 =	vmul.f32 v17, v6;
	v10 =	vld [tilespmem:$0x1FE20];
	v5 =	vadd.f32 v3, v8  }
0x16f: {  	v43 =	vld [tilespmem:$0x1FE70];
	v4 =	vadd.f32 v26, v1;
	v26 =	vmul.f32 v16, v22;
	v21 =	vmul.f32 v18, v38  }
0x170: {  	v12 =	vadd.f32 v12, v17;
	v17 =	vld [tilespmem:$0x1100]  }
0x171: {  	v2 =	vadd.f32 v26, v2;
	v26 =	vld [tilespmem:$0x1FE60];
	v5 =	vadd.f32 v21, v5  }
0x172: {  	[tilespmem:$0x1FFB0] =	vst v0;
	v50 =	vld [tilespmem:$0xED0]  }
0x173: {  	v0 =	vmul.f32 v10, v22;
	[tilespmem:$0x1FF80] =	vst v5;
	v5 =	vld [tilespmem:$0x1FE90]  }
0x174: {  	v62 =	vld [tilespmem:$0xEE0]  }
0x175: {  	v41 =	vld [tilespmem:$0xEC0];
	v0 =	vadd.f32 v0, v11  }
0x176: {  	v8 =	vmul.f32 v43, v23;
	v1 =	vmul.f32 v26, v38;
	v21 =	vld [tilespmem:$0x1FE80]  }
0x177: {  	v13 =	vmul.f32 v13, v22;
	v43 =	vld [tilespmem:$0x1FEB0];
	v3 =	vadd.f32 v19, v0  }
0x178: {  	v19 =	vld [tilespmem:$0x1FE50];
	v4 =	vadd.f32 v1, v4;
	v1 =	vadd.f32 v8, v2;
	v8 =	vmul.f32 v5, v27  }
0x179: {  	v51 =	vmul.f32 v51, v6;
	v42 =	vmul.f32 v42, v7;
	v12 =	vadd.f32 v13, v12;
	v5 =	vld [tilespmem:$0x1FED0]  }
0x17a: {  	v13 =	vmul.f32 v29, v38;
	v29 =	vmul.f32 v14, v23;
	v1 =	vadd.f32 v8, v1;
	v8 =	vld [tilespmem:$0x1FEA0]  }
0x17b: {  	v26 =	vmul.f32 v21, v32;
	v21 =	vadd.f32 v42, v51;
	v51 =	vld [tilespmem:$0x1FEC0]  }
0x17c: {  	v12 =	vadd.f32 v29, v12;
	v29 =	vld [tilespmem:$0x1140];
	v43 =	vmul.f32 v43, v32  }
0x17d: {  	v10 =	vld [tilespmem:$0xF00]  }
0x17e: {  	v46 =	vmul.f32 v46, v7;
	v16 =	vld [tilespmem:$0xF30];
	v1 =	vadd.f32 v43, v1;
	v43 =	vmul.f32 v55, v6  }
0x17f: {  	v11 =	vld [tilespmem:$0xF20];
	v2 =	vmul.f32 v8, v36;
	v8 =	vmul.f32 v5, v22  }
0x180: {  	v18 =	vld [tilespmem:$0xF50];
	v0 =	vmul.f32 v19, v27;
	v42 =	vmul.f32 v51, v36  }
0x181: {  	v19 =	vld [tilespmem:$0xF60];
	v8 =	vadd.f32 v8, v21;
	v21 =	vadd.f32 v46, v43;
	v46 =	vmul.f32 v52, v22  }
0x182: {  	v1 =	vadd.f32 v42, v1;
	v42 =	vld [tilespmem:$0x1FEF0]  }
0x183: {  	v3 =	vadd.f32 v0, v3;
	v21 =	vadd.f32 v46, v21;
	v46 =	vld [tilespmem:$0x1FF00]  }
0x184: {  	[tilespmem:$0x1FF90] =	vst v4;
	v4 =	vld [tilespmem:$0xF80]  }
0x185: {  	v20 =	vmul.f32 v20, v23;
	v0 =	vld [tilespmem:$0xF90];
	v3 =	vadd.f32 v26, v3  }
0x186: {  	v26 =	vld [tilespmem:$0xF70]  }
0x187: {  	v51 =	vld [tilespmem:$0xFC0];
	v2 =	vadd.f32 v2, v3;
	v3 =	vadd.f32 v20, v8;
	v52 =	vmul.f32 v42, v27  }
0x188: {  	v54 =	vmul.f32 v54, v23;
	v20 =	vld [tilespmem:$0x1FEE0];
	v8 =	vmul.f32 v46, v38  }
0x189: {  	v3 =	vadd.f32 v52, v3;
	v52 =	vld [tilespmem:$0x1FF10]  }
0x18a: {  	v55 =	vld [tilespmem:$0xFB0];
	v43 =	vadd.f32 v8, v1;
	v1 =	vadd.f32 v54, v21;
	v8 =	vmul.f32 v57, v27  }
0x18b: {  	v57 =	vld [tilespmem:$0x1FF20]  }
0x18c: {  	v1 =	vadd.f32 v8, v1;
	v8 =	vld [tilespmem:$0x1FF30]  }
0x18d: {  	v5 =	vld [tilespmem:$0xFA0]  }
0x18e: {  	v42 =	vld [tilespmem:$0xFD0];
	v20 =	vmul.f32 v20, v38;
	v52 =	vmul.f32 v52, v32  }
0x18f: {  	v46 =	vld [tilespmem:$0xFE0]  }
0x190: {  	v2 =	vadd.f32 v20, v2;
	v20 =	vld [tilespmem:$0xFF0];
	v3 =	vadd.f32 v52, v3;
	v21 =	vmul.f32 v57, v36  }
0x191: {  	v34 =	vmul.f32 v34, v22;
	v54 =	vld [tilespmem:$0x1000];
	v57 =	vmul.f32 v8, v32  }
0x192: {  	v52 =	vld [tilespmem:$0x1010];
	v3 =	vadd.f32 v21, v3  }
0x193: {  	[tilespmem:$0x1FFA0] =	vst v2;
	v2 =	vld [tilespmem:$0x1020];
	v21 =	vadd.f32 v34, v24;
	v1 =	vadd.f32 v57, v1;
	v57 =	vmul.f32 v30, v23  }
0x194: {  	v60 =	vmul.f32 v60, v36;
	v8 =	vld [tilespmem:$0x1030]  }
0x195: {  	v21 =	vadd.f32 v57, v21;
	v57 =	vld [tilespmem:$0x1FF40]  }
0x196: {  	v1 =	vadd.f32 v60, v1;
	v60 =	vld [tilespmem:$0x1FF50]  }
0x197: {  	v34 =	vld [tilespmem:$0x1050]  }
0x198: {  	v48 =	vmul.f32 v48, v27;
	v24 =	vld [tilespmem:$0x1070]  }
0x199: {  	v30 =	vld [tilespmem:$0x1060]  }
0x19a: {  	v53 =	vmul.f32 v53, v32;
	v21 =	vadd.f32 v48, v21;
	v48 =	vld [tilespmem:$0x1090];
	v47 =	vmul.f32 v57, v38  }
0x19b: {  	v45 =	vmul.f32 v60, v38;
	v60 =	vld [tilespmem:$0x1FF60]  }
0x19c: {  	v21 =	vadd.f32 v53, v21;
	v53 =	vld [tilespmem:$0x10B0];
	v3 =	vadd.f32 v47, v3  }
0x19d: {  	v57 =	vld [tilespmem:$0x1080];
	v1 =	vadd.f32 v45, v1;
	v45 =	vmul.f32 v61, v6;
	v47 =	vmul.f32 v63, v7  }
0x19e: {  	v61 =	vmul.f32 v59, v22;
	v59 =	vld [tilespmem:$0x10D0]  }
0x19f: {  	v45 =	vadd.f32 v47, v45;
	v47 =	vmul.f32 v25, v36;
	v25 =	vld [tilespmem:$0x10F0]  }
0x1a0: {  	v39 =	vmul.f32 v60, v36;
	v60 =	vld [tilespmem:$0x10C0]  }
0x1a1: {  	v58 =	vmul.f32 v58, v23;
	v63 =	vadd.f32 v61, v45;
	v61 =	vld [tilespmem:$0x1FF70]  }
0x1a2: {  	v28 =	vadd.f32 v47, v28;
	v47 =	vld [tilespmem:$0x11C0]  }
0x1a3: {  	v21 =	vadd.f32 v39, v21;
	v39 =	vadd.f32 v58, v63;
	v63 =	vmul.f32 v56, v27;
	v56 =	vld [tilespmem:$0x1110]  }
0x1a4: {  	v9 =	vmul.f32 v9, v7;
	v10 =	vmul.f32 v10, v6;
	v58 =	vld [tilespmem:$0x1120]  }
0x1a5: {  	v16 =	vmul.f32 v16, v23;
	v13 =	vadd.f32 v13, v28;
	v28 =	vmul.f32 v35, v36;
	v35 =	vld [tilespmem:$0x1180]  }
0x1a6: {  	v45 =	vmul.f32 v61, v38;
	v61 =	vadd.f32 v63, v39;
	v63 =	vmul.f32 v49, v32;
	v39 =	vld [tilespmem:$0x1150]  }
0x1a7: {  	v4 =	vmul.f32 v4, v6;
	v49 =	vmul.f32 v41, v27;
	v41 =	vld [tilespmem:$0x1160]  }
0x1a8: {  	v0 =	vmul.f32 v0, v7;
	v14 =	vadd.f32 v45, v21;
	v45 =	vld [tilespmem:$0x1130];
	v21 =	vadd.f32 v63, v61  }
0x1a9: {  	v12 =	vadd.f32 v49, v12;
	v61 =	vmul.f32 v50, v32;
	v49 =	vmul.f32 v11, v22;
	v11 =	vld [tilespmem:$0x1170]  }
0x1aa: {  	v9 =	vadd.f32 v9, v10;
	v0 =	vadd.f32 v0, v4;
	v50 =	vmul.f32 v5, v22;
	v5 =	vld [tilespmem:$0x11A0]  }
0x1ab: {  	v63 =	vmul.f32 v62, v36;
	v62 =	vmul.f32 v40, v38;
	v40 =	vld [tilespmem:$0x11F0];
	v12 =	vadd.f32 v61, v12  }
0x1ac: {  	v21 =	vadd.f32 v28, v21;
	v9 =	vadd.f32 v49, v9;
	v28 =	vld [tilespmem:$0x1190];
	v61 =	vmul.f32 v33, v38  }
0x1ad: {  	v4 =	vadd.f32 v50, v0;
	v49 =	vmul.f32 v18, v32;
	v18 =	vld [tilespmem:$0x11D0];
	v50 =	vmul.f32 v51, v27  }
0x1ae: {  	v51 =	vmul.f32 v54, v6;
	v54 =	vmul.f32 v52, v7;
	v33 =	vld [tilespmem:$0x1210]  }
0x1af: {  	v52 =	vmul.f32 v53, v23;
	v53 =	vmul.f32 v34, v32;
	v34 =	vld [tilespmem:$0x1290]  }
0x1b0: {  	v9 =	vadd.f32 v16, v9;
	v16 =	vld [tilespmem:$0x11B0]  }
0x1b1: {  	v15 =	vmul.f32 v15, v27;
	v48 =	vmul.f32 v48, v7;
	v0 =	vadd.f32 v61, v21;
	v21 =	vld [tilespmem:$0x11E0]  }
0x1b2: {  	v10 =	vadd.f32 v63, v12;
	v63 =	vmul.f32 v55, v23;
	v55 =	vmul.f32 v42, v32;
	v42 =	vld [tilespmem:$0x1200]  }
0x1b3: {  	v57 =	vmul.f32 v57, v6;
	v61 =	vmul.f32 v44, v22;
	v44 =	vld [tilespmem:$0x1240]  }
0x1b4: {  	v12 =	vadd.f32 v62, v10;
	v62 =	vmul.f32 v37, v27;
	v37 =	vld [tilespmem:$0x1250]  }
0x1b5: {  	v19 =	vmul.f32 v19, v36;
	v9 =	vadd.f32 v15, v9;
	v10 =	vadd.f32 v48, v57;
	v48 =	vld [tilespmem:$0x12B0]  }
0x1b6: {  	v2 =	vmul.f32 v2, v22;
	v15 =	vadd.f32 v54, v51;
	v51 =	vmul.f32 v29, v27;
	v29 =	vld [tilespmem:$0x12F0]  }
0x1b7: {  	v26 =	vmul.f32 v26, v38;
	v4 =	vadd.f32 v63, v4;
	v9 =	vadd.f32 v49, v9;
	v49 =	vld [tilespmem:$0x1220]  }
0x1b8: {  	v46 =	vmul.f32 v46, v36;
	v8 =	vmul.f32 v8, v23;
	v2 =	vadd.f32 v2, v15;
	v15 =	vld [tilespmem:$0x1230]  }
0x1b9: {  	v63 =	vmul.f32 v20, v38;
	v4 =	vadd.f32 v50, v4;
	v10 =	vadd.f32 v61, v10;
	v50 =	vld [tilespmem:$0x1260]  }
0x1ba: {  	v61 =	vmul.f32 v59, v32;
	v59 =	vmul.f32 v18, v32;
	v18 =	vld [tilespmem:$0x1340];
	v9 =	vadd.f32 v19, v9  }
0x1bb: {  	v57 =	vmul.f32 v17, v6;
	v4 =	vadd.f32 v55, v4;
	v54 =	vadd.f32 v52, v10;
	v10 =	vld [tilespmem:$0x1280]  }
0x1bc: {  	v55 =	vmul.f32 v60, v27;
	v60 =	vmul.f32 v56, v7;
	v20 =	vadd.f32 v26, v9;
	v26 =	vld [tilespmem:$0x1270]  }
0x1bd: {  	v2 =	vadd.f32 v8, v2;
	v4 =	vadd.f32 v46, v4;
	v46 =	vld [tilespmem:$0x12A0]  }
0x1be: {  	v31 =	vmul.f32 v31, v36;
	v8 =	vadd.f32 v60, v57;
	v57 =	vmul.f32 v33, v7;
	v33 =	vld [tilespmem:$0x1330]  }
0x1bf: {  	v2 =	vadd.f32 v62, v2;
	v62 =	vmul.f32 v58, v22;
	v58 =	vmul.f32 v41, v36;
	v41 =	vld [tilespmem:$0x1350]  }
0x1c0: {  	v60 =	vmul.f32 v49, v22;
	v49 =	vmul.f32 v48, v23;
	v48 =	vld [tilespmem:$0x1FF90]  }
0x1c1: {  	v30 =	vmul.f32 v30, v36;
	v19 =	vadd.f32 v63, v4;
	v63 =	vmul.f32 v35, v6;
	v35 =	vld [tilespmem:$0x12C0]  }
0x1c2: {  	v56 =	vmul.f32 v42, v6;
	v8 =	vadd.f32 v62, v8;
	v62 =	vmul.f32 v34, v7;
	v34 =	vld [tilespmem:$0x1360]  }
0x1c3: {  	v2 =	vadd.f32 v53, v2;
	v4 =	vadd.f32 v55, v54;
	v55 =	vmul.f32 v47, v27;
	v47 =	vld [tilespmem:$0x1390]  }
0x1c4: {  	v24 =	vmul.f32 v24, v38;
	v28 =	vmul.f32 v28, v7;
	v17 =	vadd.f32 v57, v56;
	v56 =	vld [tilespmem:$0x13C0]  }
0x1c5: {  	v25 =	vmul.f32 v25, v38;
	v45 =	vmul.f32 v45, v23;
	v2 =	vadd.f32 v30, v2;
	v30 =	vld [tilespmem:$0x12D0]  }
0x1c6: {  	v5 =	vmul.f32 v5, v22;
	v11 =	vmul.f32 v11, v38;
	v9 =	vadd.f32 v28, v63;
	v28 =	vld [tilespmem:$0x12E0]  }
0x1c7: {  	v40 =	vmul.f32 v40, v38;
	v4 =	vadd.f32 v61, v4;
	v8 =	vadd.f32 v45, v8;
	v45 =	vld [tilespmem:$0x1380]  }
0x1c8: {  	v63 =	vmul.f32 v46, v22;
	v46 =	vmul.f32 v44, v27;
	v44 =	vld [tilespmem:$0x1480]  }
0x1c9: {  	v16 =	vmul.f32 v16, v23;
	v21 =	vmul.f32 v21, v36;
	v4 =	vadd.f32 v31, v4;
	v31 =	vld [tilespmem:$0x1300]  }
0x1ca: {  	v29 =	vmul.f32 v29, v38;
	v5 =	vadd.f32 v5, v9;
	v9 =	vadd.f32 v24, v2;
	v24 =	vld [tilespmem:$0x1310]  }
0x1cb: {  	v15 =	vmul.f32 v15, v23;
	v17 =	vadd.f32 v60, v17;
	v52 =	vadd.f32 v51, v8;
	v51 =	vld [tilespmem:$0x13A0]  }
0x1cc: {  	v53 =	vmul.f32 v39, v32;
	v61 =	vmul.f32 v10, v6;
	v54 =	vadd.f32 v16, v5;
	v16 =	vld [tilespmem:$0x1320]  }
0x1cd: {  	v26 =	vmul.f32 v26, v38;
	v15 =	vadd.f32 v15, v17;
	v8 =	vadd.f32 v25, v4;
	v25 =	vld [tilespmem:$0x1370]  }
0x1ce: {  	v2 =	vadd.f32 v53, v52;
	v5 =	vadd.f32 v62, v61;
	v53 =	vmul.f32 v37, v32;
	v62 =	vld [tilespmem:$0x1400]  }
0x1cf: {  	v52 =	vadd.f32 v46, v15;
	v61 =	vmul.f32 v47, v7;
	v46 =	vmul.f32 v18, v27;
	v47 =	vld [tilespmem:$0x1490]  }
0x1d0: {  	vm15 =	vcmask $0x320;
	v28 =	vmul.f32 v28, v36;
	v60 =	vmul.f32 v45, v6;
	v45 =	vld [tilespmem:$0x1FF80]  }
0x1d1: {  	v4 =	vadd.f32 v55, v54;
	v2 =	vadd.f32 v58, v2;
	v54 =	vld [tilespmem:$0x13B0];
	v55 =	vmul.f32 v35, v27  }
0x1d2: {  	v5 =	vadd.f32 v63, v5;
	v58 =	vmul.f32 v50, v36;
	v63 =	vmul.f32 v33, v23;
	v50 =	vld [tilespmem:$0x1FFA0]  }
0x1d3: {  	v57 =	vmul.f32 v31, v6;
	v24 =	vmul.f32 v24, v7;
	v31 =	vld [tilespmem:$0x13D0];
	v10 =	vadd.f32 v61, v60  }
0x1d4: {  	v42 =	vmul.f32 v51, v22;
	v61 =	vmul.f32 v34, v36;
	v34 =	vld [tilespmem:$0x1450];
	v4 =	vadd.f32 v59, v4  }
0x1d5: {  	v2 =	vadd.f32 v11, v2;
	v5 =	vadd.f32 v49, v5;
	v59 =	vmul.f32 v30, v32;
	v30 =	vld [tilespmem:$0x13E0]  }
0x1d6: {  	v51 =	vmul.f32 v41, v32;
	v11 =	vadd.f32 v53, v52;
	v49 =	vld [tilespmem:$0x1420];
	v15 =	vadd.f32 v24, v57  }
0x1d7: {  	v52 =	vld [tilespmem:$0x14A0];
	v16 =	vmul.f32 v16, v22;
	v10 =	vadd.f32 v42, v10;
	v4 =	vadd.f32 v21, v4  }
0x1d8: {  	v53 =	vmul.f32 v56, v27;
	v5 =	vadd.f32 v55, v5;
	v11 =	vadd.f32 v58, v11;
	(xrf2) =	vadd.scan.msk.f32 $0xffff, v45;
	v58 =	vld [tilespmem:$0x14B0]  }
0x1d9: {  	v56 =	vmul.f32 v62, v6;
	v15 =	vadd.f32 v16, v15;
	(xrf2) =	vadd.scan.msk.f32 $0xffff, v48;
	v4 =	vadd.f32 v40, v4;
	v40 =	vld [tilespmem:$0x1410]  }
0x1da: {  	v60 =	vld [tilespmem:$0x1440];
	v6 =	vmul.f32 v44, v6;
	v17 =	vmul.f32 v54, v23;
	v5 =	vadd.f32 v59, v5;
	(xrf2) =	vadd.scan.msk.f32 $0xffff, v50  }
0x1db: {  	v24 =	vld [tilespmem:$0x13F0];
	v11 =	vadd.f32 v26, v11;
	v50 =	vmul.f32 v34, v32;
	v15 =	vadd.f32 v63, v15;
	(xrf2) =	vadd.scan.msk.f32 $0xffff, v43  }
0x1dc: {  	v54 =	vld [tilespmem:$0x1430];
	v10 =	vadd.f32 v17, v10;
	v62 =	vmul.f32 v49, v22;
	v44 =	vmul.f32 v30, v36;
	(xrf2) =	vadd.scan.msk.f32 $0xffff, v3  }
0x1dd: {  	v18 =	vld [tilespmem:$0x1FFB0];
	v5 =	vadd.f32 v28, v5;
	v28 =	vmul.f32 v31, v32;
	v31 =	vmul.f32 v52, v22;
	(xrf2) =	vadd.scan.msk.f32 $0xffff, v1  }
0x1de: {  	v45 =	vld [tilespmem:$0x14E0];
	v15 =	vadd.f32 v46, v15;
	v42 =	vmul.f32 v58, v23;
	(xrf2) =	vadd.scan.msk.f32 $0xffff, v14;
	v57 =	vmul.f32 v40, v7  }
0x1df: {  	v63 =	vld [tilespmem:$0x14C0];
	v59 =	vadd.f32 v53, v10;
	v10 =	vmul.f32 v60, v27;
	v7 =	vmul.f32 v47, v7;
	(xrf2) =	vadd.scan.msk.f32 $0xffff, v13  }
0x1e0: {  	v41 =	vld [tilespmem:$0x1460];
	v53 =	vmul.f32 v24, v38;
	v55 =	vadd.f32 v51, v15;
	(xrf2) =	vadd.scan.msk.f32 $0xffff, v0;
	v15 =	vadd.f32 v57, v56  }
0x1e1: {  	v48 =	vld [tilespmem:$0x1470];
	v5 =	vadd.f32 v29, v5;
	v39 =	vmul.f32 v54, v23;
	v6 =	vadd.f32 v7, v6;
	(xrf2) =	vadd.scan.msk.f32 $0xffff, v12  }
0x1e2: {  	v40 =	vld [tilespmem:$0x14D0];
	v1 =	vadd.f32 v28, v59;
	v47 =	vmul.f32 v25, v38;
	v43, _, _ =	vpop (xrf2);
	(xrf2) =	vadd.scan.msk.f32 $0xffff, v20;
	v37 =	vadd.f32 v62, v15  }
0x1e3: {  	v51 =	vld [tilespmem:$0x14F0];
	v59 =	vmul.f32 v45, v36;
	v35 =	vadd.f32 v61, v55;
	v6 =	vadd.f32 v31, v6;
	v46, _, _ =	vpop (xrf2);
	(xrf2) =	vadd.scan.msk.f32 $0xffff, v19  }
0x1e4: {  	v17 =	vmul.f32 v63, v27;
	v1 =	vadd.f32 v44, v1;
	v49, _, _ =	vpop (xrf2);
	(xrf2) =	vadd.scan.msk.f32 $0xffff, v9;
	v3 =	vadd.f32 v39, v37  }
0x1e5: {  	v56 =	vmul.f32 v41, v36;
	v0 =	vadd.f32 v47, v35;
	v6 =	vadd.f32 v42, v6;
	v52, _, _ =	vpop (xrf2);
	(xrf2) =	vadd.scan.msk.f32 $0xffff, v8  }
0x1e6: {  	v1 =	vadd.f32 v53, v1;
	v61 =	vbroadcast v43, $0xF;
	v54, _, _ =	vpop (xrf2);
	(xrf2) =	vadd.scan.msk.f32 $0xffff, v2;
	v3 =	vadd.f32 v10, v3  }
0x1e7: {  	v27 =	vld [tilespmem:$0x1FFC0];
	v62 =	vmul.f32 v48, v38;
	v15 =	vmul.f32 v40, v32;
	v6 =	vadd.f32 v17, v6;
	v57, _, _ =	vpop (xrf2);
	(xrf2) =	vadd.scan.msk.f32 $0xffff, v4  }
0x1e8: {  	v14 =	vmul.f32 v51, v38;
	v9 =	vsel vm1, v18, v61;
	v60, _, _ =	vpop (xrf2);
	v55 =	vadd.f32 v50, v3  }
0x1e9: {  	v29 =	vld [tilespmem:$0x1FFD0];
	v21 =	vbroadcast v49, $0xF;
	v25 =	vbroadcast v52, $0xF;
	(xrf2) =	vadd.scan.msk.f32 $0xffff, v11;
	v58 =	vadd.f32 v15, v6;
	v63, _, _ =	vpop (xrf2)  }
0x1ea: {  	v33 =	vld [tilespmem:$0x1FFE0];
	v28 =	vbroadcast v54, $0xF;
	(xrf2) =	vadd.scan.msk.f32 $0xffff, v5;
	v15 =	vbroadcast v46, $0xF;
	v19, _, _ =	vpop (xrf2);
	v2 =	vadd.f32 v56, v55  }
0x1eb: {  	v30 =	vbroadcast v57, $0xF;
	v34 =	vbroadcast v60, $0xF;
	(xrf2) =	vadd.scan.msk.f32 $0xffff, v0;
	v4 =	vadd.f32 v59, v58;
	v23, _, _ =	vpop (xrf2)  }
0x1ec: {  	v38 =	vld [tilespmem:$0x1FFF0];
	v0 =	vbroadcast v27, $0xF;
	v22 =	vsel vm2, v9, v15;
	v26, _, _ =	vpop (xrf2);
	v20 =	vadd.f32 v62, v2  }
0x1ed: {  	v36 =	vbroadcast v63, $0xF;
	(xrf2) =	vadd.scan.msk.f32 $0xffff, v1;
	v24 =	vadd.f32 v14, v4;
	v2 =	vsel vm3, v22, v21;
	v31, _, _ =	vpop (xrf2)  }
0x1ee: {  	v9 =	vbroadcast v29, $0xF;
	v39 =	vbroadcast v19, $0xF;
	v2 =	vsel vm4, v2, v25;
	v32, _, _ =	vpop (xrf2);
	(xrf2) =	vadd.scan.msk.f32 $0xffff, v20  }
0x1ef: {  	v0 =	vsel vm12, v33, v0;
	v41 =	vbroadcast v23, $0xF;
	v2 =	vsel vm5, v2, v28;
	v35, _, _ =	vpop (xrf2);
	(xrf2) =	vadd.scan.msk.f32 $0xffff, v24  }
0x1f0: {  	v0 =	vsel vm13, v0, v9;
	v3 =	vbroadcast v26, $0xF;
	v2 =	vsel vm6, v2, v30;
	v37, _, _ =	vpop (xrf2)  }
0x1f1: {  	v0 =	vsel vm14, v0, v38;
	v2 =	vsel vm7, v2, v34;
	v40, _, _ =	vpop (xrf2);
	v42 =	vbroadcast v37, $0xF  }
0x1f2: {  	v49 =	vld [tilespmem:$0x1500];
	v7 =	vbroadcast v31, $0xF;
	v2 =	vsel vm8, v2, v36;
	v44 =	vbroadcast v40, $0xF  }
0x1f3: {  	v1 =	vbroadcast v32, $0xF;
	v43, _, _ =	vpop (xrf2);
	v2 =	vsel vm9, v2, v39;
	v46 =	vnsel vm0, $0x0, v42  }
0x1f4: {  	v45, _, _ =	vpop (xrf2);
	v47 =	vbroadcast v43, $0xF;
	v2 =	vsel vm10, v2, v41;
	v50 =	vsel vm15, v46, v44  }
0x1f5: {  	v48, _, _ =	vpop (xrf2);
	v51 =	vbroadcast v45, $0xF;
	vm15 =	vcmask $0x720;
	v2 =	vsel vm11, v2, v3  }
0x1f6: {  	v3 =	vsel vm15, v50, v47;
	v54 =	vbroadcast v48, $0xF;
	vm15 =	vcmask $0xB20  }
0x1f7: {  	v53 =	vld [tilespmem:$0x1510];
	v0 =	vadd.f32 v0, v49;
	v52, _, _ =	vpop (xrf2);
	v3 =	vsel vm15, v3, v51;
	vm15 =	vcmask $0xF20  }
0x1f8: {  	v57 =	vld [tilespmem:$0x1520];
	v56 =	vbroadcast v52, $0xF;
	v2 =	vsel vm12, v2, v7;
	v3 =	vsel vm15, v3, v54;
	v55, _, _ =	vpop (xrf2)  }
0x1f9: {  	v1 =	vsel vm13, v2, v1;
	vm15 =	vcmask $0x1320;
	v58 =	vbroadcast v55, $0xF;
	v59, _, _ =	vpop (xrf2)  }
0x1fa: {  	v60 =	vsel vm15, v3, v56;
	vm15 =	vcmask $0x1720;
	v61 =	vbroadcast v59, $0xF  }
0x1fb: {  	v1 =	vsel vm14, v1, v35;
	v2 =	vsel vm15, v60, v58;
	vm15 =	vcmask $0x1B20  }
0x1fc: {  	v1 =	vadd.f32 v1, v53;
	v2 =	vsel vm15, v2, v61  }
0x1fd: {  	v0 =	vmax.f32 v0, $0.0e+00;
	v2 =	vadd.f32 v2, v57  }
0x1fe: {  	[tilespmem:$0x1580] =	vst v0;
	v62 =	vmax.f32 v1, $0.0e+00  }
0x1ff: {  	p0 =	sne.s32 s8, $0x1;
	[tilespmem:$0x1590] =	vst v62;
	v63 =	vmax.f32 v2, $0.0e+00  }
.Ltmp1:
0x200: {  	[tilespmem:$0x15A0] =	vst v63;
	(pc) =	sbr.rel @p0 .LBB2_2-.Ltmp1, $4  }
0x201: {  	[hbm4b:s7+s4] =	stream.linear.scatter [tilespmem:s14], [sflag:$0x2], $0x28, $0x38;
	[tilespmem:$0x1600] =	vst v63  }
0x202: {  	_ =	swait.ge [sflag:s9], $0x28  }
0x203: {  	[sflag:s9] =	ssyncset.done $0x0  }
0x204: {  	s8 =	sadd.s32 $0xFFFFFFFF, s8;
	[sflag:s9] =	ssyncadd.s32 $0xFFFFFFD8  }
.LBB2_3:
0x205: {  	_ =	sfence.sel $0x180000  }
0x206: {  	[bflag:$0x0] =	sbarrier.arrive $0xFFFF  }
0x207: {  	p0 =	sne.s32 s1, $0x0;
	_ =	strace $0x90000047  }
0x208: {  	s0 =	sadd.s32 @!p0 $0x100000, s3;
	[bflag:$0x2] =	sbarrier.arrive $0xFFFF  }
0x209: {  	[sflag:s0] =	ssyncadd.tile.s32 @!p0 $0x1;
	_ =	shalt  }
.Lfunc_end2:
_tile_overlayer_lowered:
.L_overlay_start_2:
0x20a: {  	(tag) =	ssettag $0x2  }
0x20b: {  	s0 =	rddreg [dreg:$0x0];
	s2 =	stileid.u32  }
0x20c: {  	s1 =	rddreg [dreg:$0x1];
	p0 =	sne.s32 s2, $0x0  }
0x20d: {  	s3 =	rddreg [dreg:$0x2];
	[bflag:$0x3] =	sbarrier.arrive $0xFFFF;
	s2 =	simm.s32 @!p0 $0x1C02  }
0x20e: {  	[timem:s3], [sflag:s2] =	dma.local @!p0 [hbm:s0], s1  }
0x20f: {  	s0 =	simm.s32 @!p0 $0x2  }
0x210: {  	_ =	swait.ge @!p0 [sflag:s0], s1  }
0x211: {  	s1 =	ssub.s32 @!p0 $0x0, s1;
	[sflag:s0] =	ssyncset.done @!p0 $0x0  }
0x212: {  	[sflag:s0] =	ssyncadd.s32 @!p0 s1  }
0x213: {  	[bflag:$0x3] =	sbarrier.arrive $0xFFFF  }
0x214: {  	_ =	shalt  }

</sc_bundles>
